<compile_context>
chip_gen: v7x
topology: tpu7x:2x2x1
jax: 0.10.2.dev20260603
libtpu: 0.0.44.dev20260713+nightly
codegen_flags: <defaults>
</compile_context>

<pallas_src>
import functools

import jax
import jax.numpy as jnp
from jax import lax
from jax.experimental import pallas as pl
from jax.experimental.pallas import tpu as pltpu
from jax.experimental.pallas import tpu_sc as plsc

N_NODES = 10000
D = 128
NP = 10240
NC = 2
NS = 16
NW = NC * NS
BATCH = 64
NBUF = 4
ROWS_PER_TILE = NP // NS


def _sc_aggregate(nb, with_counts):
    mesh = plsc.VectorSubcoreMesh(core_axis_name="c", subcore_axis_name="s")

    C = 16
    nch = nb // C
    out_type = [jax.ShapeDtypeStruct((NC, NP, D), jnp.float32)]
    scratch = [
        pltpu.VMEM((3, C, BATCH), jnp.int32),
        pltpu.VMEM((3, C, BATCH), jnp.int32),
        pltpu.VMEM((NBUF, BATCH, D), jnp.float32),
        pltpu.VMEM((16, D), jnp.float32),
        pltpu.VMEM_SHARED((NP, D), jnp.float32),
        pltpu.SemaphoreType.DMA,
        pltpu.SemaphoreType.DMA,
        pltpu.SemaphoreType.DMA,
    ]
    if with_counts:
        out_type.append(jax.ShapeDtypeStruct((NC, NP), jnp.float32))
        scratch += [
            pltpu.VMEM((ROWS_PER_TILE,), jnp.float32),
            pltpu.VMEM((BATCH,), jnp.float32),
            pltpu.VMEM_SHARED((NP,), jnp.float32),
            pltpu.SemaphoreType.DMA,
        ]

    @functools.partial(
        pl.kernel,
        out_type=tuple(out_type),
        mesh=mesh,
        scratch_types=scratch,
    )
    def k(x_hbm, src_hbm, dst_hbm, acc_hbm, *rest):
        if with_counts:
            (cnt_hbm, src_v, dst_v, rows_v, zb_v, acc_sh, sem_g, sem_s,
             sem_i, zc_v, ones_v, cnt_sh, sem_c) = rest
        else:
            (src_v, dst_v, rows_v, zb_v, acc_sh, sem_g, sem_s,
             sem_i) = rest
        cid = lax.axis_index("c")
        sid = lax.axis_index("s")
        wid = cid * NS + sid
        r0 = sid * ROWS_PER_TILE

        def issue_idx_load(ch, p):
            rows = pl.ds(pl.multiple_of(wid * nb + ch * C, 16), C)
            pltpu.async_copy(src_hbm.at[rows], src_v.at[p], sem_i)
            pltpu.async_copy(dst_hbm.at[rows], dst_v.at[p], sem_i)

        def wait_idx_load(p):
            rows = pl.ds(wid * nb, C)
            pltpu.make_async_copy(src_hbm.at[rows], src_v.at[p], sem_i).wait()
            pltpu.make_async_copy(dst_hbm.at[rows], dst_v.at[p], sem_i).wait()

        issue_idx_load(0, 0)

        @pl.loop(0, 16)
        def _(r):
            @pl.loop(0, D, step=16)
            def _(c0):
                zb_v[r, pl.ds(c0, 16)] = jnp.zeros((16,), jnp.float32)

        if with_counts:
            @pl.loop(0, ROWS_PER_TILE, step=16)
            def _(i):
                zc_v[pl.ds(i, 16)] = jnp.zeros((16,), jnp.float32)

            @pl.loop(0, BATCH, step=16)
            def _(i):
                ones_v[pl.ds(i, 16)] = jnp.ones((16,), jnp.float32)

        @pl.loop(0, ROWS_PER_TILE, step=16)
        def _(r):
            pltpu.async_copy(zb_v, acc_sh.at[pl.ds(r0 + r, 16)], sem_s)
        if with_counts:
            pltpu.async_copy(zc_v, cnt_sh.at[pl.ds(r0, ROWS_PER_TILE)], sem_c)

        @pl.loop(0, ROWS_PER_TILE, step=16)
        def _(r):
            pltpu.make_async_copy(zb_v, acc_sh.at[pl.ds(r0, 16)], sem_s).wait()
        if with_counts:
            pltpu.make_async_copy(zc_v, cnt_sh.at[pl.ds(r0, ROWS_PER_TILE)],
                                  sem_c).wait()

        plsc.subcore_barrier()

        def wait_gather(p):
            pltpu.make_async_copy(x_hbm.at[src_v.at[0, 0]], rows_v.at[p],
                                  sem_g).wait()

        def wait_scatter(p):
            pltpu.make_async_copy(rows_v.at[p], acc_sh.at[dst_v.at[0, 0]],
                                  sem_s).wait()

        def issue_gather(g):
            c = lax.div(g, C)
            q = lax.rem(c, 3)

            @pl.when(lax.rem(g, C) == 0)
            def _():
                wait_idx_load(q)

                @pl.when(c + 1 < nch)
                def _():
                    issue_idx_load(c + 1, lax.rem(c + 1, 3))

            pltpu.async_copy(x_hbm.at[src_v.at[q, lax.rem(g, C)]],
                             rows_v.at[lax.rem(g, NBUF)], sem_g)

        for g0 in range(NBUF - 1):
            issue_gather(jnp.int32(g0))

        @pl.loop(0, nb)
        def _(j):
            r = lax.rem(j, NBUF)
            q = lax.rem(lax.div(j, C), 3)
            jj = lax.rem(j, C)
            wait_gather(r)
            pltpu.async_copy(rows_v.at[r], acc_sh.at[dst_v.at[q, jj]], sem_s,
                             add=True)
            if with_counts:
                pltpu.async_copy(ones_v, cnt_sh.at[dst_v.at[q, jj]], sem_c,
                                 add=True)

            g = j + NBUF - 1

            @pl.when(g < nb)
            def _():
                @pl.when(j >= 1)
                def _():
                    wait_scatter(lax.rem(j - 1, NBUF))

                issue_gather(g)

        @pl.loop(0, min(NBUF, nb))
        def _(k):
            wait_scatter(lax.rem(k, NBUF))

        if with_counts:
            @pl.loop(0, nb)
            def _(j):
                pltpu.make_async_copy(ones_v, cnt_sh.at[dst_v.at[0, 0]],
                                      sem_c).wait()

        plsc.subcore_barrier()

        pltpu.async_copy(acc_sh.at[pl.ds(r0, ROWS_PER_TILE)],
                         acc_hbm.at[cid, pl.ds(r0, ROWS_PER_TILE)], sem_s)
        if with_counts:
            pltpu.async_copy(cnt_sh.at[pl.ds(r0, ROWS_PER_TILE)],
                             cnt_hbm.at[cid, pl.ds(r0, ROWS_PER_TILE)], sem_c)
        pltpu.make_async_copy(acc_sh.at[pl.ds(r0, ROWS_PER_TILE)],
                              acc_hbm.at[cid, pl.ds(r0, ROWS_PER_TILE)],
                              sem_s).wait()
        if with_counts:
            pltpu.make_async_copy(cnt_sh.at[pl.ds(r0, ROWS_PER_TILE)],
                                  cnt_hbm.at[cid, pl.ds(r0, ROWS_PER_TILE)],
                                  sem_c).wait()

    return k


def _tc_combine(acc, cnt3, xp, W_l, b_l2, W_r):
    R = 1024

    def body(acc_ref, cnt_ref, x_ref, wl_ref, bl_ref, wr_ref, o_ref):
        s = acc_ref[0] + acc_ref[1]
        c = cnt_ref[0] + cnt_ref[1]
        mean = s * (1.0 / jnp.maximum(c, 1.0))
        y = lax.dot_general(mean, wl_ref[...],
                            (((1,), (1,)), ((), ())),
                            preferred_element_type=jnp.float32)
        y = y + lax.dot_general(x_ref[...], wr_ref[...],
                                (((1,), (1,)), ((), ())),
                                preferred_element_type=jnp.float32)
        y = y + bl_ref[...]
        o_ref[...] = jnp.where(y >= 0.0, y, 0.01 * y)

    return pl.pallas_call(
        body,
        grid=(NP // R,),
        in_specs=[
            pl.BlockSpec((NC, R, D), lambda i: (0, i, 0)),
            pl.BlockSpec((NC, R, 1), lambda i: (0, i, 0)),
            pl.BlockSpec((R, D), lambda i: (i, 0)),
            pl.BlockSpec((D, D), lambda i: (0, 0)),
            pl.BlockSpec((1, D), lambda i: (0, 0)),
            pl.BlockSpec((D, D), lambda i: (0, 0)),
        ],
        out_specs=pl.BlockSpec((R, D), lambda i: (i, 0)),
        out_shape=jax.ShapeDtypeStruct((NP, D), jnp.float32),
    )(acc, cnt3, xp, W_l, b_l2, W_r)


def kernel(x, edge_index, W_l0, b_l0, W_r0, W_l1, b_l1, W_r1):
    E = edge_index.shape[1]
    nb = -(-E // (NW * BATCH))
    nb = -(-nb // 16) * 16
    e_pad = NW * nb * BATCH

    src = edge_index[0].astype(jnp.int32)
    dst = edge_index[1].astype(jnp.int32)
    src = jnp.pad(src, (0, e_pad - E)).reshape(NW * nb, BATCH)
    dst = jnp.pad(dst, (0, e_pad - E),
                  constant_values=N_NODES).reshape(NW * nb, BATCH)

    xp = jnp.pad(x, ((0, NP - N_NODES), (0, 0)))
    b_l0_2 = b_l0.reshape(1, D)
    b_l1_2 = b_l1.reshape(1, D)

    acc0, cnt = _sc_aggregate(nb, True)(xp, src, dst)
    cnt3 = cnt.reshape(NC, NP, 1)
    h = _tc_combine(acc0, cnt3, xp, W_l0, b_l0_2, W_r0)
    (acc1,) = _sc_aggregate(nb, False)(h, src, dst)
    out = _tc_combine(acc1, cnt3, h, W_l1, b_l1_2, W_r1)
    return out[:N_NODES]

# --- scband reference (transcript-rebuilt; emitter-appended) ---
"""Pipeline reference for scband-gnn-16106127360584 (READ-ONLY COPY).

The authoritative reference and input builder live on the scoring server;
editing this copy changes nothing except your own understanding.
"""

import jax, jax.numpy as jnp
import numpy as np

N_NODES = 10000
N_EDGES = 320000
D = 128


def _sage_conv(x, edge_index, W_l, b_l, W_r):
    # PyG SAGEConv with mean aggregation:
    #   out = lin_l(mean_{j in N(i)} x_j) + lin_r(x_i)
    src = edge_index[0]
    dst = edge_index[1]
    msgs = jnp.take(x, src, axis=0)
    summed = jax.ops.segment_sum(msgs, dst, num_segments=N_NODES)
    counts = jax.ops.segment_sum(jnp.ones((msgs.shape[0],), dtype=x.dtype), dst, num_segments=N_NODES)
    mean = summed / jnp.maximum(counts, 1.0)[:, None]
    return mean @ W_l.T + b_l + x @ W_r.T


def setup_inputs(seed: int = 0) -> dict:
    key = jax.random.key(seed)
    k = jax.random.split(key, 8)
    x = jax.random.normal(k[0], (N_NODES, D), dtype=jnp.float32)
    edge_index = jax.random.randint(k[1], (2, N_EDGES), 0, N_NODES, dtype=jnp.int64)
    scale = 1.0 / np.sqrt(D)
    W_l0 = jax.random.uniform(k[2], (D, D), dtype=jnp.float32, minval=-scale, maxval=scale)
    b_l0 = jnp.zeros((D,), dtype=jnp.float32)
    W_r0 = jax.random.uniform(k[3], (D, D), dtype=jnp.float32, minval=-scale, maxval=scale)
    W_l1 = jax.random.uniform(k[4], (D, D), dtype=jnp.float32, minval=-scale, maxval=scale)
    b_l1 = jnp.zeros((D,), dtype=jnp.float32)
    W_r1 = jax.random.uniform(k[5], (D, D), dtype=jnp.float32, minval=-scale, maxval=scale)
    return {"x": x, "edge_index": edge_index, "W_l0": W_l0, "b_l0": b_l0, "W_r0": W_r0, "W_l1": W_l1, "b_l1": b_l1, "W_r1": W_r1}


def reference(x, edge_index, W_l0, b_l0, W_r0, W_l1, b_l1, W_r1):
    h = _sage_conv(x, edge_index, W_l0, b_l0, W_r0)
    h = jax.nn.leaky_relu(h, negative_slope=0.01)
    h = _sage_conv(h, edge_index, W_l1, b_l1, W_r1)
    h = jax.nn.leaky_relu(h, negative_slope=0.01)
    return h

if __name__ == "__main__":
    import jax
    _d = setup_inputs()
    print(jax.jit(kernel)(*tuple(_d.values())))

</pallas_src>

<mosaic_0001>
#map = affine_map<(d0, d1) -> (0, 0)>
#map1 = affine_map<(d0, d1) -> (0, 0, 0)>
module attributes {stable_mosaic.version = 14 : i64} {
  func.func @k(%arg0: i32, %arg1: i32, %arg2: memref<10240x128xf32, #tpu.memory_space<hbm>>, %arg3: memref<5120x64xi32, #tpu.memory_space<hbm>>, %arg4: memref<5120x64xi32, #tpu.memory_space<hbm>>, %arg5: memref<2x10240x128xf32, #tpu.memory_space<hbm>>, %arg6: memref<2x10240xf32, #tpu.memory_space<hbm>>, %arg7: memref<3x16x64xi32, #tpu.memory_space<vmem>>, %arg8: memref<3x16x64xi32, #tpu.memory_space<vmem>>, %arg9: memref<4x64x128xf32, #tpu.memory_space<vmem>>, %arg10: memref<16x128xf32, #tpu.memory_space<vmem>>, %arg11: memref<10240x128xf32, #tpu.memory_space<vmem_shared>>, %arg12: memref<!tpu.dma_semaphore, #tpu.memory_space<semaphore_mem>>, %arg13: memref<!tpu.dma_semaphore, #tpu.memory_space<semaphore_mem>>, %arg14: memref<!tpu.dma_semaphore, #tpu.memory_space<semaphore_mem>>, %arg15: memref<640xf32, #tpu.memory_space<vmem>>, %arg16: memref<64xf32, #tpu.memory_space<vmem>>, %arg17: memref<10240xf32, #tpu.memory_space<vmem_shared>>, %arg18: memref<!tpu.dma_semaphore, #tpu.memory_space<semaphore_mem>>) attributes {dimension_semantics = [#tpu.dimension_semantics<core_parallel>, #tpu.dimension_semantics<subcore_parallel>], iteration_bounds = array<i64: 2, 16>, scalar_prefetch = 0 : i64, scratch_operands = 12 : i64, tpu.core_type = #tpu.core_type<sc_vector_subcore>, window_params = [{transform_indices = #map}, {transform_indices = #map}, {transform_indices = #map}, {transform_indices = #map1}, {transform_indices = #map}]} {
    %mul3A = arith.constant 16 : i32
    %mul3A_0 = arith.muli %arg0, %mul3A : i32
    %add3A = arith.addi %mul3A_0, %arg1 : i32
    %mul3A_1 = arith.constant 640 : i32
    %mul3A_2 = arith.muli %arg1, %mul3A_1 : i32
    %mul3A_3 = arith.constant 160 : i32
    %mul3A_4 = arith.muli %add3A, %mul3A_3 : i32
    %add3A_5 = arith.constant 0 : i32
    %add3A_6 = arith.addi %mul3A_4, %add3A_5 : i32
    %multiple_of3A = tpu.assume_multiple %add3A_6, 16 : i32
    %dma_start3A = arith.constant 0 : i32
    %dma_start3A_7 = arith.constant 0 : i32
    %dma_start3A_8 = arith.constant 0 : i32
    %dma_start3A_9 = tpu.memref_slice %arg7[%dma_start3A, %dma_start3A_7, %dma_start3A_8] : memref<3x16x64xi32, #tpu.memory_space<vmem>> -> memref<1x16x64xi32, #tpu.memory_space<vmem>>
    %dma_start3A_10 = tpu.memref_squeeze %dma_start3A_9 : memref<1x16x64xi32, #tpu.memory_space<vmem>> -> memref<16x64xi32, #tpu.memory_space<vmem>>
    %dma_start3A_11 = arith.constant 0 : i32
    %dma_start3A_12 = tpu.memref_slice %arg3[%multiple_of3A, %dma_start3A_11] : memref<5120x64xi32, #tpu.memory_space<hbm>> -> memref<16x64xi32, #tpu.memory_space<hbm>>
    %dma_start3A_13 = arith.constant 0 : i32
    %dma_start3A_14 = arith.constant 0 : i32
    %dma_start3A_15 = tpu.memref_slice %arg7[%dma_start3A, %dma_start3A_13, %dma_start3A_14] : memref<3x16x64xi32, #tpu.memory_space<vmem>> -> memref<1x16x64xi32, #tpu.memory_space<vmem>>
    %dma_start3A_16 = tpu.memref_squeeze %dma_start3A_15 : memref<1x16x64xi32, #tpu.memory_space<vmem>> -> memref<16x64xi32, #tpu.memory_space<vmem>>
    %dma_start3A_17 = arith.constant 0 : i32
    %dma_start3A_18 = tpu.memref_slice %arg3[%multiple_of3A, %dma_start3A_17] : memref<5120x64xi32, #tpu.memory_space<hbm>> -> memref<16x64xi32, #tpu.memory_space<hbm>>
    tpu.enqueue_dma source(%dma_start3A_18 : memref<16x64xi32, #tpu.memory_space<hbm>>) target(%dma_start3A_16 : memref<16x64xi32, #tpu.memory_space<vmem>>) target_semaphore(%arg14 : memref<!tpu.dma_semaphore, #tpu.memory_space<semaphore_mem>>)
    %dma_start3A_19 = arith.constant 0 : i32
    %dma_start3A_20 = arith.constant 0 : i32
    %dma_start3A_21 = arith.constant 0 : i32
    %dma_start3A_22 = tpu.memref_slice %arg8[%dma_start3A_19, %dma_start3A_20, %dma_start3A_21] : memref<3x16x64xi32, #tpu.memory_space<vmem>> -> memref<1x16x64xi32, #tpu.memory_space<vmem>>
    %dma_start3A_23 = tpu.memref_squeeze %dma_start3A_22 : memref<1x16x64xi32, #tpu.memory_space<vmem>> -> memref<16x64xi32, #tpu.memory_space<vmem>>
    %dma_start3A_24 = arith.constant 0 : i32
    %dma_start3A_25 = tpu.memref_slice %arg4[%multiple_of3A, %dma_start3A_24] : memref<5120x64xi32, #tpu.memory_space<hbm>> -> memref<16x64xi32, #tpu.memory_space<hbm>>
    %dma_start3A_26 = arith.constant 0 : i32
    %dma_start3A_27 = arith.constant 0 : i32
    %dma_start3A_28 = tpu.memref_slice %arg8[%dma_start3A_19, %dma_start3A_26, %dma_start3A_27] : memref<3x16x64xi32, #tpu.memory_space<vmem>> -> memref<1x16x64xi32, #tpu.memory_space<vmem>>
    %dma_start3A_29 = tpu.memref_squeeze %dma_start3A_28 : memref<1x16x64xi32, #tpu.memory_space<vmem>> -> memref<16x64xi32, #tpu.memory_space<vmem>>
    %dma_start3A_30 = arith.constant 0 : i32
    %dma_start3A_31 = tpu.memref_slice %arg4[%multiple_of3A, %dma_start3A_30] : memref<5120x64xi32, #tpu.memory_space<hbm>> -> memref<16x64xi32, #tpu.memory_space<hbm>>
    tpu.enqueue_dma source(%dma_start3A_31 : memref<16x64xi32, #tpu.memory_space<hbm>>) target(%dma_start3A_29 : memref<16x64xi32, #tpu.memory_space<vmem>>) target_semaphore(%arg14 : memref<!tpu.dma_semaphore, #tpu.memory_space<semaphore_mem>>)
    %scan3A = arith.constant 0 : i32
    %scan3A_32 = arith.constant 16 : i32
    %scan3A_33 = arith.addi %scan3A, %scan3A_32 : i32
    %scan3A_34 = arith.constant 1 : i32
    scf.for %scan3A_173 = %scan3A to %scan3A_33 step %scan3A_34  : i32 {
      %mul3A_174 = arith.constant 1 : i32
      %mul3A_175 = arith.muli %scan3A_173, %mul3A_174 : i32
      %add3A_176 = arith.constant 0 : i32
      %add3A_177 = arith.addi %add3A_176, %mul3A_175 : i32
      %scan3A_178 = arith.constant 0 : i32
      %scan3A_179 = arith.constant 8 : i32
      %scan3A_180 = arith.addi %scan3A_178, %scan3A_179 : i32
      %scan3A_181 = arith.constant 1 : i32
      scf.for %scan3A_183 = %scan3A_178 to %scan3A_180 step %scan3A_181  : i32 {
        %mul3A_184 = arith.constant 16 : i32
        %mul3A_185 = arith.muli %scan3A_183, %mul3A_184 : i32
        %add3A_186 = arith.constant 0 : i32
        %add3A_187 = arith.addi %add3A_186, %mul3A_185 : i32
        %broadcast_in_dim3A = arith.constant 0.000000e+00 : f32
        %broadcast_in_dim3A_188 = vector.broadcast %broadcast_in_dim3A : f32 to vector<16xf32>
        %swap3A = arith.index_cast %add3A_177 : i32 to index
        %swap3A_189 = arith.index_cast %add3A_187 : i32 to index
        %swap3A_190 = tpu.vector_load %arg10[%swap3A, %swap3A_189] {strides = array<i32>} : memref<16x128xf32, #tpu.memory_space<vmem>>, vector<1x16xf32>,
        %swap3A_191 = vector.shape_cast %swap3A_190 : vector<1x16xf32> to vector<16xf32>
        %swap3A_192 = vector.shape_cast %broadcast_in_dim3A_188 : vector<16xf32> to vector<1x16xf32>
        tpu.vector_store %arg10[%swap3A, %swap3A_189], %swap3A_192 {strides = array<i32>} : memref<16x128xf32, #tpu.memory_space<vmem>>, vector<1x16xf32>,
      }
      %scan3A_182 = arith.constant 8 : i32
    }
    %scan3A_35 = arith.constant 16 : i32
    %scan3A_36 = arith.constant 0 : i32
    %scan3A_37 = arith.constant 40 : i32
    %scan3A_38 = arith.addi %scan3A_36, %scan3A_37 : i32
    %scan3A_39 = arith.constant 1 : i32
    scf.for %scan3A_173 = %scan3A_36 to %scan3A_38 step %scan3A_39  : i32 {
      %mul3A_174 = arith.constant 16 : i32
      %mul3A_175 = arith.muli %scan3A_173, %mul3A_174 : i32
      %add3A_176 = arith.constant 0 : i32
      %add3A_177 = arith.addi %add3A_176, %mul3A_175 : i32
      %broadcast_in_dim3A = arith.constant 0.000000e+00 : f32
      %broadcast_in_dim3A_178 = vector.broadcast %broadcast_in_dim3A : f32 to vector<16xf32>
      %swap3A = arith.index_cast %add3A_177 : i32 to index
      %swap3A_179 = tpu.vector_load %arg15[%swap3A] {strides = array<i32>} : memref<640xf32, #tpu.memory_space<vmem>>, vector<16xf32>,
      %swap3A_180 = vector.shape_cast %swap3A_179 : vector<16xf32> to vector<16xf32>
      %swap3A_181 = vector.shape_cast %broadcast_in_dim3A_178 : vector<16xf32> to vector<16xf32>
      tpu.vector_store %arg15[%swap3A], %swap3A_181 {strides = array<i32>} : memref<640xf32, #tpu.memory_space<vmem>>, vector<16xf32>,
    }
    %scan3A_40 = arith.constant 40 : i32
    %scan3A_41 = arith.constant 0 : i32
    %scan3A_42 = arith.constant 4 : i32
    %scan3A_43 = arith.addi %scan3A_41, %scan3A_42 : i32
    %scan3A_44 = arith.constant 1 : i32
    scf.for %scan3A_173 = %scan3A_41 to %scan3A_43 step %scan3A_44  : i32 {
      %mul3A_174 = arith.constant 16 : i32
      %mul3A_175 = arith.muli %scan3A_173, %mul3A_174 : i32
      %add3A_176 = arith.constant 0 : i32
      %add3A_177 = arith.addi %add3A_176, %mul3A_175 : i32
      %broadcast_in_dim3A = arith.constant 1.000000e+00 : f32
      %broadcast_in_dim3A_178 = vector.broadcast %broadcast_in_dim3A : f32 to vector<16xf32>
      %swap3A = arith.index_cast %add3A_177 : i32 to index
      %swap3A_179 = tpu.vector_load %arg16[%swap3A] {strides = array<i32>} : memref<64xf32, #tpu.memory_space<vmem>>, vector<16xf32>,
      %swap3A_180 = vector.shape_cast %swap3A_179 : vector<16xf32> to vector<16xf32>
      %swap3A_181 = vector.shape_cast %broadcast_in_dim3A_178 : vector<16xf32> to vector<16xf32>
      tpu.vector_store %arg16[%swap3A], %swap3A_181 {strides = array<i32>} : memref<64xf32, #tpu.memory_space<vmem>>, vector<16xf32>,
    }
    %scan3A_45 = arith.constant 4 : i32
    %scan3A_46 = arith.constant 0 : i32
    %scan3A_47 = arith.constant 40 : i32
    %scan3A_48 = arith.addi %scan3A_46, %scan3A_47 : i32
    %scan3A_49 = arith.constant 1 : i32
    scf.for %scan3A_173 = %scan3A_46 to %scan3A_48 step %scan3A_49  : i32 {
      %mul3A_174 = arith.constant 16 : i32
      %mul3A_175 = arith.muli %scan3A_173, %mul3A_174 : i32
      %add3A_176 = arith.constant 0 : i32
      %add3A_177 = arith.addi %add3A_176, %mul3A_175 : i32
      %add3A_178 = arith.addi %mul3A_2, %add3A_177 : i32
      %dma_start3A_179 = arith.constant 0 : i32
      %dma_start3A_180 = tpu.memref_slice %arg11[%add3A_178, %dma_start3A_179] : memref<10240x128xf32, #tpu.memory_space<vmem_shared>> -> memref<16x128xf32, #tpu.memory_space<vmem_shared>>
      %dma_start3A_181 = arith.constant 0 : i32
      %dma_start3A_182 = tpu.memref_slice %arg11[%add3A_178, %dma_start3A_181] : memref<10240x128xf32, #tpu.memory_space<vmem_shared>> -> memref<16x128xf32, #tpu.memory_space<vmem_shared>>
      tpu.enqueue_dma source(%arg10 : memref<16x128xf32, #tpu.memory_space<vmem>>) target(%dma_start3A_182 : memref<16x128xf32, #tpu.memory_space<vmem_shared>>) target_semaphore(%arg13 : memref<!tpu.dma_semaphore, #tpu.memory_space<semaphore_mem>>)
    }
    %scan3A_50 = arith.constant 40 : i32
    %dma_start3A_51 = tpu.memref_slice %arg17[%mul3A_2] : memref<10240xf32, #tpu.memory_space<vmem_shared>> -> memref<640xf32, #tpu.memory_space<vmem_shared>>
    %dma_start3A_52 = tpu.memref_slice %arg17[%mul3A_2] : memref<10240xf32, #tpu.memory_space<vmem_shared>> -> memref<640xf32, #tpu.memory_space<vmem_shared>>
    tpu.enqueue_dma source(%arg15 : memref<640xf32, #tpu.memory_space<vmem>>) target(%dma_start3A_52 : memref<640xf32, #tpu.memory_space<vmem_shared>>) target_semaphore(%arg18 : memref<!tpu.dma_semaphore, #tpu.memory_space<semaphore_mem>>)
    %scan3A_53 = arith.constant 0 : i32
    %scan3A_54 = arith.constant 40 : i32
    %scan3A_55 = arith.addi %scan3A_53, %scan3A_54 : i32
    %scan3A_56 = arith.constant 1 : i32
    scf.for %scan3A_173 = %scan3A_53 to %scan3A_55 step %scan3A_56  : i32 {
      %mul3A_174 = arith.constant 16 : i32
      %mul3A_175 = arith.muli %scan3A_173, %mul3A_174 : i32
      %add3A_176 = arith.constant 0 : i32
      %add3A_177 = arith.addi %add3A_176, %mul3A_175 : i32
      %dma_wait3A_178 = arith.constant 0 : i32
      %dma_wait3A_179 = tpu.memref_slice %arg11[%mul3A_2, %dma_wait3A_178] : memref<10240x128xf32, #tpu.memory_space<vmem_shared>> -> memref<16x128xf32, #tpu.memory_space<vmem_shared>>
      %dma_wait3A_180 = arith.constant 0 : i32
      %dma_wait3A_181 = tpu.memref_slice %arg11[%mul3A_2, %dma_wait3A_180] : memref<10240x128xf32, #tpu.memory_space<vmem_shared>> -> memref<16x128xf32, #tpu.memory_space<vmem_shared>>
      tpu.wait_dma2 semaphore(%arg13 : memref<!tpu.dma_semaphore, #tpu.memory_space<semaphore_mem>>) src(%arg10 : memref<16x128xf32, #tpu.memory_space<vmem>>) dst(%dma_wait3A_181 : memref<16x128xf32, #tpu.memory_space<vmem_shared>>)
    }
    %scan3A_57 = arith.constant 40 : i32
    %dma_wait3A = tpu.memref_slice %arg17[%mul3A_2] : memref<10240xf32, #tpu.memory_space<vmem_shared>> -> memref<640xf32, #tpu.memory_space<vmem_shared>>
    %dma_wait3A_58 = tpu.memref_slice %arg17[%mul3A_2] : memref<10240xf32, #tpu.memory_space<vmem_shared>> -> memref<640xf32, #tpu.memory_space<vmem_shared>>
    tpu.wait_dma2 semaphore(%arg18 : memref<!tpu.dma_semaphore, #tpu.memory_space<semaphore_mem>>) src(%arg15 : memref<640xf32, #tpu.memory_space<vmem>>) dst(%dma_wait3A_58 : memref<640xf32, #tpu.memory_space<vmem_shared>>)
    %barrier3A = arith.constant 0 : index
    tpu.barrier barrier_id(%barrier3A)
    %div3A = arith.constant 0 : i32
    %div3A_59 = arith.constant 16 : i32
    %div3A_60 = arith.divsi %div3A, %div3A_59 : i32
    %rem3A = arith.constant 3 : i32
    %rem3A_61 = arith.remsi %div3A_60, %rem3A : i32
    %rem3A_62 = arith.constant 0 : i32
    %rem3A_63 = arith.constant 16 : i32
    %rem3A_64 = arith.remsi %rem3A_62, %rem3A_63 : i32
    %eq3A = arith.constant 0 : i32
    %eq3A_65 = arith.cmpi eq, %rem3A_64, %eq3A : i32
    %convert_element_type3A = arith.extui %eq3A_65 : i1 to i32
    %cond3A = arith.constant 0 : i32
    %cond3A_66 = arith.cmpi ne, %convert_element_type3A, %cond3A : i32
    scf.if %cond3A_66 {
      %mul3A_173 = arith.constant 160 : i32
      %mul3A_174 = arith.muli %add3A, %mul3A_173 : i32
      %dma_wait3A_175 = arith.constant 0 : i32
      %dma_wait3A_176 = arith.constant 0 : i32
      %dma_wait3A_177 = tpu.memref_slice %arg7[%rem3A_61, %dma_wait3A_175, %dma_wait3A_176] : memref<3x16x64xi32, #tpu.memory_space<vmem>> -> memref<1x16x64xi32, #tpu.memory_space<vmem>>
      %dma_wait3A_178 = tpu.memref_squeeze %dma_wait3A_177 : memref<1x16x64xi32, #tpu.memory_space<vmem>> -> memref<16x64xi32, #tpu.memory_space<vmem>>
      %dma_wait3A_179 = arith.constant 0 : i32
      %dma_wait3A_180 = tpu.memref_slice %arg3[%mul3A_174, %dma_wait3A_179] : memref<5120x64xi32, #tpu.memory_space<hbm>> -> memref<16x64xi32, #tpu.memory_space<hbm>>
      %dma_wait3A_181 = arith.constant 0 : i32
      %dma_wait3A_182 = arith.constant 0 : i32
      %dma_wait3A_183 = tpu.memref_slice %arg7[%rem3A_61, %dma_wait3A_181, %dma_wait3A_182] : memref<3x16x64xi32, #tpu.memory_space<vmem>> -> memref<1x16x64xi32, #tpu.memory_space<vmem>>
      %dma_wait3A_184 = tpu.memref_squeeze %dma_wait3A_183 : memref<1x16x64xi32, #tpu.memory_space<vmem>> -> memref<16x64xi32, #tpu.memory_space<vmem>>
      %dma_wait3A_185 = arith.constant 0 : i32
      %dma_wait3A_186 = tpu.memref_slice %arg3[%mul3A_174, %dma_wait3A_185] : memref<5120x64xi32, #tpu.memory_space<hbm>> -> memref<16x64xi32, #tpu.memory_space<hbm>>
      tpu.wait_dma2 semaphore(%arg14 : memref<!tpu.dma_semaphore, #tpu.memory_space<semaphore_mem>>) src(%dma_wait3A_186 : memref<16x64xi32, #tpu.memory_space<hbm>>) dst(%dma_wait3A_184 : memref<16x64xi32, #tpu.memory_space<vmem>>)
      %dma_wait3A_187 = arith.constant 0 : i32
      %dma_wait3A_188 = arith.constant 0 : i32
      %dma_wait3A_189 = tpu.memref_slice %arg8[%rem3A_61, %dma_wait3A_187, %dma_wait3A_188] : memref<3x16x64xi32, #tpu.memory_space<vmem>> -> memref<1x16x64xi32, #tpu.memory_space<vmem>>
      %dma_wait3A_190 = tpu.memref_squeeze %dma_wait3A_189 : memref<1x16x64xi32, #tpu.memory_space<vmem>> -> memref<16x64xi32, #tpu.memory_space<vmem>>
      %dma_wait3A_191 = arith.constant 0 : i32
      %dma_wait3A_192 = tpu.memref_slice %arg4[%mul3A_174, %dma_wait3A_191] : memref<5120x64xi32, #tpu.memory_space<hbm>> -> memref<16x64xi32, #tpu.memory_space<hbm>>
      %dma_wait3A_193 = arith.constant 0 : i32
      %dma_wait3A_194 = arith.constant 0 : i32
      %dma_wait3A_195 = tpu.memref_slice %arg8[%rem3A_61, %dma_wait3A_193, %dma_wait3A_194] : memref<3x16x64xi32, #tpu.memory_space<vmem>> -> memref<1x16x64xi32, #tpu.memory_space<vmem>>
      %dma_wait3A_196 = tpu.memref_squeeze %dma_wait3A_195 : memref<1x16x64xi32, #tpu.memory_space<vmem>> -> memref<16x64xi32, #tpu.memory_space<vmem>>
      %dma_wait3A_197 = arith.constant 0 : i32
      %dma_wait3A_198 = tpu.memref_slice %arg4[%mul3A_174, %dma_wait3A_197] : memref<5120x64xi32, #tpu.memory_space<hbm>> -> memref<16x64xi32, #tpu.memory_space<hbm>>
      tpu.wait_dma2 semaphore(%arg14 : memref<!tpu.dma_semaphore, #tpu.memory_space<semaphore_mem>>) src(%dma_wait3A_198 : memref<16x64xi32, #tpu.memory_space<hbm>>) dst(%dma_wait3A_196 : memref<16x64xi32, #tpu.memory_space<vmem>>)
      %add3A_199 = arith.constant 1 : i32
      %add3A_200 = arith.addi %div3A_60, %add3A_199 : i32
      %lt3A = arith.constant 10 : i32
      %lt3A_201 = arith.cmpi slt, %add3A_200, %lt3A : i32
      %convert_element_type3A_202 = arith.extui %lt3A_201 : i1 to i32
      %cond3A_203 = arith.constant 0 : i32
      %cond3A_204 = arith.cmpi ne, %convert_element_type3A_202, %cond3A_203 : i32
      scf.if %cond3A_204 {
        %add3A_205 = arith.constant 1 : i32
        %add3A_206 = arith.addi %div3A_60, %add3A_205 : i32
        %add3A_207 = arith.constant 1 : i32
        %add3A_208 = arith.addi %div3A_60, %add3A_207 : i32
        %rem3A_209 = arith.constant 3 : i32
        %rem3A_210 = arith.remsi %add3A_208, %rem3A_209 : i32
        %mul3A_211 = arith.constant 160 : i32
        %mul3A_212 = arith.muli %add3A, %mul3A_211 : i32
        %mul3A_213 = arith.constant 16 : i32
        %mul3A_214 = arith.muli %add3A_206, %mul3A_213 : i32
        %add3A_215 = arith.addi %mul3A_212, %mul3A_214 : i32
        %multiple_of3A_216 = tpu.assume_multiple %add3A_215, 16 : i32
        %dma_start3A_217 = arith.constant 0 : i32
        %dma_start3A_218 = arith.constant 0 : i32
        %dma_start3A_219 = tpu.memref_slice %arg7[%rem3A_210, %dma_start3A_217, %dma_start3A_218] : memref<3x16x64xi32, #tpu.memory_space<vmem>> -> memref<1x16x64xi32, #tpu.memory_space<vmem>>
        %dma_start3A_220 = tpu.memref_squeeze %dma_start3A_219 : memref<1x16x64xi32, #tpu.memory_space<vmem>> -> memref<16x64xi32, #tpu.memory_space<vmem>>
        %dma_start3A_221 = arith.constant 0 : i32
        %dma_start3A_222 = tpu.memref_slice %arg3[%multiple_of3A_216, %dma_start3A_221] : memref<5120x64xi32, #tpu.memory_space<hbm>> -> memref<16x64xi32, #tpu.memory_space<hbm>>
        %dma_start3A_223 = arith.constant 0 : i32
        %dma_start3A_224 = arith.constant 0 : i32
        %dma_start3A_225 = tpu.memref_slice %arg7[%rem3A_210, %dma_start3A_223, %dma_start3A_224] : memref<3x16x64xi32, #tpu.memory_space<vmem>> -> memref<1x16x64xi32, #tpu.memory_space<vmem>>
        %dma_start3A_226 = tpu.memref_squeeze %dma_start3A_225 : memref<1x16x64xi32, #tpu.memory_space<vmem>> -> memref<16x64xi32, #tpu.memory_space<vmem>>
        %dma_start3A_227 = arith.constant 0 : i32
        %dma_start3A_228 = tpu.memref_slice %arg3[%multiple_of3A_216, %dma_start3A_227] : memref<5120x64xi32, #tpu.memory_space<hbm>> -> memref<16x64xi32, #tpu.memory_space<hbm>>
        tpu.enqueue_dma source(%dma_start3A_228 : memref<16x64xi32, #tpu.memory_space<hbm>>) target(%dma_start3A_226 : memref<16x64xi32, #tpu.memory_space<vmem>>) target_semaphore(%arg14 : memref<!tpu.dma_semaphore, #tpu.memory_space<semaphore_mem>>)
        %dma_start3A_229 = arith.constant 0 : i32
        %dma_start3A_230 = arith.constant 0 : i32
        %dma_start3A_231 = tpu.memref_slice %arg8[%rem3A_210, %dma_start3A_229, %dma_start3A_230] : memref<3x16x64xi32, #tpu.memory_space<vmem>> -> memref<1x16x64xi32, #tpu.memory_space<vmem>>
        %dma_start3A_232 = tpu.memref_squeeze %dma_start3A_231 : memref<1x16x64xi32, #tpu.memory_space<vmem>> -> memref<16x64xi32, #tpu.memory_space<vmem>>
        %dma_start3A_233 = arith.constant 0 : i32
        %dma_start3A_234 = tpu.memref_slice %arg4[%multiple_of3A_216, %dma_start3A_233] : memref<5120x64xi32, #tpu.memory_space<hbm>> -> memref<16x64xi32, #tpu.memory_space<hbm>>
        %dma_start3A_235 = arith.constant 0 : i32
        %dma_start3A_236 = arith.constant 0 : i32
        %dma_start3A_237 = tpu.memref_slice %arg8[%rem3A_210, %dma_start3A_235, %dma_start3A_236] : memref<3x16x64xi32, #tpu.memory_space<vmem>> -> memref<1x16x64xi32, #tpu.memory_space<vmem>>
        %dma_start3A_238 = tpu.memref_squeeze %dma_start3A_237 : memref<1x16x64xi32, #tpu.memory_space<vmem>> -> memref<16x64xi32, #tpu.memory_space<vmem>>
        %dma_start3A_239 = arith.constant 0 : i32
        %dma_start3A_240 = tpu.memref_slice %arg4[%multiple_of3A_216, %dma_start3A_239] : memref<5120x64xi32, #tpu.memory_space<hbm>> -> memref<16x64xi32, #tpu.memory_space<hbm>>
        tpu.enqueue_dma source(%dma_start3A_240 : memref<16x64xi32, #tpu.memory_space<hbm>>) target(%dma_start3A_238 : memref<16x64xi32, #tpu.memory_space<vmem>>) target_semaphore(%arg14 : memref<!tpu.dma_semaphore, #tpu.memory_space<semaphore_mem>>)
      } else {
      }
    } else {
    }
    %rem3A_67 = arith.constant 0 : i32
    %rem3A_68 = arith.constant 16 : i32
    %rem3A_69 = arith.remsi %rem3A_67, %rem3A_68 : i32
    %rem3A_70 = arith.constant 0 : i32
    %rem3A_71 = arith.constant 4 : i32
    %rem3A_72 = arith.remsi %rem3A_70, %rem3A_71 : i32
    %dma_start3A_73 = arith.constant 0 : i32
    %dma_start3A_74 = arith.constant 0 : i32
    %dma_start3A_75 = tpu.memref_slice %arg9[%rem3A_72, %dma_start3A_73, %dma_start3A_74] : memref<4x64x128xf32, #tpu.memory_space<vmem>> -> memref<1x64x128xf32, #tpu.memory_space<vmem>>
    %dma_start3A_76 = tpu.memref_squeeze %dma_start3A_75 : memref<1x64x128xf32, #tpu.memory_space<vmem>> -> memref<64x128xf32, #tpu.memory_space<vmem>>
    %dma_start3A_77 = arith.constant 0 : i32
    %dma_start3A_78 = tpu.memref_slice %arg7[%rem3A_61, %rem3A_69, %dma_start3A_77] : memref<3x16x64xi32, #tpu.memory_space<vmem>> -> memref<1x1x64xi32, #tpu.memory_space<vmem>>
    %dma_start3A_79 = tpu.memref_squeeze %dma_start3A_78 : memref<1x1x64xi32, #tpu.memory_space<vmem>> -> memref<64xi32, #tpu.memory_space<vmem>>
    %dma_start3A_80 = arith.constant 0 : i32
    %dma_start3A_81 = arith.constant 0 : i32
    %dma_start3A_82 = tpu.memref_slice %arg2[%dma_start3A_80, %dma_start3A_81] : memref<10240x128xf32, #tpu.memory_space<hbm>> -> memref<10240x128xf32, #tpu.memory_space<hbm>>
    tpu.enqueue_indirect_dma source(%dma_start3A_82 : memref<10240x128xf32, #tpu.memory_space<hbm>>) target(%dma_start3A_76 : memref<64x128xf32, #tpu.memory_space<vmem>>) offsets(%dma_start3A_79 : memref<64xi32, #tpu.memory_space<vmem>>) semaphore(%arg12 : memref<!tpu.dma_semaphore, #tpu.memory_space<semaphore_mem>>)
    %div3A_83 = arith.constant 1 : i32
    %div3A_84 = arith.constant 16 : i32
    %div3A_85 = arith.divsi %div3A_83, %div3A_84 : i32
    %rem3A_86 = arith.constant 3 : i32
    %rem3A_87 = arith.remsi %div3A_85, %rem3A_86 : i32
    %rem3A_88 = arith.constant 1 : i32
    %rem3A_89 = arith.constant 16 : i32
    %rem3A_90 = arith.remsi %rem3A_88, %rem3A_89 : i32
    %eq3A_91 = arith.constant 0 : i32
    %eq3A_92 = arith.cmpi eq, %rem3A_90, %eq3A_91 : i32
    %convert_element_type3A_93 = arith.extui %eq3A_92 : i1 to i32
    %cond3A_94 = arith.constant 0 : i32
    %cond3A_95 = arith.cmpi ne, %convert_element_type3A_93, %cond3A_94 : i32
    scf.if %cond3A_95 {
      %mul3A_173 = arith.constant 160 : i32
      %mul3A_174 = arith.muli %add3A, %mul3A_173 : i32
      %dma_wait3A_175 = arith.constant 0 : i32
      %dma_wait3A_176 = arith.constant 0 : i32
      %dma_wait3A_177 = tpu.memref_slice %arg7[%rem3A_87, %dma_wait3A_175, %dma_wait3A_176] : memref<3x16x64xi32, #tpu.memory_space<vmem>> -> memref<1x16x64xi32, #tpu.memory_space<vmem>>
      %dma_wait3A_178 = tpu.memref_squeeze %dma_wait3A_177 : memref<1x16x64xi32, #tpu.memory_space<vmem>> -> memref<16x64xi32, #tpu.memory_space<vmem>>
      %dma_wait3A_179 = arith.constant 0 : i32
      %dma_wait3A_180 = tpu.memref_slice %arg3[%mul3A_174, %dma_wait3A_179] : memref<5120x64xi32, #tpu.memory_space<hbm>> -> memref<16x64xi32, #tpu.memory_space<hbm>>
      %dma_wait3A_181 = arith.constant 0 : i32
      %dma_wait3A_182 = arith.constant 0 : i32
      %dma_wait3A_183 = tpu.memref_slice %arg7[%rem3A_87, %dma_wait3A_181, %dma_wait3A_182] : memref<3x16x64xi32, #tpu.memory_space<vmem>> -> memref<1x16x64xi32, #tpu.memory_space<vmem>>
      %dma_wait3A_184 = tpu.memref_squeeze %dma_wait3A_183 : memref<1x16x64xi32, #tpu.memory_space<vmem>> -> memref<16x64xi32, #tpu.memory_space<vmem>>
      %dma_wait3A_185 = arith.constant 0 : i32
      %dma_wait3A_186 = tpu.memref_slice %arg3[%mul3A_174, %dma_wait3A_185] : memref<5120x64xi32, #tpu.memory_space<hbm>> -> memref<16x64xi32, #tpu.memory_space<hbm>>
      tpu.wait_dma2 semaphore(%arg14 : memref<!tpu.dma_semaphore, #tpu.memory_space<semaphore_mem>>) src(%dma_wait3A_186 : memref<16x64xi32, #tpu.memory_space<hbm>>) dst(%dma_wait3A_184 : memref<16x64xi32, #tpu.memory_space<vmem>>)
      %dma_wait3A_187 = arith.constant 0 : i32
      %dma_wait3A_188 = arith.constant 0 : i32
      %dma_wait3A_189 = tpu.memref_slice %arg8[%rem3A_87, %dma_wait3A_187, %dma_wait3A_188] : memref<3x16x64xi32, #tpu.memory_space<vmem>> -> memref<1x16x64xi32, #tpu.memory_space<vmem>>
      %dma_wait3A_190 = tpu.memref_squeeze %dma_wait3A_189 : memref<1x16x64xi32, #tpu.memory_space<vmem>> -> memref<16x64xi32, #tpu.memory_space<vmem>>
      %dma_wait3A_191 = arith.constant 0 : i32
      %dma_wait3A_192 = tpu.memref_slice %arg4[%mul3A_174, %dma_wait3A_191] : memref<5120x64xi32, #tpu.memory_space<hbm>> -> memref<16x64xi32, #tpu.memory_space<hbm>>
      %dma_wait3A_193 = arith.constant 0 : i32
      %dma_wait3A_194 = arith.constant 0 : i32
      %dma_wait3A_195 = tpu.memref_slice %arg8[%rem3A_87, %dma_wait3A_193, %dma_wait3A_194] : memref<3x16x64xi32, #tpu.memory_space<vmem>> -> memref<1x16x64xi32, #tpu.memory_space<vmem>>
      %dma_wait3A_196 = tpu.memref_squeeze %dma_wait3A_195 : memref<1x16x64xi32, #tpu.memory_space<vmem>> -> memref<16x64xi32, #tpu.memory_space<vmem>>
      %dma_wait3A_197 = arith.constant 0 : i32
      %dma_wait3A_198 = tpu.memref_slice %arg4[%mul3A_174, %dma_wait3A_197] : memref<5120x64xi32, #tpu.memory_space<hbm>> -> memref<16x64xi32, #tpu.memory_space<hbm>>
      tpu.wait_dma2 semaphore(%arg14 : memref<!tpu.dma_semaphore, #tpu.memory_space<semaphore_mem>>) src(%dma_wait3A_198 : memref<16x64xi32, #tpu.memory_space<hbm>>) dst(%dma_wait3A_196 : memref<16x64xi32, #tpu.memory_space<vmem>>)
      %add3A_199 = arith.constant 1 : i32
      %add3A_200 = arith.addi %div3A_85, %add3A_199 : i32
      %lt3A = arith.constant 10 : i32
      %lt3A_201 = arith.cmpi slt, %add3A_200, %lt3A : i32
      %convert_element_type3A_202 = arith.extui %lt3A_201 : i1 to i32
      %cond3A_203 = arith.constant 0 : i32
      %cond3A_204 = arith.cmpi ne, %convert_element_type3A_202, %cond3A_203 : i32
      scf.if %cond3A_204 {
        %add3A_205 = arith.constant 1 : i32
        %add3A_206 = arith.addi %div3A_85, %add3A_205 : i32
        %add3A_207 = arith.constant 1 : i32
        %add3A_208 = arith.addi %div3A_85, %add3A_207 : i32
        %rem3A_209 = arith.constant 3 : i32
        %rem3A_210 = arith.remsi %add3A_208, %rem3A_209 : i32
        %mul3A_211 = arith.constant 160 : i32
        %mul3A_212 = arith.muli %add3A, %mul3A_211 : i32
        %mul3A_213 = arith.constant 16 : i32
        %mul3A_214 = arith.muli %add3A_206, %mul3A_213 : i32
        %add3A_215 = arith.addi %mul3A_212, %mul3A_214 : i32
        %multiple_of3A_216 = tpu.assume_multiple %add3A_215, 16 : i32
        %dma_start3A_217 = arith.constant 0 : i32
        %dma_start3A_218 = arith.constant 0 : i32
        %dma_start3A_219 = tpu.memref_slice %arg7[%rem3A_210, %dma_start3A_217, %dma_start3A_218] : memref<3x16x64xi32, #tpu.memory_space<vmem>> -> memref<1x16x64xi32, #tpu.memory_space<vmem>>
        %dma_start3A_220 = tpu.memref_squeeze %dma_start3A_219 : memref<1x16x64xi32, #tpu.memory_space<vmem>> -> memref<16x64xi32, #tpu.memory_space<vmem>>
        %dma_start3A_221 = arith.constant 0 : i32
        %dma_start3A_222 = tpu.memref_slice %arg3[%multiple_of3A_216, %dma_start3A_221] : memref<5120x64xi32, #tpu.memory_space<hbm>> -> memref<16x64xi32, #tpu.memory_space<hbm>>
        %dma_start3A_223 = arith.constant 0 : i32
        %dma_start3A_224 = arith.constant 0 : i32
        %dma_start3A_225 = tpu.memref_slice %arg7[%rem3A_210, %dma_start3A_223, %dma_start3A_224] : memref<3x16x64xi32, #tpu.memory_space<vmem>> -> memref<1x16x64xi32, #tpu.memory_space<vmem>>
        %dma_start3A_226 = tpu.memref_squeeze %dma_start3A_225 : memref<1x16x64xi32, #tpu.memory_space<vmem>> -> memref<16x64xi32, #tpu.memory_space<vmem>>
        %dma_start3A_227 = arith.constant 0 : i32
        %dma_start3A_228 = tpu.memref_slice %arg3[%multiple_of3A_216, %dma_start3A_227] : memref<5120x64xi32, #tpu.memory_space<hbm>> -> memref<16x64xi32, #tpu.memory_space<hbm>>
        tpu.enqueue_dma source(%dma_start3A_228 : memref<16x64xi32, #tpu.memory_space<hbm>>) target(%dma_start3A_226 : memref<16x64xi32, #tpu.memory_space<vmem>>) target_semaphore(%arg14 : memref<!tpu.dma_semaphore, #tpu.memory_space<semaphore_mem>>)
        %dma_start3A_229 = arith.constant 0 : i32
        %dma_start3A_230 = arith.constant 0 : i32
        %dma_start3A_231 = tpu.memref_slice %arg8[%rem3A_210, %dma_start3A_229, %dma_start3A_230] : memref<3x16x64xi32, #tpu.memory_space<vmem>> -> memref<1x16x64xi32, #tpu.memory_space<vmem>>
        %dma_start3A_232 = tpu.memref_squeeze %dma_start3A_231 : memref<1x16x64xi32, #tpu.memory_space<vmem>> -> memref<16x64xi32, #tpu.memory_space<vmem>>
        %dma_start3A_233 = arith.constant 0 : i32
        %dma_start3A_234 = tpu.memref_slice %arg4[%multiple_of3A_216, %dma_start3A_233] : memref<5120x64xi32, #tpu.memory_space<hbm>> -> memref<16x64xi32, #tpu.memory_space<hbm>>
        %dma_start3A_235 = arith.constant 0 : i32
        %dma_start3A_236 = arith.constant 0 : i32
        %dma_start3A_237 = tpu.memref_slice %arg8[%rem3A_210, %dma_start3A_235, %dma_start3A_236] : memref<3x16x64xi32, #tpu.memory_space<vmem>> -> memref<1x16x64xi32, #tpu.memory_space<vmem>>
        %dma_start3A_238 = tpu.memref_squeeze %dma_start3A_237 : memref<1x16x64xi32, #tpu.memory_space<vmem>> -> memref<16x64xi32, #tpu.memory_space<vmem>>
        %dma_start3A_239 = arith.constant 0 : i32
        %dma_start3A_240 = tpu.memref_slice %arg4[%multiple_of3A_216, %dma_start3A_239] : memref<5120x64xi32, #tpu.memory_space<hbm>> -> memref<16x64xi32, #tpu.memory_space<hbm>>
        tpu.enqueue_dma source(%dma_start3A_240 : memref<16x64xi32, #tpu.memory_space<hbm>>) target(%dma_start3A_238 : memref<16x64xi32, #tpu.memory_space<vmem>>) target_semaphore(%arg14 : memref<!tpu.dma_semaphore, #tpu.memory_space<semaphore_mem>>)
      } else {
      }
    } else {
    }
    %rem3A_96 = arith.constant 1 : i32
    %rem3A_97 = arith.constant 16 : i32
    %rem3A_98 = arith.remsi %rem3A_96, %rem3A_97 : i32
    %rem3A_99 = arith.constant 1 : i32
    %rem3A_100 = arith.constant 4 : i32
    %rem3A_101 = arith.remsi %rem3A_99, %rem3A_100 : i32
    %dma_start3A_102 = arith.constant 0 : i32
    %dma_start3A_103 = arith.constant 0 : i32
    %dma_start3A_104 = tpu.memref_slice %arg9[%rem3A_101, %dma_start3A_102, %dma_start3A_103] : memref<4x64x128xf32, #tpu.memory_space<vmem>> -> memref<1x64x128xf32, #tpu.memory_space<vmem>>
    %dma_start3A_105 = tpu.memref_squeeze %dma_start3A_104 : memref<1x64x128xf32, #tpu.memory_space<vmem>> -> memref<64x128xf32, #tpu.memory_space<vmem>>
    %dma_start3A_106 = arith.constant 0 : i32
    %dma_start3A_107 = tpu.memref_slice %arg7[%rem3A_87, %rem3A_98, %dma_start3A_106] : memref<3x16x64xi32, #tpu.memory_space<vmem>> -> memref<1x1x64xi32, #tpu.memory_space<vmem>>
    %dma_start3A_108 = tpu.memref_squeeze %dma_start3A_107 : memref<1x1x64xi32, #tpu.memory_space<vmem>> -> memref<64xi32, #tpu.memory_space<vmem>>
    %dma_start3A_109 = arith.constant 0 : i32
    %dma_start3A_110 = arith.constant 0 : i32
    %dma_start3A_111 = tpu.memref_slice %arg2[%dma_start3A_109, %dma_start3A_110] : memref<10240x128xf32, #tpu.memory_space<hbm>> -> memref<10240x128xf32, #tpu.memory_space<hbm>>
    tpu.enqueue_indirect_dma source(%dma_start3A_111 : memref<10240x128xf32, #tpu.memory_space<hbm>>) target(%dma_start3A_105 : memref<64x128xf32, #tpu.memory_space<vmem>>) offsets(%dma_start3A_108 : memref<64xi32, #tpu.memory_space<vmem>>) semaphore(%arg12 : memref<!tpu.dma_semaphore, #tpu.memory_space<semaphore_mem>>)
    %div3A_112 = arith.constant 2 : i32
    %div3A_113 = arith.constant 16 : i32
    %div3A_114 = arith.divsi %div3A_112, %div3A_113 : i32
    %rem3A_115 = arith.constant 3 : i32
    %rem3A_116 = arith.remsi %div3A_114, %rem3A_115 : i32
    %rem3A_117 = arith.constant 2 : i32
    %rem3A_118 = arith.constant 16 : i32
    %rem3A_119 = arith.remsi %rem3A_117, %rem3A_118 : i32
    %eq3A_120 = arith.constant 0 : i32
    %eq3A_121 = arith.cmpi eq, %rem3A_119, %eq3A_120 : i32
    %convert_element_type3A_122 = arith.extui %eq3A_121 : i1 to i32
    %cond3A_123 = arith.constant 0 : i32
    %cond3A_124 = arith.cmpi ne, %convert_element_type3A_122, %cond3A_123 : i32
    scf.if %cond3A_124 {
      %mul3A_173 = arith.constant 160 : i32
      %mul3A_174 = arith.muli %add3A, %mul3A_173 : i32
      %dma_wait3A_175 = arith.constant 0 : i32
      %dma_wait3A_176 = arith.constant 0 : i32
      %dma_wait3A_177 = tpu.memref_slice %arg7[%rem3A_116, %dma_wait3A_175, %dma_wait3A_176] : memref<3x16x64xi32, #tpu.memory_space<vmem>> -> memref<1x16x64xi32, #tpu.memory_space<vmem>>
      %dma_wait3A_178 = tpu.memref_squeeze %dma_wait3A_177 : memref<1x16x64xi32, #tpu.memory_space<vmem>> -> memref<16x64xi32, #tpu.memory_space<vmem>>
      %dma_wait3A_179 = arith.constant 0 : i32
      %dma_wait3A_180 = tpu.memref_slice %arg3[%mul3A_174, %dma_wait3A_179] : memref<5120x64xi32, #tpu.memory_space<hbm>> -> memref<16x64xi32, #tpu.memory_space<hbm>>
      %dma_wait3A_181 = arith.constant 0 : i32
      %dma_wait3A_182 = arith.constant 0 : i32
      %dma_wait3A_183 = tpu.memref_slice %arg7[%rem3A_116, %dma_wait3A_181, %dma_wait3A_182] : memref<3x16x64xi32, #tpu.memory_space<vmem>> -> memref<1x16x64xi32, #tpu.memory_space<vmem>>
      %dma_wait3A_184 = tpu.memref_squeeze %dma_wait3A_183 : memref<1x16x64xi32, #tpu.memory_space<vmem>> -> memref<16x64xi32, #tpu.memory_space<vmem>>
      %dma_wait3A_185 = arith.constant 0 : i32
      %dma_wait3A_186 = tpu.memref_slice %arg3[%mul3A_174, %dma_wait3A_185] : memref<5120x64xi32, #tpu.memory_space<hbm>> -> memref<16x64xi32, #tpu.memory_space<hbm>>
      tpu.wait_dma2 semaphore(%arg14 : memref<!tpu.dma_semaphore, #tpu.memory_space<semaphore_mem>>) src(%dma_wait3A_186 : memref<16x64xi32, #tpu.memory_space<hbm>>) dst(%dma_wait3A_184 : memref<16x64xi32, #tpu.memory_space<vmem>>)
      %dma_wait3A_187 = arith.constant 0 : i32
      %dma_wait3A_188 = arith.constant 0 : i32
      %dma_wait3A_189 = tpu.memref_slice %arg8[%rem3A_116, %dma_wait3A_187, %dma_wait3A_188] : memref<3x16x64xi32, #tpu.memory_space<vmem>> -> memref<1x16x64xi32, #tpu.memory_space<vmem>>
      %dma_wait3A_190 = tpu.memref_squeeze %dma_wait3A_189 : memref<1x16x64xi32, #tpu.memory_space<vmem>> -> memref<16x64xi32, #tpu.memory_space<vmem>>
      %dma_wait3A_191 = arith.constant 0 : i32
      %dma_wait3A_192 = tpu.memref_slice %arg4[%mul3A_174, %dma_wait3A_191] : memref<5120x64xi32, #tpu.memory_space<hbm>> -> memref<16x64xi32, #tpu.memory_space<hbm>>
      %dma_wait3A_193 = arith.constant 0 : i32
      %dma_wait3A_194 = arith.constant 0 : i32
      %dma_wait3A_195 = tpu.memref_slice %arg8[%rem3A_116, %dma_wait3A_193, %dma_wait3A_194] : memref<3x16x64xi32, #tpu.memory_space<vmem>> -> memref<1x16x64xi32, #tpu.memory_space<vmem>>
      %dma_wait3A_196 = tpu.memref_squeeze %dma_wait3A_195 : memref<1x16x64xi32, #tpu.memory_space<vmem>> -> memref<16x64xi32, #tpu.memory_space<vmem>>
      %dma_wait3A_197 = arith.constant 0 : i32
      %dma_wait3A_198 = tpu.memref_slice %arg4[%mul3A_174, %dma_wait3A_197] : memref<5120x64xi32, #tpu.memory_space<hbm>> -> memref<16x64xi32, #tpu.memory_space<hbm>>
      tpu.wait_dma2 semaphore(%arg14 : memref<!tpu.dma_semaphore, #tpu.memory_space<semaphore_mem>>) src(%dma_wait3A_198 : memref<16x64xi32, #tpu.memory_space<hbm>>) dst(%dma_wait3A_196 : memref<16x64xi32, #tpu.memory_space<vmem>>)
      %add3A_199 = arith.constant 1 : i32
      %add3A_200 = arith.addi %div3A_114, %add3A_199 : i32
      %lt3A = arith.constant 10 : i32
      %lt3A_201 = arith.cmpi slt, %add3A_200, %lt3A : i32
      %convert_element_type3A_202 = arith.extui %lt3A_201 : i1 to i32
      %cond3A_203 = arith.constant 0 : i32
      %cond3A_204 = arith.cmpi ne, %convert_element_type3A_202, %cond3A_203 : i32
      scf.if %cond3A_204 {
        %add3A_205 = arith.constant 1 : i32
        %add3A_206 = arith.addi %div3A_114, %add3A_205 : i32
        %add3A_207 = arith.constant 1 : i32
        %add3A_208 = arith.addi %div3A_114, %add3A_207 : i32
        %rem3A_209 = arith.constant 3 : i32
        %rem3A_210 = arith.remsi %add3A_208, %rem3A_209 : i32
        %mul3A_211 = arith.constant 160 : i32
        %mul3A_212 = arith.muli %add3A, %mul3A_211 : i32
        %mul3A_213 = arith.constant 16 : i32
        %mul3A_214 = arith.muli %add3A_206, %mul3A_213 : i32
        %add3A_215 = arith.addi %mul3A_212, %mul3A_214 : i32
        %multiple_of3A_216 = tpu.assume_multiple %add3A_215, 16 : i32
        %dma_start3A_217 = arith.constant 0 : i32
        %dma_start3A_218 = arith.constant 0 : i32
        %dma_start3A_219 = tpu.memref_slice %arg7[%rem3A_210, %dma_start3A_217, %dma_start3A_218] : memref<3x16x64xi32, #tpu.memory_space<vmem>> -> memref<1x16x64xi32, #tpu.memory_space<vmem>>
        %dma_start3A_220 = tpu.memref_squeeze %dma_start3A_219 : memref<1x16x64xi32, #tpu.memory_space<vmem>> -> memref<16x64xi32, #tpu.memory_space<vmem>>
        %dma_start3A_221 = arith.constant 0 : i32
        %dma_start3A_222 = tpu.memref_slice %arg3[%multiple_of3A_216, %dma_start3A_221] : memref<5120x64xi32, #tpu.memory_space<hbm>> -> memref<16x64xi32, #tpu.memory_space<hbm>>
        %dma_start3A_223 = arith.constant 0 : i32
        %dma_start3A_224 = arith.constant 0 : i32
        %dma_start3A_225 = tpu.memref_slice %arg7[%rem3A_210, %dma_start3A_223, %dma_start3A_224] : memref<3x16x64xi32, #tpu.memory_space<vmem>> -> memref<1x16x64xi32, #tpu.memory_space<vmem>>
        %dma_start3A_226 = tpu.memref_squeeze %dma_start3A_225 : memref<1x16x64xi32, #tpu.memory_space<vmem>> -> memref<16x64xi32, #tpu.memory_space<vmem>>
        %dma_start3A_227 = arith.constant 0 : i32
        %dma_start3A_228 = tpu.memref_slice %arg3[%multiple_of3A_216, %dma_start3A_227] : memref<5120x64xi32, #tpu.memory_space<hbm>> -> memref<16x64xi32, #tpu.memory_space<hbm>>
        tpu.enqueue_dma source(%dma_start3A_228 : memref<16x64xi32, #tpu.memory_space<hbm>>) target(%dma_start3A_226 : memref<16x64xi32, #tpu.memory_space<vmem>>) target_semaphore(%arg14 : memref<!tpu.dma_semaphore, #tpu.memory_space<semaphore_mem>>)
        %dma_start3A_229 = arith.constant 0 : i32
        %dma_start3A_230 = arith.constant 0 : i32
        %dma_start3A_231 = tpu.memref_slice %arg8[%rem3A_210, %dma_start3A_229, %dma_start3A_230] : memref<3x16x64xi32, #tpu.memory_space<vmem>> -> memref<1x16x64xi32, #tpu.memory_space<vmem>>
        %dma_start3A_232 = tpu.memref_squeeze %dma_start3A_231 : memref<1x16x64xi32, #tpu.memory_space<vmem>> -> memref<16x64xi32, #tpu.memory_space<vmem>>
        %dma_start3A_233 = arith.constant 0 : i32
        %dma_start3A_234 = tpu.memref_slice %arg4[%multiple_of3A_216, %dma_start3A_233] : memref<5120x64xi32, #tpu.memory_space<hbm>> -> memref<16x64xi32, #tpu.memory_space<hbm>>
        %dma_start3A_235 = arith.constant 0 : i32
        %dma_start3A_236 = arith.constant 0 : i32
        %dma_start3A_237 = tpu.memref_slice %arg8[%rem3A_210, %dma_start3A_235, %dma_start3A_236] : memref<3x16x64xi32, #tpu.memory_space<vmem>> -> memref<1x16x64xi32, #tpu.memory_space<vmem>>
        %dma_start3A_238 = tpu.memref_squeeze %dma_start3A_237 : memref<1x16x64xi32, #tpu.memory_space<vmem>> -> memref<16x64xi32, #tpu.memory_space<vmem>>
        %dma_start3A_239 = arith.constant 0 : i32
        %dma_start3A_240 = tpu.memref_slice %arg4[%multiple_of3A_216, %dma_start3A_239] : memref<5120x64xi32, #tpu.memory_space<hbm>> -> memref<16x64xi32, #tpu.memory_space<hbm>>
        tpu.enqueue_dma source(%dma_start3A_240 : memref<16x64xi32, #tpu.memory_space<hbm>>) target(%dma_start3A_238 : memref<16x64xi32, #tpu.memory_space<vmem>>) target_semaphore(%arg14 : memref<!tpu.dma_semaphore, #tpu.memory_space<semaphore_mem>>)
      } else {
      }
    } else {
    }
    %rem3A_125 = arith.constant 2 : i32
    %rem3A_126 = arith.constant 16 : i32
    %rem3A_127 = arith.remsi %rem3A_125, %rem3A_126 : i32
    %rem3A_128 = arith.constant 2 : i32
    %rem3A_129 = arith.constant 4 : i32
    %rem3A_130 = arith.remsi %rem3A_128, %rem3A_129 : i32
    %dma_start3A_131 = arith.constant 0 : i32
    %dma_start3A_132 = arith.constant 0 : i32
    %dma_start3A_133 = tpu.memref_slice %arg9[%rem3A_130, %dma_start3A_131, %dma_start3A_132] : memref<4x64x128xf32, #tpu.memory_space<vmem>> -> memref<1x64x128xf32, #tpu.memory_space<vmem>>
    %dma_start3A_134 = tpu.memref_squeeze %dma_start3A_133 : memref<1x64x128xf32, #tpu.memory_space<vmem>> -> memref<64x128xf32, #tpu.memory_space<vmem>>
    %dma_start3A_135 = arith.constant 0 : i32
    %dma_start3A_136 = tpu.memref_slice %arg7[%rem3A_116, %rem3A_127, %dma_start3A_135] : memref<3x16x64xi32, #tpu.memory_space<vmem>> -> memref<1x1x64xi32, #tpu.memory_space<vmem>>
    %dma_start3A_137 = tpu.memref_squeeze %dma_start3A_136 : memref<1x1x64xi32, #tpu.memory_space<vmem>> -> memref<64xi32, #tpu.memory_space<vmem>>
    %dma_start3A_138 = arith.constant 0 : i32
    %dma_start3A_139 = arith.constant 0 : i32
    %dma_start3A_140 = tpu.memref_slice %arg2[%dma_start3A_138, %dma_start3A_139] : memref<10240x128xf32, #tpu.memory_space<hbm>> -> memref<10240x128xf32, #tpu.memory_space<hbm>>
    tpu.enqueue_indirect_dma source(%dma_start3A_140 : memref<10240x128xf32, #tpu.memory_space<hbm>>) target(%dma_start3A_134 : memref<64x128xf32, #tpu.memory_space<vmem>>) offsets(%dma_start3A_137 : memref<64xi32, #tpu.memory_space<vmem>>) semaphore(%arg12 : memref<!tpu.dma_semaphore, #tpu.memory_space<semaphore_mem>>)
    %scan3A_141 = arith.constant 0 : i32
    %scan3A_142 = arith.constant 160 : i32
    %scan3A_143 = arith.addi %scan3A_141, %scan3A_142 : i32
    %scan3A_144 = arith.constant 1 : i32
    scf.for %scan3A_173 = %scan3A_141 to %scan3A_143 step %scan3A_144  : i32 {
      %mul3A_174 = arith.constant 1 : i32
      %mul3A_175 = arith.muli %scan3A_173, %mul3A_174 : i32
      %add3A_176 = arith.constant 0 : i32
      %add3A_177 = arith.addi %add3A_176, %mul3A_175 : i32
      %rem3A_178 = arith.constant 4 : i32
      %rem3A_179 = arith.remsi %add3A_177, %rem3A_178 : i32
      %div3A_180 = arith.constant 16 : i32
      %div3A_181 = arith.divsi %add3A_177, %div3A_180 : i32
      %rem3A_182 = arith.constant 3 : i32
      %rem3A_183 = arith.remsi %div3A_181, %rem3A_182 : i32
      %rem3A_184 = arith.constant 16 : i32
      %rem3A_185 = arith.remsi %add3A_177, %rem3A_184 : i32
      %dma_wait3A_186 = arith.constant 0 : i32
      %dma_wait3A_187 = arith.constant 0 : i32
      %dma_wait3A_188 = arith.constant 0 : i32
      %dma_wait3A_189 = arith.constant 0 : i32
      %dma_wait3A_190 = tpu.memref_slice %arg9[%rem3A_179, %dma_wait3A_188, %dma_wait3A_189] : memref<4x64x128xf32, #tpu.memory_space<vmem>> -> memref<1x64x128xf32, #tpu.memory_space<vmem>>
      %dma_wait3A_191 = tpu.memref_squeeze %dma_wait3A_190 : memref<1x64x128xf32, #tpu.memory_space<vmem>> -> memref<64x128xf32, #tpu.memory_space<vmem>>
      %dma_wait3A_192 = arith.constant 0 : i32
      %dma_wait3A_193 = tpu.memref_slice %arg7[%dma_wait3A_186, %dma_wait3A_187, %dma_wait3A_192] : memref<3x16x64xi32, #tpu.memory_space<vmem>> -> memref<1x1x64xi32, #tpu.memory_space<vmem>>
      %dma_wait3A_194 = tpu.memref_squeeze %dma_wait3A_193 : memref<1x1x64xi32, #tpu.memory_space<vmem>> -> memref<64xi32, #tpu.memory_space<vmem>>
      %dma_wait3A_195 = arith.constant 0 : i32
      %dma_wait3A_196 = arith.constant 0 : i32
      %dma_wait3A_197 = tpu.memref_slice %arg2[%dma_wait3A_195, %dma_wait3A_196] : memref<10240x128xf32, #tpu.memory_space<hbm>> -> memref<10240x128xf32, #tpu.memory_space<hbm>>
      tpu.wait_indirect_dma semaphore(%arg12 : memref<!tpu.dma_semaphore, #tpu.memory_space<semaphore_mem>>) src(%dma_wait3A_197 : memref<10240x128xf32, #tpu.memory_space<hbm>>) dst(%dma_wait3A_191 : memref<64x128xf32, #tpu.memory_space<vmem>>)
      %dma_start3A_198 = arith.constant 0 : i32
      %dma_start3A_199 = arith.constant 0 : i32
      %dma_start3A_200 = tpu.memref_slice %arg9[%rem3A_179, %dma_start3A_198, %dma_start3A_199] : memref<4x64x128xf32, #tpu.memory_space<vmem>> -> memref<1x64x128xf32, #tpu.memory_space<vmem>>
      %dma_start3A_201 = tpu.memref_squeeze %dma_start3A_200 : memref<1x64x128xf32, #tpu.memory_space<vmem>> -> memref<64x128xf32, #tpu.memory_space<vmem>>
      %dma_start3A_202 = arith.constant 0 : i32
      %dma_start3A_203 = tpu.memref_slice %arg8[%rem3A_183, %rem3A_185, %dma_start3A_202] : memref<3x16x64xi32, #tpu.memory_space<vmem>> -> memref<1x1x64xi32, #tpu.memory_space<vmem>>
      %dma_start3A_204 = tpu.memref_squeeze %dma_start3A_203 : memref<1x1x64xi32, #tpu.memory_space<vmem>> -> memref<64xi32, #tpu.memory_space<vmem>>
      %dma_start3A_205 = arith.constant 0 : i32
      %dma_start3A_206 = arith.constant 0 : i32
      %dma_start3A_207 = tpu.memref_slice %arg11[%dma_start3A_205, %dma_start3A_206] : memref<10240x128xf32, #tpu.memory_space<vmem_shared>> -> memref<10240x128xf32, #tpu.memory_space<vmem_shared>>
      tpu.enqueue_indirect_dma source(%dma_start3A_201 : memref<64x128xf32, #tpu.memory_space<vmem>>) target(%dma_start3A_207 : memref<10240x128xf32, #tpu.memory_space<vmem_shared>>) offsets(%dma_start3A_204 : memref<64xi32, #tpu.memory_space<vmem>>) semaphore(%arg13 : memref<!tpu.dma_semaphore, #tpu.memory_space<semaphore_mem>>) {add = true}
      %dma_start3A_208 = arith.constant 0 : i32
      %dma_start3A_209 = tpu.memref_slice %arg8[%rem3A_183, %rem3A_185, %dma_start3A_208] : memref<3x16x64xi32, #tpu.memory_space<vmem>> -> memref<1x1x64xi32, #tpu.memory_space<vmem>>
      %dma_start3A_210 = tpu.memref_squeeze %dma_start3A_209 : memref<1x1x64xi32, #tpu.memory_space<vmem>> -> memref<64xi32, #tpu.memory_space<vmem>>
      %dma_start3A_211 = arith.constant 0 : i32
      %dma_start3A_212 = tpu.memref_slice %arg17[%dma_start3A_211] : memref<10240xf32, #tpu.memory_space<vmem_shared>> -> memref<10240xf32, #tpu.memory_space<vmem_shared>>
      tpu.enqueue_indirect_dma source(%arg16 : memref<64xf32, #tpu.memory_space<vmem>>) target(%dma_start3A_212 : memref<10240xf32, #tpu.memory_space<vmem_shared>>) offsets(%dma_start3A_210 : memref<64xi32, #tpu.memory_space<vmem>>) semaphore(%arg18 : memref<!tpu.dma_semaphore, #tpu.memory_space<semaphore_mem>>) {add = true}
      %add3A_213 = arith.constant 4 : i32
      %add3A_214 = arith.addi %add3A_177, %add3A_213 : i32
      %sub3A = arith.constant 1 : i32
      %sub3A_215 = arith.subi %add3A_214, %sub3A : i32
      %lt3A = arith.constant 160 : i32
      %lt3A_216 = arith.cmpi slt, %sub3A_215, %lt3A : i32
      %convert_element_type3A_217 = arith.extui %lt3A_216 : i1 to i32
      %cond3A_218 = arith.constant 0 : i32
      %cond3A_219 = arith.cmpi ne, %convert_element_type3A_217, %cond3A_218 : i32
      scf.if %cond3A_219 {
        %ge3A = arith.constant 1 : i32
        %ge3A_220 = arith.cmpi sge, %add3A_177, %ge3A : i32
        %convert_element_type3A_221 = arith.extui %ge3A_220 : i1 to i32
        %cond3A_222 = arith.constant 0 : i32
        %cond3A_223 = arith.cmpi ne, %convert_element_type3A_221, %cond3A_222 : i32
        scf.if %cond3A_223 {
          %sub3A_249 = arith.constant 1 : i32
          %sub3A_250 = arith.subi %add3A_177, %sub3A_249 : i32
          %rem3A_251 = arith.constant 4 : i32
          %rem3A_252 = arith.remsi %sub3A_250, %rem3A_251 : i32
          %dma_wait3A_253 = arith.constant 0 : i32
          %dma_wait3A_254 = arith.constant 0 : i32
          %dma_wait3A_255 = arith.constant 0 : i32
          %dma_wait3A_256 = arith.constant 0 : i32
          %dma_wait3A_257 = tpu.memref_slice %arg9[%rem3A_252, %dma_wait3A_255, %dma_wait3A_256] : memref<4x64x128xf32, #tpu.memory_space<vmem>> -> memref<1x64x128xf32, #tpu.memory_space<vmem>>
          %dma_wait3A_258 = tpu.memref_squeeze %dma_wait3A_257 : memref<1x64x128xf32, #tpu.memory_space<vmem>> -> memref<64x128xf32, #tpu.memory_space<vmem>>
          %dma_wait3A_259 = arith.constant 0 : i32
          %dma_wait3A_260 = tpu.memref_slice %arg8[%dma_wait3A_253, %dma_wait3A_254, %dma_wait3A_259] : memref<3x16x64xi32, #tpu.memory_space<vmem>> -> memref<1x1x64xi32, #tpu.memory_space<vmem>>
          %dma_wait3A_261 = tpu.memref_squeeze %dma_wait3A_260 : memref<1x1x64xi32, #tpu.memory_space<vmem>> -> memref<64xi32, #tpu.memory_space<vmem>>
          %dma_wait3A_262 = arith.constant 0 : i32
          %dma_wait3A_263 = arith.constant 0 : i32
          %dma_wait3A_264 = tpu.memref_slice %arg11[%dma_wait3A_262, %dma_wait3A_263] : memref<10240x128xf32, #tpu.memory_space<vmem_shared>> -> memref<10240x128xf32, #tpu.memory_space<vmem_shared>>
          tpu.wait_indirect_dma semaphore(%arg13 : memref<!tpu.dma_semaphore, #tpu.memory_space<semaphore_mem>>) src(%dma_wait3A_258 : memref<64x128xf32, #tpu.memory_space<vmem>>) dst(%dma_wait3A_264 : memref<10240x128xf32, #tpu.memory_space<vmem_shared>>)
        } else {
        }
        %div3A_224 = arith.constant 16 : i32
        %div3A_225 = arith.divsi %sub3A_215, %div3A_224 : i32
        %rem3A_226 = arith.constant 3 : i32
        %rem3A_227 = arith.remsi %div3A_225, %rem3A_226 : i32
        %rem3A_228 = arith.constant 16 : i32
        %rem3A_229 = arith.remsi %sub3A_215, %rem3A_228 : i32
        %eq3A_230 = arith.constant 0 : i32
        %eq3A_231 = arith.cmpi eq, %rem3A_229, %eq3A_230 : i32
        %convert_element_type3A_232 = arith.extui %eq3A_231 : i1 to i32
        %cond3A_233 = arith.constant 0 : i32
        %cond3A_234 = arith.cmpi ne, %convert_element_type3A_232, %cond3A_233 : i32
        scf.if %cond3A_234 {
          %mul3A_249 = arith.constant 160 : i32
          %mul3A_250 = arith.muli %add3A, %mul3A_249 : i32
          %dma_wait3A_251 = arith.constant 0 : i32
          %dma_wait3A_252 = arith.constant 0 : i32
          %dma_wait3A_253 = tpu.memref_slice %arg7[%rem3A_227, %dma_wait3A_251, %dma_wait3A_252] : memref<3x16x64xi32, #tpu.memory_space<vmem>> -> memref<1x16x64xi32, #tpu.memory_space<vmem>>
          %dma_wait3A_254 = tpu.memref_squeeze %dma_wait3A_253 : memref<1x16x64xi32, #tpu.memory_space<vmem>> -> memref<16x64xi32, #tpu.memory_space<vmem>>
          %dma_wait3A_255 = arith.constant 0 : i32
          %dma_wait3A_256 = tpu.memref_slice %arg3[%mul3A_250, %dma_wait3A_255] : memref<5120x64xi32, #tpu.memory_space<hbm>> -> memref<16x64xi32, #tpu.memory_space<hbm>>
          %dma_wait3A_257 = arith.constant 0 : i32
          %dma_wait3A_258 = arith.constant 0 : i32
          %dma_wait3A_259 = tpu.memref_slice %arg7[%rem3A_227, %dma_wait3A_257, %dma_wait3A_258] : memref<3x16x64xi32, #tpu.memory_space<vmem>> -> memref<1x16x64xi32, #tpu.memory_space<vmem>>
          %dma_wait3A_260 = tpu.memref_squeeze %dma_wait3A_259 : memref<1x16x64xi32, #tpu.memory_space<vmem>> -> memref<16x64xi32, #tpu.memory_space<vmem>>
          %dma_wait3A_261 = arith.constant 0 : i32
          %dma_wait3A_262 = tpu.memref_slice %arg3[%mul3A_250, %dma_wait3A_261] : memref<5120x64xi32, #tpu.memory_space<hbm>> -> memref<16x64xi32, #tpu.memory_space<hbm>>
          tpu.wait_dma2 semaphore(%arg14 : memref<!tpu.dma_semaphore, #tpu.memory_space<semaphore_mem>>) src(%dma_wait3A_262 : memref<16x64xi32, #tpu.memory_space<hbm>>) dst(%dma_wait3A_260 : memref<16x64xi32, #tpu.memory_space<vmem>>)
          %dma_wait3A_263 = arith.constant 0 : i32
          %dma_wait3A_264 = arith.constant 0 : i32
          %dma_wait3A_265 = tpu.memref_slice %arg8[%rem3A_227, %dma_wait3A_263, %dma_wait3A_264] : memref<3x16x64xi32, #tpu.memory_space<vmem>> -> memref<1x16x64xi32, #tpu.memory_space<vmem>>
          %dma_wait3A_266 = tpu.memref_squeeze %dma_wait3A_265 : memref<1x16x64xi32, #tpu.memory_space<vmem>> -> memref<16x64xi32, #tpu.memory_space<vmem>>
          %dma_wait3A_267 = arith.constant 0 : i32
          %dma_wait3A_268 = tpu.memref_slice %arg4[%mul3A_250, %dma_wait3A_267] : memref<5120x64xi32, #tpu.memory_space<hbm>> -> memref<16x64xi32, #tpu.memory_space<hbm>>
          %dma_wait3A_269 = arith.constant 0 : i32
          %dma_wait3A_270 = arith.constant 0 : i32
          %dma_wait3A_271 = tpu.memref_slice %arg8[%rem3A_227, %dma_wait3A_269, %dma_wait3A_270] : memref<3x16x64xi32, #tpu.memory_space<vmem>> -> memref<1x16x64xi32, #tpu.memory_space<vmem>>
          %dma_wait3A_272 = tpu.memref_squeeze %dma_wait3A_271 : memref<1x16x64xi32, #tpu.memory_space<vmem>> -> memref<16x64xi32, #tpu.memory_space<vmem>>
          %dma_wait3A_273 = arith.constant 0 : i32
          %dma_wait3A_274 = tpu.memref_slice %arg4[%mul3A_250, %dma_wait3A_273] : memref<5120x64xi32, #tpu.memory_space<hbm>> -> memref<16x64xi32, #tpu.memory_space<hbm>>
          tpu.wait_dma2 semaphore(%arg14 : memref<!tpu.dma_semaphore, #tpu.memory_space<semaphore_mem>>) src(%dma_wait3A_274 : memref<16x64xi32, #tpu.memory_space<hbm>>) dst(%dma_wait3A_272 : memref<16x64xi32, #tpu.memory_space<vmem>>)
          %add3A_275 = arith.constant 1 : i32
          %add3A_276 = arith.addi %div3A_225, %add3A_275 : i32
          %lt3A_277 = arith.constant 10 : i32
          %lt3A_278 = arith.cmpi slt, %add3A_276, %lt3A_277 : i32
          %convert_element_type3A_279 = arith.extui %lt3A_278 : i1 to i32
          %cond3A_280 = arith.constant 0 : i32
          %cond3A_281 = arith.cmpi ne, %convert_element_type3A_279, %cond3A_280 : i32
          scf.if %cond3A_281 {
            %add3A_282 = arith.constant 1 : i32
            %add3A_283 = arith.addi %div3A_225, %add3A_282 : i32
            %add3A_284 = arith.constant 1 : i32
            %add3A_285 = arith.addi %div3A_225, %add3A_284 : i32
            %rem3A_286 = arith.constant 3 : i32
            %rem3A_287 = arith.remsi %add3A_285, %rem3A_286 : i32
            %mul3A_288 = arith.constant 160 : i32
            %mul3A_289 = arith.muli %add3A, %mul3A_288 : i32
            %mul3A_290 = arith.constant 16 : i32
            %mul3A_291 = arith.muli %add3A_283, %mul3A_290 : i32
            %add3A_292 = arith.addi %mul3A_289, %mul3A_291 : i32
            %multiple_of3A_293 = tpu.assume_multiple %add3A_292, 16 : i32
            %dma_start3A_294 = arith.constant 0 : i32
            %dma_start3A_295 = arith.constant 0 : i32
            %dma_start3A_296 = tpu.memref_slice %arg7[%rem3A_287, %dma_start3A_294, %dma_start3A_295] : memref<3x16x64xi32, #tpu.memory_space<vmem>> -> memref<1x16x64xi32, #tpu.memory_space<vmem>>
            %dma_start3A_297 = tpu.memref_squeeze %dma_start3A_296 : memref<1x16x64xi32, #tpu.memory_space<vmem>> -> memref<16x64xi32, #tpu.memory_space<vmem>>
            %dma_start3A_298 = arith.constant 0 : i32
            %dma_start3A_299 = tpu.memref_slice %arg3[%multiple_of3A_293, %dma_start3A_298] : memref<5120x64xi32, #tpu.memory_space<hbm>> -> memref<16x64xi32, #tpu.memory_space<hbm>>
            %dma_start3A_300 = arith.constant 0 : i32
            %dma_start3A_301 = arith.constant 0 : i32
            %dma_start3A_302 = tpu.memref_slice %arg7[%rem3A_287, %dma_start3A_300, %dma_start3A_301] : memref<3x16x64xi32, #tpu.memory_space<vmem>> -> memref<1x16x64xi32, #tpu.memory_space<vmem>>
            %dma_start3A_303 = tpu.memref_squeeze %dma_start3A_302 : memref<1x16x64xi32, #tpu.memory_space<vmem>> -> memref<16x64xi32, #tpu.memory_space<vmem>>
            %dma_start3A_304 = arith.constant 0 : i32
            %dma_start3A_305 = tpu.memref_slice %arg3[%multiple_of3A_293, %dma_start3A_304] : memref<5120x64xi32, #tpu.memory_space<hbm>> -> memref<16x64xi32, #tpu.memory_space<hbm>>
            tpu.enqueue_dma source(%dma_start3A_305 : memref<16x64xi32, #tpu.memory_space<hbm>>) target(%dma_start3A_303 : memref<16x64xi32, #tpu.memory_space<vmem>>) target_semaphore(%arg14 : memref<!tpu.dma_semaphore, #tpu.memory_space<semaphore_mem>>)
            %dma_start3A_306 = arith.constant 0 : i32
            %dma_start3A_307 = arith.constant 0 : i32
            %dma_start3A_308 = tpu.memref_slice %arg8[%rem3A_287, %dma_start3A_306, %dma_start3A_307] : memref<3x16x64xi32, #tpu.memory_space<vmem>> -> memref<1x16x64xi32, #tpu.memory_space<vmem>>
            %dma_start3A_309 = tpu.memref_squeeze %dma_start3A_308 : memref<1x16x64xi32, #tpu.memory_space<vmem>> -> memref<16x64xi32, #tpu.memory_space<vmem>>
            %dma_start3A_310 = arith.constant 0 : i32
            %dma_start3A_311 = tpu.memref_slice %arg4[%multiple_of3A_293, %dma_start3A_310] : memref<5120x64xi32, #tpu.memory_space<hbm>> -> memref<16x64xi32, #tpu.memory_space<hbm>>
            %dma_start3A_312 = arith.constant 0 : i32
            %dma_start3A_313 = arith.constant 0 : i32
            %dma_start3A_314 = tpu.memref_slice %arg8[%rem3A_287, %dma_start3A_312, %dma_start3A_313] : memref<3x16x64xi32, #tpu.memory_space<vmem>> -> memref<1x16x64xi32, #tpu.memory_space<vmem>>
            %dma_start3A_315 = tpu.memref_squeeze %dma_start3A_314 : memref<1x16x64xi32, #tpu.memory_space<vmem>> -> memref<16x64xi32, #tpu.memory_space<vmem>>
            %dma_start3A_316 = arith.constant 0 : i32
            %dma_start3A_317 = tpu.memref_slice %arg4[%multiple_of3A_293, %dma_start3A_316] : memref<5120x64xi32, #tpu.memory_space<hbm>> -> memref<16x64xi32, #tpu.memory_space<hbm>>
            tpu.enqueue_dma source(%dma_start3A_317 : memref<16x64xi32, #tpu.memory_space<hbm>>) target(%dma_start3A_315 : memref<16x64xi32, #tpu.memory_space<vmem>>) target_semaphore(%arg14 : memref<!tpu.dma_semaphore, #tpu.memory_space<semaphore_mem>>)
          } else {
          }
        } else {
        }
        %rem3A_235 = arith.constant 16 : i32
        %rem3A_236 = arith.remsi %sub3A_215, %rem3A_235 : i32
        %rem3A_237 = arith.constant 4 : i32
        %rem3A_238 = arith.remsi %sub3A_215, %rem3A_237 : i32
        %dma_start3A_239 = arith.constant 0 : i32
        %dma_start3A_240 = arith.constant 0 : i32
        %dma_start3A_241 = tpu.memref_slice %arg9[%rem3A_238, %dma_start3A_239, %dma_start3A_240] : memref<4x64x128xf32, #tpu.memory_space<vmem>> -> memref<1x64x128xf32, #tpu.memory_space<vmem>>
        %dma_start3A_242 = tpu.memref_squeeze %dma_start3A_241 : memref<1x64x128xf32, #tpu.memory_space<vmem>> -> memref<64x128xf32, #tpu.memory_space<vmem>>
        %dma_start3A_243 = arith.constant 0 : i32
        %dma_start3A_244 = tpu.memref_slice %arg7[%rem3A_227, %rem3A_236, %dma_start3A_243] : memref<3x16x64xi32, #tpu.memory_space<vmem>> -> memref<1x1x64xi32, #tpu.memory_space<vmem>>
        %dma_start3A_245 = tpu.memref_squeeze %dma_start3A_244 : memref<1x1x64xi32, #tpu.memory_space<vmem>> -> memref<64xi32, #tpu.memory_space<vmem>>
        %dma_start3A_246 = arith.constant 0 : i32
        %dma_start3A_247 = arith.constant 0 : i32
        %dma_start3A_248 = tpu.memref_slice %arg2[%dma_start3A_246, %dma_start3A_247] : memref<10240x128xf32, #tpu.memory_space<hbm>> -> memref<10240x128xf32, #tpu.memory_space<hbm>>
        tpu.enqueue_indirect_dma source(%dma_start3A_248 : memref<10240x128xf32, #tpu.memory_space<hbm>>) target(%dma_start3A_242 : memref<64x128xf32, #tpu.memory_space<vmem>>) offsets(%dma_start3A_245 : memref<64xi32, #tpu.memory_space<vmem>>) semaphore(%arg12 : memref<!tpu.dma_semaphore, #tpu.memory_space<semaphore_mem>>)
      } else {
      }
    }
    %scan3A_145 = arith.constant 160 : i32
    %scan3A_146 = arith.constant 0 : i32
    %scan3A_147 = arith.constant 4 : i32
    %scan3A_148 = arith.addi %scan3A_146, %scan3A_147 : i32
    %scan3A_149 = arith.constant 1 : i32
    scf.for %scan3A_173 = %scan3A_146 to %scan3A_148 step %scan3A_149  : i32 {
      %mul3A_174 = arith.constant 1 : i32
      %mul3A_175 = arith.muli %scan3A_173, %mul3A_174 : i32
      %add3A_176 = arith.constant 0 : i32
      %add3A_177 = arith.addi %add3A_176, %mul3A_175 : i32
      %rem3A_178 = arith.constant 4 : i32
      %rem3A_179 = arith.remsi %add3A_177, %rem3A_178 : i32
      %dma_wait3A_180 = arith.constant 0 : i32
      %dma_wait3A_181 = arith.constant 0 : i32
      %dma_wait3A_182 = arith.constant 0 : i32
      %dma_wait3A_183 = arith.constant 0 : i32
      %dma_wait3A_184 = tpu.memref_slice %arg9[%rem3A_179, %dma_wait3A_182, %dma_wait3A_183] : memref<4x64x128xf32, #tpu.memory_space<vmem>> -> memref<1x64x128xf32, #tpu.memory_space<vmem>>
      %dma_wait3A_185 = tpu.memref_squeeze %dma_wait3A_184 : memref<1x64x128xf32, #tpu.memory_space<vmem>> -> memref<64x128xf32, #tpu.memory_space<vmem>>
      %dma_wait3A_186 = arith.constant 0 : i32
      %dma_wait3A_187 = tpu.memref_slice %arg8[%dma_wait3A_180, %dma_wait3A_181, %dma_wait3A_186] : memref<3x16x64xi32, #tpu.memory_space<vmem>> -> memref<1x1x64xi32, #tpu.memory_space<vmem>>
      %dma_wait3A_188 = tpu.memref_squeeze %dma_wait3A_187 : memref<1x1x64xi32, #tpu.memory_space<vmem>> -> memref<64xi32, #tpu.memory_space<vmem>>
      %dma_wait3A_189 = arith.constant 0 : i32
      %dma_wait3A_190 = arith.constant 0 : i32
      %dma_wait3A_191 = tpu.memref_slice %arg11[%dma_wait3A_189, %dma_wait3A_190] : memref<10240x128xf32, #tpu.memory_space<vmem_shared>> -> memref<10240x128xf32, #tpu.memory_space<vmem_shared>>
      tpu.wait_indirect_dma semaphore(%arg13 : memref<!tpu.dma_semaphore, #tpu.memory_space<semaphore_mem>>) src(%dma_wait3A_185 : memref<64x128xf32, #tpu.memory_space<vmem>>) dst(%dma_wait3A_191 : memref<10240x128xf32, #tpu.memory_space<vmem_shared>>)
    }
    %scan3A_150 = arith.constant 4 : i32
    %scan3A_151 = arith.constant 0 : i32
    %scan3A_152 = arith.constant 160 : i32
    %scan3A_153 = arith.addi %scan3A_151, %scan3A_152 : i32
    %scan3A_154 = arith.constant 1 : i32
    scf.for %scan3A_173 = %scan3A_151 to %scan3A_153 step %scan3A_154  : i32 {
      %mul3A_174 = arith.constant 1 : i32
      %mul3A_175 = arith.muli %scan3A_173, %mul3A_174 : i32
      %add3A_176 = arith.constant 0 : i32
      %add3A_177 = arith.addi %add3A_176, %mul3A_175 : i32
      %dma_wait3A_178 = arith.constant 0 : i32
      %dma_wait3A_179 = arith.constant 0 : i32
      %dma_wait3A_180 = arith.constant 0 : i32
      %dma_wait3A_181 = tpu.memref_slice %arg8[%dma_wait3A_178, %dma_wait3A_179, %dma_wait3A_180] : memref<3x16x64xi32, #tpu.memory_space<vmem>> -> memref<1x1x64xi32, #tpu.memory_space<vmem>>
      %dma_wait3A_182 = tpu.memref_squeeze %dma_wait3A_181 : memref<1x1x64xi32, #tpu.memory_space<vmem>> -> memref<64xi32, #tpu.memory_space<vmem>>
      %dma_wait3A_183 = arith.constant 0 : i32
      %dma_wait3A_184 = tpu.memref_slice %arg17[%dma_wait3A_183] : memref<10240xf32, #tpu.memory_space<vmem_shared>> -> memref<10240xf32, #tpu.memory_space<vmem_shared>>
      tpu.wait_indirect_dma semaphore(%arg18 : memref<!tpu.dma_semaphore, #tpu.memory_space<semaphore_mem>>) src(%arg16 : memref<64xf32, #tpu.memory_space<vmem>>) dst(%dma_wait3A_184 : memref<10240xf32, #tpu.memory_space<vmem_shared>>)
    }
    %scan3A_155 = arith.constant 160 : i32
    %barrier3A_156 = arith.constant 0 : index
    tpu.barrier barrier_id(%barrier3A_156)
    %dma_start3A_157 = arith.constant 0 : i32
    %dma_start3A_158 = tpu.memref_slice %arg5[%arg0, %mul3A_2, %dma_start3A_157] : memref<2x10240x128xf32, #tpu.memory_space<hbm>> -> memref<1x640x128xf32, #tpu.memory_space<hbm>>
    %dma_start3A_159 = tpu.memref_squeeze %dma_start3A_158 : memref<1x640x128xf32, #tpu.memory_space<hbm>> -> memref<640x128xf32, #tpu.memory_space<hbm>>
    %dma_start3A_160 = arith.constant 0 : i32
    %dma_start3A_161 = tpu.memref_slice %arg11[%mul3A_2, %dma_start3A_160] : memref<10240x128xf32, #tpu.memory_space<vmem_shared>> -> memref<640x128xf32, #tpu.memory_space<vmem_shared>>
    tpu.enqueue_dma source(%dma_start3A_161 : memref<640x128xf32, #tpu.memory_space<vmem_shared>>) target(%dma_start3A_159 : memref<640x128xf32, #tpu.memory_space<hbm>>) target_semaphore(%arg13 : memref<!tpu.dma_semaphore, #tpu.memory_space<semaphore_mem>>)
    %dma_start3A_162 = tpu.memref_slice %arg6[%arg0, %mul3A_2] : memref<2x10240xf32, #tpu.memory_space<hbm>> -> memref<1x640xf32, #tpu.memory_space<hbm>>
    %dma_start3A_163 = tpu.memref_squeeze %dma_start3A_162 : memref<1x640xf32, #tpu.memory_space<hbm>> -> memref<640xf32, #tpu.memory_space<hbm>>
    %dma_start3A_164 = tpu.memref_slice %arg17[%mul3A_2] : memref<10240xf32, #tpu.memory_space<vmem_shared>> -> memref<640xf32, #tpu.memory_space<vmem_shared>>
    tpu.enqueue_dma source(%dma_start3A_164 : memref<640xf32, #tpu.memory_space<vmem_shared>>) target(%dma_start3A_163 : memref<640xf32, #tpu.memory_space<hbm>>) target_semaphore(%arg18 : memref<!tpu.dma_semaphore, #tpu.memory_space<semaphore_mem>>)
    %dma_wait3A_165 = arith.constant 0 : i32
    %dma_wait3A_166 = tpu.memref_slice %arg5[%arg0, %mul3A_2, %dma_wait3A_165] : memref<2x10240x128xf32, #tpu.memory_space<hbm>> -> memref<1x640x128xf32, #tpu.memory_space<hbm>>
    %dma_wait3A_167 = tpu.memref_squeeze %dma_wait3A_166 : memref<1x640x128xf32, #tpu.memory_space<hbm>> -> memref<640x128xf32, #tpu.memory_space<hbm>>
    %dma_wait3A_168 = arith.constant 0 : i32
    %dma_wait3A_169 = tpu.memref_slice %arg11[%mul3A_2, %dma_wait3A_168] : memref<10240x128xf32, #tpu.memory_space<vmem_shared>> -> memref<640x128xf32, #tpu.memory_space<vmem_shared>>
    tpu.wait_dma2 semaphore(%arg13 : memref<!tpu.dma_semaphore, #tpu.memory_space<semaphore_mem>>) src(%dma_wait3A_169 : memref<640x128xf32, #tpu.memory_space<vmem_shared>>) dst(%dma_wait3A_167 : memref<640x128xf32, #tpu.memory_space<hbm>>)
    %dma_wait3A_170 = tpu.memref_slice %arg6[%arg0, %mul3A_2] : memref<2x10240xf32, #tpu.memory_space<hbm>> -> memref<1x640xf32, #tpu.memory_space<hbm>>
    %dma_wait3A_171 = tpu.memref_squeeze %dma_wait3A_170 : memref<1x640xf32, #tpu.memory_space<hbm>> -> memref<640xf32, #tpu.memory_space<hbm>>
    %dma_wait3A_172 = tpu.memref_slice %arg17[%mul3A_2] : memref<10240xf32, #tpu.memory_space<vmem_shared>> -> memref<640xf32, #tpu.memory_space<vmem_shared>>
    tpu.wait_dma2 semaphore(%arg18 : memref<!tpu.dma_semaphore, #tpu.memory_space<semaphore_mem>>) src(%dma_wait3A_172 : memref<640xf32, #tpu.memory_space<vmem_shared>>) dst(%dma_wait3A_171 : memref<640xf32, #tpu.memory_space<hbm>>)
    return
  }
}

#map = affine_map<(d0, d1) -> (0, 0)>
#map1 = affine_map<(d0, d1) -> (0, 0, 0)>
module attributes {stable_mosaic.version = 14 : i64} {
  func.func @k(%arg0: i32, %arg1: i32, %arg2: memref<10240x128xf32, #tpu.memory_space<hbm>>, %arg3: memref<5120x64xi32, #tpu.memory_space<hbm>>, %arg4: memref<5120x64xi32, #tpu.memory_space<hbm>>, %arg5: memref<2x10240x128xf32, #tpu.memory_space<hbm>>, %arg6: memref<3x16x64xi32, #tpu.memory_space<vmem>>, %arg7: memref<3x16x64xi32, #tpu.memory_space<vmem>>, %arg8: memref<4x64x128xf32, #tpu.memory_space<vmem>>, %arg9: memref<16x128xf32, #tpu.memory_space<vmem>>, %arg10: memref<10240x128xf32, #tpu.memory_space<vmem_shared>>, %arg11: memref<!tpu.dma_semaphore, #tpu.memory_space<semaphore_mem>>, %arg12: memref<!tpu.dma_semaphore, #tpu.memory_space<semaphore_mem>>, %arg13: memref<!tpu.dma_semaphore, #tpu.memory_space<semaphore_mem>>) attributes {dimension_semantics = [#tpu.dimension_semantics<core_parallel>, #tpu.dimension_semantics<subcore_parallel>], iteration_bounds = array<i64: 2, 16>, scalar_prefetch = 0 : i64, scratch_operands = 8 : i64, tpu.core_type = #tpu.core_type<sc_vector_subcore>, window_params = [{transform_indices = #map}, {transform_indices = #map}, {transform_indices = #map}, {transform_indices = #map1}]} {
    %mul3A = arith.constant 16 : i32
    %mul3A_0 = arith.muli %arg0, %mul3A : i32
    %add3A = arith.addi %mul3A_0, %arg1 : i32
    %mul3A_1 = arith.constant 640 : i32
    %mul3A_2 = arith.muli %arg1, %mul3A_1 : i32
    %mul3A_3 = arith.constant 160 : i32
    %mul3A_4 = arith.muli %add3A, %mul3A_3 : i32
    %add3A_5 = arith.constant 0 : i32
    %add3A_6 = arith.addi %mul3A_4, %add3A_5 : i32
    %multiple_of3A = tpu.assume_multiple %add3A_6, 16 : i32
    %dma_start3A = arith.constant 0 : i32
    %dma_start3A_7 = arith.constant 0 : i32
    %dma_start3A_8 = arith.constant 0 : i32
    %dma_start3A_9 = tpu.memref_slice %arg6[%dma_start3A, %dma_start3A_7, %dma_start3A_8] : memref<3x16x64xi32, #tpu.memory_space<vmem>> -> memref<1x16x64xi32, #tpu.memory_space<vmem>>
    %dma_start3A_10 = tpu.memref_squeeze %dma_start3A_9 : memref<1x16x64xi32, #tpu.memory_space<vmem>> -> memref<16x64xi32, #tpu.memory_space<vmem>>
    %dma_start3A_11 = arith.constant 0 : i32
    %dma_start3A_12 = tpu.memref_slice %arg3[%multiple_of3A, %dma_start3A_11] : memref<5120x64xi32, #tpu.memory_space<hbm>> -> memref<16x64xi32, #tpu.memory_space<hbm>>
    %dma_start3A_13 = arith.constant 0 : i32
    %dma_start3A_14 = arith.constant 0 : i32
    %dma_start3A_15 = tpu.memref_slice %arg6[%dma_start3A, %dma_start3A_13, %dma_start3A_14] : memref<3x16x64xi32, #tpu.memory_space<vmem>> -> memref<1x16x64xi32, #tpu.memory_space<vmem>>
    %dma_start3A_16 = tpu.memref_squeeze %dma_start3A_15 : memref<1x16x64xi32, #tpu.memory_space<vmem>> -> memref<16x64xi32, #tpu.memory_space<vmem>>
    %dma_start3A_17 = arith.constant 0 : i32
    %dma_start3A_18 = tpu.memref_slice %arg3[%multiple_of3A, %dma_start3A_17] : memref<5120x64xi32, #tpu.memory_space<hbm>> -> memref<16x64xi32, #tpu.memory_space<hbm>>
    tpu.enqueue_dma source(%dma_start3A_18 : memref<16x64xi32, #tpu.memory_space<hbm>>) target(%dma_start3A_16 : memref<16x64xi32, #tpu.memory_space<vmem>>) target_semaphore(%arg13 : memref<!tpu.dma_semaphore, #tpu.memory_space<semaphore_mem>>)
    %dma_start3A_19 = arith.constant 0 : i32
    %dma_start3A_20 = arith.constant 0 : i32
    %dma_start3A_21 = arith.constant 0 : i32
    %dma_start3A_22 = tpu.memref_slice %arg7[%dma_start3A_19, %dma_start3A_20, %dma_start3A_21] : memref<3x16x64xi32, #tpu.memory_space<vmem>> -> memref<1x16x64xi32, #tpu.memory_space<vmem>>
    %dma_start3A_23 = tpu.memref_squeeze %dma_start3A_22 : memref<1x16x64xi32, #tpu.memory_space<vmem>> -> memref<16x64xi32, #tpu.memory_space<vmem>>
    %dma_start3A_24 = arith.constant 0 : i32
    %dma_start3A_25 = tpu.memref_slice %arg4[%multiple_of3A, %dma_start3A_24] : memref<5120x64xi32, #tpu.memory_space<hbm>> -> memref<16x64xi32, #tpu.memory_space<hbm>>
    %dma_start3A_26 = arith.constant 0 : i32
    %dma_start3A_27 = arith.constant 0 : i32
    %dma_start3A_28 = tpu.memref_slice %arg7[%dma_start3A_19, %dma_start3A_26, %dma_start3A_27] : memref<3x16x64xi32, #tpu.memory_space<vmem>> -> memref<1x16x64xi32, #tpu.memory_space<vmem>>
    %dma_start3A_29 = tpu.memref_squeeze %dma_start3A_28 : memref<1x16x64xi32, #tpu.memory_space<vmem>> -> memref<16x64xi32, #tpu.memory_space<vmem>>
    %dma_start3A_30 = arith.constant 0 : i32
    %dma_start3A_31 = tpu.memref_slice %arg4[%multiple_of3A, %dma_start3A_30] : memref<5120x64xi32, #tpu.memory_space<hbm>> -> memref<16x64xi32, #tpu.memory_space<hbm>>
    tpu.enqueue_dma source(%dma_start3A_31 : memref<16x64xi32, #tpu.memory_space<hbm>>) target(%dma_start3A_29 : memref<16x64xi32, #tpu.memory_space<vmem>>) target_semaphore(%arg13 : memref<!tpu.dma_semaphore, #tpu.memory_space<semaphore_mem>>)
    %scan3A = arith.constant 0 : i32
    %scan3A_32 = arith.constant 16 : i32
    %scan3A_33 = arith.addi %scan3A, %scan3A_32 : i32
    %scan3A_34 = arith.constant 1 : i32
    scf.for %scan3A_148 = %scan3A to %scan3A_33 step %scan3A_34  : i32 {
      %mul3A_149 = arith.constant 1 : i32
      %mul3A_150 = arith.muli %scan3A_148, %mul3A_149 : i32
      %add3A_151 = arith.constant 0 : i32
      %add3A_152 = arith.addi %add3A_151, %mul3A_150 : i32
      %scan3A_153 = arith.constant 0 : i32
      %scan3A_154 = arith.constant 8 : i32
      %scan3A_155 = arith.addi %scan3A_153, %scan3A_154 : i32
      %scan3A_156 = arith.constant 1 : i32
      scf.for %scan3A_158 = %scan3A_153 to %scan3A_155 step %scan3A_156  : i32 {
        %mul3A_159 = arith.constant 16 : i32
        %mul3A_160 = arith.muli %scan3A_158, %mul3A_159 : i32
        %add3A_161 = arith.constant 0 : i32
        %add3A_162 = arith.addi %add3A_161, %mul3A_160 : i32
        %broadcast_in_dim3A = arith.constant 0.000000e+00 : f32
        %broadcast_in_dim3A_163 = vector.broadcast %broadcast_in_dim3A : f32 to vector<16xf32>
        %swap3A = arith.index_cast %add3A_152 : i32 to index
        %swap3A_164 = arith.index_cast %add3A_162 : i32 to index
        %swap3A_165 = tpu.vector_load %arg9[%swap3A, %swap3A_164] {strides = array<i32>} : memref<16x128xf32, #tpu.memory_space<vmem>>, vector<1x16xf32>,
        %swap3A_166 = vector.shape_cast %swap3A_165 : vector<1x16xf32> to vector<16xf32>
        %swap3A_167 = vector.shape_cast %broadcast_in_dim3A_163 : vector<16xf32> to vector<1x16xf32>
        tpu.vector_store %arg9[%swap3A, %swap3A_164], %swap3A_167 {strides = array<i32>} : memref<16x128xf32, #tpu.memory_space<vmem>>, vector<1x16xf32>,
      }
      %scan3A_157 = arith.constant 8 : i32
    }
    %scan3A_35 = arith.constant 16 : i32
    %scan3A_36 = arith.constant 0 : i32
    %scan3A_37 = arith.constant 40 : i32
    %scan3A_38 = arith.addi %scan3A_36, %scan3A_37 : i32
    %scan3A_39 = arith.constant 1 : i32
    scf.for %scan3A_148 = %scan3A_36 to %scan3A_38 step %scan3A_39  : i32 {
      %mul3A_149 = arith.constant 16 : i32
      %mul3A_150 = arith.muli %scan3A_148, %mul3A_149 : i32
      %add3A_151 = arith.constant 0 : i32
      %add3A_152 = arith.addi %add3A_151, %mul3A_150 : i32
      %add3A_153 = arith.addi %mul3A_2, %add3A_152 : i32
      %dma_start3A_154 = arith.constant 0 : i32
      %dma_start3A_155 = tpu.memref_slice %arg10[%add3A_153, %dma_start3A_154] : memref<10240x128xf32, #tpu.memory_space<vmem_shared>> -> memref<16x128xf32, #tpu.memory_space<vmem_shared>>
      %dma_start3A_156 = arith.constant 0 : i32
      %dma_start3A_157 = tpu.memref_slice %arg10[%add3A_153, %dma_start3A_156] : memref<10240x128xf32, #tpu.memory_space<vmem_shared>> -> memref<16x128xf32, #tpu.memory_space<vmem_shared>>
      tpu.enqueue_dma source(%arg9 : memref<16x128xf32, #tpu.memory_space<vmem>>) target(%dma_start3A_157 : memref<16x128xf32, #tpu.memory_space<vmem_shared>>) target_semaphore(%arg12 : memref<!tpu.dma_semaphore, #tpu.memory_space<semaphore_mem>>)
    }
    %scan3A_40 = arith.constant 40 : i32
    %scan3A_41 = arith.constant 0 : i32
    %scan3A_42 = arith.constant 40 : i32
    %scan3A_43 = arith.addi %scan3A_41, %scan3A_42 : i32
    %scan3A_44 = arith.constant 1 : i32
    scf.for %scan3A_148 = %scan3A_41 to %scan3A_43 step %scan3A_44  : i32 {
      %mul3A_149 = arith.constant 16 : i32
      %mul3A_150 = arith.muli %scan3A_148, %mul3A_149 : i32
      %add3A_151 = arith.constant 0 : i32
      %add3A_152 = arith.addi %add3A_151, %mul3A_150 : i32
      %dma_wait3A_153 = arith.constant 0 : i32
      %dma_wait3A_154 = tpu.memref_slice %arg10[%mul3A_2, %dma_wait3A_153] : memref<10240x128xf32, #tpu.memory_space<vmem_shared>> -> memref<16x128xf32, #tpu.memory_space<vmem_shared>>
      %dma_wait3A_155 = arith.constant 0 : i32
      %dma_wait3A_156 = tpu.memref_slice %arg10[%mul3A_2, %dma_wait3A_155] : memref<10240x128xf32, #tpu.memory_space<vmem_shared>> -> memref<16x128xf32, #tpu.memory_space<vmem_shared>>
      tpu.wait_dma2 semaphore(%arg12 : memref<!tpu.dma_semaphore, #tpu.memory_space<semaphore_mem>>) src(%arg9 : memref<16x128xf32, #tpu.memory_space<vmem>>) dst(%dma_wait3A_156 : memref<16x128xf32, #tpu.memory_space<vmem_shared>>)
    }
    %scan3A_45 = arith.constant 40 : i32
    %barrier3A = arith.constant 0 : index
    tpu.barrier barrier_id(%barrier3A)
    %div3A = arith.constant 0 : i32
    %div3A_46 = arith.constant 16 : i32
    %div3A_47 = arith.divsi %div3A, %div3A_46 : i32
    %rem3A = arith.constant 3 : i32
    %rem3A_48 = arith.remsi %div3A_47, %rem3A : i32
    %rem3A_49 = arith.constant 0 : i32
    %rem3A_50 = arith.constant 16 : i32
    %rem3A_51 = arith.remsi %rem3A_49, %rem3A_50 : i32
    %eq3A = arith.constant 0 : i32
    %eq3A_52 = arith.cmpi eq, %rem3A_51, %eq3A : i32
    %convert_element_type3A = arith.extui %eq3A_52 : i1 to i32
    %cond3A = arith.constant 0 : i32
    %cond3A_53 = arith.cmpi ne, %convert_element_type3A, %cond3A : i32
    scf.if %cond3A_53 {
      %mul3A_148 = arith.constant 160 : i32
      %mul3A_149 = arith.muli %add3A, %mul3A_148 : i32
      %dma_wait3A_150 = arith.constant 0 : i32
      %dma_wait3A_151 = arith.constant 0 : i32
      %dma_wait3A_152 = tpu.memref_slice %arg6[%rem3A_48, %dma_wait3A_150, %dma_wait3A_151] : memref<3x16x64xi32, #tpu.memory_space<vmem>> -> memref<1x16x64xi32, #tpu.memory_space<vmem>>
      %dma_wait3A_153 = tpu.memref_squeeze %dma_wait3A_152 : memref<1x16x64xi32, #tpu.memory_space<vmem>> -> memref<16x64xi32, #tpu.memory_space<vmem>>
      %dma_wait3A_154 = arith.constant 0 : i32
      %dma_wait3A_155 = tpu.memref_slice %arg3[%mul3A_149, %dma_wait3A_154] : memref<5120x64xi32, #tpu.memory_space<hbm>> -> memref<16x64xi32, #tpu.memory_space<hbm>>
      %dma_wait3A_156 = arith.constant 0 : i32
      %dma_wait3A_157 = arith.constant 0 : i32
      %dma_wait3A_158 = tpu.memref_slice %arg6[%rem3A_48, %dma_wait3A_156, %dma_wait3A_157] : memref<3x16x64xi32, #tpu.memory_space<vmem>> -> memref<1x16x64xi32, #tpu.memory_space<vmem>>
      %dma_wait3A_159 = tpu.memref_squeeze %dma_wait3A_158 : memref<1x16x64xi32, #tpu.memory_space<vmem>> -> memref<16x64xi32, #tpu.memory_space<vmem>>
      %dma_wait3A_160 = arith.constant 0 : i32
      %dma_wait3A_161 = tpu.memref_slice %arg3[%mul3A_149, %dma_wait3A_160] : memref<5120x64xi32, #tpu.memory_space<hbm>> -> memref<16x64xi32, #tpu.memory_space<hbm>>
      tpu.wait_dma2 semaphore(%arg13 : memref<!tpu.dma_semaphore, #tpu.memory_space<semaphore_mem>>) src(%dma_wait3A_161 : memref<16x64xi32, #tpu.memory_space<hbm>>) dst(%dma_wait3A_159 : memref<16x64xi32, #tpu.memory_space<vmem>>)
      %dma_wait3A_162 = arith.constant 0 : i32
      %dma_wait3A_163 = arith.constant 0 : i32
      %dma_wait3A_164 = tpu.memref_slice %arg7[%rem3A_48, %dma_wait3A_162, %dma_wait3A_163] : memref<3x16x64xi32, #tpu.memory_space<vmem>> -> memref<1x16x64xi32, #tpu.memory_space<vmem>>
      %dma_wait3A_165 = tpu.memref_squeeze %dma_wait3A_164 : memref<1x16x64xi32, #tpu.memory_space<vmem>> -> memref<16x64xi32, #tpu.memory_space<vmem>>
      %dma_wait3A_166 = arith.constant 0 : i32
      %dma_wait3A_167 = tpu.memref_slice %arg4[%mul3A_149, %dma_wait3A_166] : memref<5120x64xi32, #tpu.memory_space<hbm>> -> memref<16x64xi32, #tpu.memory_space<hbm>>
      %dma_wait3A_168 = arith.constant 0 : i32
      %dma_wait3A_169 = arith.constant 0 : i32
      %dma_wait3A_170 = tpu.memref_slice %arg7[%rem3A_48, %dma_wait3A_168, %dma_wait3A_169] : memref<3x16x64xi32, #tpu.memory_space<vmem>> -> memref<1x16x64xi32, #tpu.memory_space<vmem>>
      %dma_wait3A_171 = tpu.memref_squeeze %dma_wait3A_170 : memref<1x16x64xi32, #tpu.memory_space<vmem>> -> memref<16x64xi32, #tpu.memory_space<vmem>>
      %dma_wait3A_172 = arith.constant 0 : i32
      %dma_wait3A_173 = tpu.memref_slice %arg4[%mul3A_149, %dma_wait3A_172] : memref<5120x64xi32, #tpu.memory_space<hbm>> -> memref<16x64xi32, #tpu.memory_space<hbm>>
      tpu.wait_dma2 semaphore(%arg13 : memref<!tpu.dma_semaphore, #tpu.memory_space<semaphore_mem>>) src(%dma_wait3A_173 : memref<16x64xi32, #tpu.memory_space<hbm>>) dst(%dma_wait3A_171 : memref<16x64xi32, #tpu.memory_space<vmem>>)
      %add3A_174 = arith.constant 1 : i32
      %add3A_175 = arith.addi %div3A_47, %add3A_174 : i32
      %lt3A = arith.constant 10 : i32
      %lt3A_176 = arith.cmpi slt, %add3A_175, %lt3A : i32
      %convert_element_type3A_177 = arith.extui %lt3A_176 : i1 to i32
      %cond3A_178 = arith.constant 0 : i32
      %cond3A_179 = arith.cmpi ne, %convert_element_type3A_177, %cond3A_178 : i32
      scf.if %cond3A_179 {
        %add3A_180 = arith.constant 1 : i32
        %add3A_181 = arith.addi %div3A_47, %add3A_180 : i32
        %add3A_182 = arith.constant 1 : i32
        %add3A_183 = arith.addi %div3A_47, %add3A_182 : i32
        %rem3A_184 = arith.constant 3 : i32
        %rem3A_185 = arith.remsi %add3A_183, %rem3A_184 : i32
        %mul3A_186 = arith.constant 160 : i32
        %mul3A_187 = arith.muli %add3A, %mul3A_186 : i32
        %mul3A_188 = arith.constant 16 : i32
        %mul3A_189 = arith.muli %add3A_181, %mul3A_188 : i32
        %add3A_190 = arith.addi %mul3A_187, %mul3A_189 : i32
        %multiple_of3A_191 = tpu.assume_multiple %add3A_190, 16 : i32
        %dma_start3A_192 = arith.constant 0 : i32
        %dma_start3A_193 = arith.constant 0 : i32
        %dma_start3A_194 = tpu.memref_slice %arg6[%rem3A_185, %dma_start3A_192, %dma_start3A_193] : memref<3x16x64xi32, #tpu.memory_space<vmem>> -> memref<1x16x64xi32, #tpu.memory_space<vmem>>
        %dma_start3A_195 = tpu.memref_squeeze %dma_start3A_194 : memref<1x16x64xi32, #tpu.memory_space<vmem>> -> memref<16x64xi32, #tpu.memory_space<vmem>>
        %dma_start3A_196 = arith.constant 0 : i32
        %dma_start3A_197 = tpu.memref_slice %arg3[%multiple_of3A_191, %dma_start3A_196] : memref<5120x64xi32, #tpu.memory_space<hbm>> -> memref<16x64xi32, #tpu.memory_space<hbm>>
        %dma_start3A_198 = arith.constant 0 : i32
        %dma_start3A_199 = arith.constant 0 : i32
        %dma_start3A_200 = tpu.memref_slice %arg6[%rem3A_185, %dma_start3A_198, %dma_start3A_199] : memref<3x16x64xi32, #tpu.memory_space<vmem>> -> memref<1x16x64xi32, #tpu.memory_space<vmem>>
        %dma_start3A_201 = tpu.memref_squeeze %dma_start3A_200 : memref<1x16x64xi32, #tpu.memory_space<vmem>> -> memref<16x64xi32, #tpu.memory_space<vmem>>
        %dma_start3A_202 = arith.constant 0 : i32
        %dma_start3A_203 = tpu.memref_slice %arg3[%multiple_of3A_191, %dma_start3A_202] : memref<5120x64xi32, #tpu.memory_space<hbm>> -> memref<16x64xi32, #tpu.memory_space<hbm>>
        tpu.enqueue_dma source(%dma_start3A_203 : memref<16x64xi32, #tpu.memory_space<hbm>>) target(%dma_start3A_201 : memref<16x64xi32, #tpu.memory_space<vmem>>) target_semaphore(%arg13 : memref<!tpu.dma_semaphore, #tpu.memory_space<semaphore_mem>>)
        %dma_start3A_204 = arith.constant 0 : i32
        %dma_start3A_205 = arith.constant 0 : i32
        %dma_start3A_206 = tpu.memref_slice %arg7[%rem3A_185, %dma_start3A_204, %dma_start3A_205] : memref<3x16x64xi32, #tpu.memory_space<vmem>> -> memref<1x16x64xi32, #tpu.memory_space<vmem>>
        %dma_start3A_207 = tpu.memref_squeeze %dma_start3A_206 : memref<1x16x64xi32, #tpu.memory_space<vmem>> -> memref<16x64xi32, #tpu.memory_space<vmem>>
        %dma_start3A_208 = arith.constant 0 : i32
        %dma_start3A_209 = tpu.memref_slice %arg4[%multiple_of3A_191, %dma_start3A_208] : memref<5120x64xi32, #tpu.memory_space<hbm>> -> memref<16x64xi32, #tpu.memory_space<hbm>>
        %dma_start3A_210 = arith.constant 0 : i32
        %dma_start3A_211 = arith.constant 0 : i32
        %dma_start3A_212 = tpu.memref_slice %arg7[%rem3A_185, %dma_start3A_210, %dma_start3A_211] : memref<3x16x64xi32, #tpu.memory_space<vmem>> -> memref<1x16x64xi32, #tpu.memory_space<vmem>>
        %dma_start3A_213 = tpu.memref_squeeze %dma_start3A_212 : memref<1x16x64xi32, #tpu.memory_space<vmem>> -> memref<16x64xi32, #tpu.memory_space<vmem>>
        %dma_start3A_214 = arith.constant 0 : i32
        %dma_start3A_215 = tpu.memref_slice %arg4[%multiple_of3A_191, %dma_start3A_214] : memref<5120x64xi32, #tpu.memory_space<hbm>> -> memref<16x64xi32, #tpu.memory_space<hbm>>
        tpu.enqueue_dma source(%dma_start3A_215 : memref<16x64xi32, #tpu.memory_space<hbm>>) target(%dma_start3A_213 : memref<16x64xi32, #tpu.memory_space<vmem>>) target_semaphore(%arg13 : memref<!tpu.dma_semaphore, #tpu.memory_space<semaphore_mem>>)
      } else {
      }
    } else {
    }
    %rem3A_54 = arith.constant 0 : i32
    %rem3A_55 = arith.constant 16 : i32
    %rem3A_56 = arith.remsi %rem3A_54, %rem3A_55 : i32
    %rem3A_57 = arith.constant 0 : i32
    %rem3A_58 = arith.constant 4 : i32
    %rem3A_59 = arith.remsi %rem3A_57, %rem3A_58 : i32
    %dma_start3A_60 = arith.constant 0 : i32
    %dma_start3A_61 = arith.constant 0 : i32
    %dma_start3A_62 = tpu.memref_slice %arg8[%rem3A_59, %dma_start3A_60, %dma_start3A_61] : memref<4x64x128xf32, #tpu.memory_space<vmem>> -> memref<1x64x128xf32, #tpu.memory_space<vmem>>
    %dma_start3A_63 = tpu.memref_squeeze %dma_start3A_62 : memref<1x64x128xf32, #tpu.memory_space<vmem>> -> memref<64x128xf32, #tpu.memory_space<vmem>>
    %dma_start3A_64 = arith.constant 0 : i32
    %dma_start3A_65 = tpu.memref_slice %arg6[%rem3A_48, %rem3A_56, %dma_start3A_64] : memref<3x16x64xi32, #tpu.memory_space<vmem>> -> memref<1x1x64xi32, #tpu.memory_space<vmem>>
    %dma_start3A_66 = tpu.memref_squeeze %dma_start3A_65 : memref<1x1x64xi32, #tpu.memory_space<vmem>> -> memref<64xi32, #tpu.memory_space<vmem>>
    %dma_start3A_67 = arith.constant 0 : i32
    %dma_start3A_68 = arith.constant 0 : i32
    %dma_start3A_69 = tpu.memref_slice %arg2[%dma_start3A_67, %dma_start3A_68] : memref<10240x128xf32, #tpu.memory_space<hbm>> -> memref<10240x128xf32, #tpu.memory_space<hbm>>
    tpu.enqueue_indirect_dma source(%dma_start3A_69 : memref<10240x128xf32, #tpu.memory_space<hbm>>) target(%dma_start3A_63 : memref<64x128xf32, #tpu.memory_space<vmem>>) offsets(%dma_start3A_66 : memref<64xi32, #tpu.memory_space<vmem>>) semaphore(%arg11 : memref<!tpu.dma_semaphore, #tpu.memory_space<semaphore_mem>>)
    %div3A_70 = arith.constant 1 : i32
    %div3A_71 = arith.constant 16 : i32
    %div3A_72 = arith.divsi %div3A_70, %div3A_71 : i32
    %rem3A_73 = arith.constant 3 : i32
    %rem3A_74 = arith.remsi %div3A_72, %rem3A_73 : i32
    %rem3A_75 = arith.constant 1 : i32
    %rem3A_76 = arith.constant 16 : i32
    %rem3A_77 = arith.remsi %rem3A_75, %rem3A_76 : i32
    %eq3A_78 = arith.constant 0 : i32
    %eq3A_79 = arith.cmpi eq, %rem3A_77, %eq3A_78 : i32
    %convert_element_type3A_80 = arith.extui %eq3A_79 : i1 to i32
    %cond3A_81 = arith.constant 0 : i32
    %cond3A_82 = arith.cmpi ne, %convert_element_type3A_80, %cond3A_81 : i32
    scf.if %cond3A_82 {
      %mul3A_148 = arith.constant 160 : i32
      %mul3A_149 = arith.muli %add3A, %mul3A_148 : i32
      %dma_wait3A_150 = arith.constant 0 : i32
      %dma_wait3A_151 = arith.constant 0 : i32
      %dma_wait3A_152 = tpu.memref_slice %arg6[%rem3A_74, %dma_wait3A_150, %dma_wait3A_151] : memref<3x16x64xi32, #tpu.memory_space<vmem>> -> memref<1x16x64xi32, #tpu.memory_space<vmem>>
      %dma_wait3A_153 = tpu.memref_squeeze %dma_wait3A_152 : memref<1x16x64xi32, #tpu.memory_space<vmem>> -> memref<16x64xi32, #tpu.memory_space<vmem>>
      %dma_wait3A_154 = arith.constant 0 : i32
      %dma_wait3A_155 = tpu.memref_slice %arg3[%mul3A_149, %dma_wait3A_154] : memref<5120x64xi32, #tpu.memory_space<hbm>> -> memref<16x64xi32, #tpu.memory_space<hbm>>
      %dma_wait3A_156 = arith.constant 0 : i32
      %dma_wait3A_157 = arith.constant 0 : i32
      %dma_wait3A_158 = tpu.memref_slice %arg6[%rem3A_74, %dma_wait3A_156, %dma_wait3A_157] : memref<3x16x64xi32, #tpu.memory_space<vmem>> -> memref<1x16x64xi32, #tpu.memory_space<vmem>>
      %dma_wait3A_159 = tpu.memref_squeeze %dma_wait3A_158 : memref<1x16x64xi32, #tpu.memory_space<vmem>> -> memref<16x64xi32, #tpu.memory_space<vmem>>
      %dma_wait3A_160 = arith.constant 0 : i32
      %dma_wait3A_161 = tpu.memref_slice %arg3[%mul3A_149, %dma_wait3A_160] : memref<5120x64xi32, #tpu.memory_space<hbm>> -> memref<16x64xi32, #tpu.memory_space<hbm>>
      tpu.wait_dma2 semaphore(%arg13 : memref<!tpu.dma_semaphore, #tpu.memory_space<semaphore_mem>>) src(%dma_wait3A_161 : memref<16x64xi32, #tpu.memory_space<hbm>>) dst(%dma_wait3A_159 : memref<16x64xi32, #tpu.memory_space<vmem>>)
      %dma_wait3A_162 = arith.constant 0 : i32
      %dma_wait3A_163 = arith.constant 0 : i32
      %dma_wait3A_164 = tpu.memref_slice %arg7[%rem3A_74, %dma_wait3A_162, %dma_wait3A_163] : memref<3x16x64xi32, #tpu.memory_space<vmem>> -> memref<1x16x64xi32, #tpu.memory_space<vmem>>
      %dma_wait3A_165 = tpu.memref_squeeze %dma_wait3A_164 : memref<1x16x64xi32, #tpu.memory_space<vmem>> -> memref<16x64xi32, #tpu.memory_space<vmem>>
      %dma_wait3A_166 = arith.constant 0 : i32
      %dma_wait3A_167 = tpu.memref_slice %arg4[%mul3A_149, %dma_wait3A_166] : memref<5120x64xi32, #tpu.memory_space<hbm>> -> memref<16x64xi32, #tpu.memory_space<hbm>>
      %dma_wait3A_168 = arith.constant 0 : i32
      %dma_wait3A_169 = arith.constant 0 : i32
      %dma_wait3A_170 = tpu.memref_slice %arg7[%rem3A_74, %dma_wait3A_168, %dma_wait3A_169] : memref<3x16x64xi32, #tpu.memory_space<vmem>> -> memref<1x16x64xi32, #tpu.memory_space<vmem>>
      %dma_wait3A_171 = tpu.memref_squeeze %dma_wait3A_170 : memref<1x16x64xi32, #tpu.memory_space<vmem>> -> memref<16x64xi32, #tpu.memory_space<vmem>>
      %dma_wait3A_172 = arith.constant 0 : i32
      %dma_wait3A_173 = tpu.memref_slice %arg4[%mul3A_149, %dma_wait3A_172] : memref<5120x64xi32, #tpu.memory_space<hbm>> -> memref<16x64xi32, #tpu.memory_space<hbm>>
      tpu.wait_dma2 semaphore(%arg13 : memref<!tpu.dma_semaphore, #tpu.memory_space<semaphore_mem>>) src(%dma_wait3A_173 : memref<16x64xi32, #tpu.memory_space<hbm>>) dst(%dma_wait3A_171 : memref<16x64xi32, #tpu.memory_space<vmem>>)
      %add3A_174 = arith.constant 1 : i32
      %add3A_175 = arith.addi %div3A_72, %add3A_174 : i32
      %lt3A = arith.constant 10 : i32
      %lt3A_176 = arith.cmpi slt, %add3A_175, %lt3A : i32
      %convert_element_type3A_177 = arith.extui %lt3A_176 : i1 to i32
      %cond3A_178 = arith.constant 0 : i32
      %cond3A_179 = arith.cmpi ne, %convert_element_type3A_177, %cond3A_178 : i32
      scf.if %cond3A_179 {
        %add3A_180 = arith.constant 1 : i32
        %add3A_181 = arith.addi %div3A_72, %add3A_180 : i32
        %add3A_182 = arith.constant 1 : i32
        %add3A_183 = arith.addi %div3A_72, %add3A_182 : i32
        %rem3A_184 = arith.constant 3 : i32
        %rem3A_185 = arith.remsi %add3A_183, %rem3A_184 : i32
        %mul3A_186 = arith.constant 160 : i32
        %mul3A_187 = arith.muli %add3A, %mul3A_186 : i32
        %mul3A_188 = arith.constant 16 : i32
        %mul3A_189 = arith.muli %add3A_181, %mul3A_188 : i32
        %add3A_190 = arith.addi %mul3A_187, %mul3A_189 : i32
        %multiple_of3A_191 = tpu.assume_multiple %add3A_190, 16 : i32
        %dma_start3A_192 = arith.constant 0 : i32
        %dma_start3A_193 = arith.constant 0 : i32
        %dma_start3A_194 = tpu.memref_slice %arg6[%rem3A_185, %dma_start3A_192, %dma_start3A_193] : memref<3x16x64xi32, #tpu.memory_space<vmem>> -> memref<1x16x64xi32, #tpu.memory_space<vmem>>
        %dma_start3A_195 = tpu.memref_squeeze %dma_start3A_194 : memref<1x16x64xi32, #tpu.memory_space<vmem>> -> memref<16x64xi32, #tpu.memory_space<vmem>>
        %dma_start3A_196 = arith.constant 0 : i32
        %dma_start3A_197 = tpu.memref_slice %arg3[%multiple_of3A_191, %dma_start3A_196] : memref<5120x64xi32, #tpu.memory_space<hbm>> -> memref<16x64xi32, #tpu.memory_space<hbm>>
        %dma_start3A_198 = arith.constant 0 : i32
        %dma_start3A_199 = arith.constant 0 : i32
        %dma_start3A_200 = tpu.memref_slice %arg6[%rem3A_185, %dma_start3A_198, %dma_start3A_199] : memref<3x16x64xi32, #tpu.memory_space<vmem>> -> memref<1x16x64xi32, #tpu.memory_space<vmem>>
        %dma_start3A_201 = tpu.memref_squeeze %dma_start3A_200 : memref<1x16x64xi32, #tpu.memory_space<vmem>> -> memref<16x64xi32, #tpu.memory_space<vmem>>
        %dma_start3A_202 = arith.constant 0 : i32
        %dma_start3A_203 = tpu.memref_slice %arg3[%multiple_of3A_191, %dma_start3A_202] : memref<5120x64xi32, #tpu.memory_space<hbm>> -> memref<16x64xi32, #tpu.memory_space<hbm>>
        tpu.enqueue_dma source(%dma_start3A_203 : memref<16x64xi32, #tpu.memory_space<hbm>>) target(%dma_start3A_201 : memref<16x64xi32, #tpu.memory_space<vmem>>) target_semaphore(%arg13 : memref<!tpu.dma_semaphore, #tpu.memory_space<semaphore_mem>>)
        %dma_start3A_204 = arith.constant 0 : i32
        %dma_start3A_205 = arith.constant 0 : i32
        %dma_start3A_206 = tpu.memref_slice %arg7[%rem3A_185, %dma_start3A_204, %dma_start3A_205] : memref<3x16x64xi32, #tpu.memory_space<vmem>> -> memref<1x16x64xi32, #tpu.memory_space<vmem>>
        %dma_start3A_207 = tpu.memref_squeeze %dma_start3A_206 : memref<1x16x64xi32, #tpu.memory_space<vmem>> -> memref<16x64xi32, #tpu.memory_space<vmem>>
        %dma_start3A_208 = arith.constant 0 : i32
        %dma_start3A_209 = tpu.memref_slice %arg4[%multiple_of3A_191, %dma_start3A_208] : memref<5120x64xi32, #tpu.memory_space<hbm>> -> memref<16x64xi32, #tpu.memory_space<hbm>>
        %dma_start3A_210 = arith.constant 0 : i32
        %dma_start3A_211 = arith.constant 0 : i32
        %dma_start3A_212 = tpu.memref_slice %arg7[%rem3A_185, %dma_start3A_210, %dma_start3A_211] : memref<3x16x64xi32, #tpu.memory_space<vmem>> -> memref<1x16x64xi32, #tpu.memory_space<vmem>>
        %dma_start3A_213 = tpu.memref_squeeze %dma_start3A_212 : memref<1x16x64xi32, #tpu.memory_space<vmem>> -> memref<16x64xi32, #tpu.memory_space<vmem>>
        %dma_start3A_214 = arith.constant 0 : i32
        %dma_start3A_215 = tpu.memref_slice %arg4[%multiple_of3A_191, %dma_start3A_214] : memref<5120x64xi32, #tpu.memory_space<hbm>> -> memref<16x64xi32, #tpu.memory_space<hbm>>
        tpu.enqueue_dma source(%dma_start3A_215 : memref<16x64xi32, #tpu.memory_space<hbm>>) target(%dma_start3A_213 : memref<16x64xi32, #tpu.memory_space<vmem>>) target_semaphore(%arg13 : memref<!tpu.dma_semaphore, #tpu.memory_space<semaphore_mem>>)
      } else {
      }
    } else {
    }
    %rem3A_83 = arith.constant 1 : i32
    %rem3A_84 = arith.constant 16 : i32
    %rem3A_85 = arith.remsi %rem3A_83, %rem3A_84 : i32
    %rem3A_86 = arith.constant 1 : i32
    %rem3A_87 = arith.constant 4 : i32
    %rem3A_88 = arith.remsi %rem3A_86, %rem3A_87 : i32
    %dma_start3A_89 = arith.constant 0 : i32
    %dma_start3A_90 = arith.constant 0 : i32
    %dma_start3A_91 = tpu.memref_slice %arg8[%rem3A_88, %dma_start3A_89, %dma_start3A_90] : memref<4x64x128xf32, #tpu.memory_space<vmem>> -> memref<1x64x128xf32, #tpu.memory_space<vmem>>
    %dma_start3A_92 = tpu.memref_squeeze %dma_start3A_91 : memref<1x64x128xf32, #tpu.memory_space<vmem>> -> memref<64x128xf32, #tpu.memory_space<vmem>>
    %dma_start3A_93 = arith.constant 0 : i32
    %dma_start3A_94 = tpu.memref_slice %arg6[%rem3A_74, %rem3A_85, %dma_start3A_93] : memref<3x16x64xi32, #tpu.memory_space<vmem>> -> memref<1x1x64xi32, #tpu.memory_space<vmem>>
    %dma_start3A_95 = tpu.memref_squeeze %dma_start3A_94 : memref<1x1x64xi32, #tpu.memory_space<vmem>> -> memref<64xi32, #tpu.memory_space<vmem>>
    %dma_start3A_96 = arith.constant 0 : i32
    %dma_start3A_97 = arith.constant 0 : i32
    %dma_start3A_98 = tpu.memref_slice %arg2[%dma_start3A_96, %dma_start3A_97] : memref<10240x128xf32, #tpu.memory_space<hbm>> -> memref<10240x128xf32, #tpu.memory_space<hbm>>
    tpu.enqueue_indirect_dma source(%dma_start3A_98 : memref<10240x128xf32, #tpu.memory_space<hbm>>) target(%dma_start3A_92 : memref<64x128xf32, #tpu.memory_space<vmem>>) offsets(%dma_start3A_95 : memref<64xi32, #tpu.memory_space<vmem>>) semaphore(%arg11 : memref<!tpu.dma_semaphore, #tpu.memory_space<semaphore_mem>>)
    %div3A_99 = arith.constant 2 : i32
    %div3A_100 = arith.constant 16 : i32
    %div3A_101 = arith.divsi %div3A_99, %div3A_100 : i32
    %rem3A_102 = arith.constant 3 : i32
    %rem3A_103 = arith.remsi %div3A_101, %rem3A_102 : i32
    %rem3A_104 = arith.constant 2 : i32
    %rem3A_105 = arith.constant 16 : i32
    %rem3A_106 = arith.remsi %rem3A_104, %rem3A_105 : i32
    %eq3A_107 = arith.constant 0 : i32
    %eq3A_108 = arith.cmpi eq, %rem3A_106, %eq3A_107 : i32
    %convert_element_type3A_109 = arith.extui %eq3A_108 : i1 to i32
    %cond3A_110 = arith.constant 0 : i32
    %cond3A_111 = arith.cmpi ne, %convert_element_type3A_109, %cond3A_110 : i32
    scf.if %cond3A_111 {
      %mul3A_148 = arith.constant 160 : i32
      %mul3A_149 = arith.muli %add3A, %mul3A_148 : i32
      %dma_wait3A_150 = arith.constant 0 : i32
      %dma_wait3A_151 = arith.constant 0 : i32
      %dma_wait3A_152 = tpu.memref_slice %arg6[%rem3A_103, %dma_wait3A_150, %dma_wait3A_151] : memref<3x16x64xi32, #tpu.memory_space<vmem>> -> memref<1x16x64xi32, #tpu.memory_space<vmem>>
      %dma_wait3A_153 = tpu.memref_squeeze %dma_wait3A_152 : memref<1x16x64xi32, #tpu.memory_space<vmem>> -> memref<16x64xi32, #tpu.memory_space<vmem>>
      %dma_wait3A_154 = arith.constant 0 : i32
      %dma_wait3A_155 = tpu.memref_slice %arg3[%mul3A_149, %dma_wait3A_154] : memref<5120x64xi32, #tpu.memory_space<hbm>> -> memref<16x64xi32, #tpu.memory_space<hbm>>
      %dma_wait3A_156 = arith.constant 0 : i32
      %dma_wait3A_157 = arith.constant 0 : i32
      %dma_wait3A_158 = tpu.memref_slice %arg6[%rem3A_103, %dma_wait3A_156, %dma_wait3A_157] : memref<3x16x64xi32, #tpu.memory_space<vmem>> -> memref<1x16x64xi32, #tpu.memory_space<vmem>>
      %dma_wait3A_159 = tpu.memref_squeeze %dma_wait3A_158 : memref<1x16x64xi32, #tpu.memory_space<vmem>> -> memref<16x64xi32, #tpu.memory_space<vmem>>
      %dma_wait3A_160 = arith.constant 0 : i32
      %dma_wait3A_161 = tpu.memref_slice %arg3[%mul3A_149, %dma_wait3A_160] : memref<5120x64xi32, #tpu.memory_space<hbm>> -> memref<16x64xi32, #tpu.memory_space<hbm>>
      tpu.wait_dma2 semaphore(%arg13 : memref<!tpu.dma_semaphore, #tpu.memory_space<semaphore_mem>>) src(%dma_wait3A_161 : memref<16x64xi32, #tpu.memory_space<hbm>>) dst(%dma_wait3A_159 : memref<16x64xi32, #tpu.memory_space<vmem>>)
      %dma_wait3A_162 = arith.constant 0 : i32
      %dma_wait3A_163 = arith.constant 0 : i32
      %dma_wait3A_164 = tpu.memref_slice %arg7[%rem3A_103, %dma_wait3A_162, %dma_wait3A_163] : memref<3x16x64xi32, #tpu.memory_space<vmem>> -> memref<1x16x64xi32, #tpu.memory_space<vmem>>
      %dma_wait3A_165 = tpu.memref_squeeze %dma_wait3A_164 : memref<1x16x64xi32, #tpu.memory_space<vmem>> -> memref<16x64xi32, #tpu.memory_space<vmem>>
      %dma_wait3A_166 = arith.constant 0 : i32
      %dma_wait3A_167 = tpu.memref_slice %arg4[%mul3A_149, %dma_wait3A_166] : memref<5120x64xi32, #tpu.memory_space<hbm>> -> memref<16x64xi32, #tpu.memory_space<hbm>>
      %dma_wait3A_168 = arith.constant 0 : i32
      %dma_wait3A_169 = arith.constant 0 : i32
      %dma_wait3A_170 = tpu.memref_slice %arg7[%rem3A_103, %dma_wait3A_168, %dma_wait3A_169] : memref<3x16x64xi32, #tpu.memory_space<vmem>> -> memref<1x16x64xi32, #tpu.memory_space<vmem>>
      %dma_wait3A_171 = tpu.memref_squeeze %dma_wait3A_170 : memref<1x16x64xi32, #tpu.memory_space<vmem>> -> memref<16x64xi32, #tpu.memory_space<vmem>>
      %dma_wait3A_172 = arith.constant 0 : i32
      %dma_wait3A_173 = tpu.memref_slice %arg4[%mul3A_149, %dma_wait3A_172] : memref<5120x64xi32, #tpu.memory_space<hbm>> -> memref<16x64xi32, #tpu.memory_space<hbm>>
      tpu.wait_dma2 semaphore(%arg13 : memref<!tpu.dma_semaphore, #tpu.memory_space<semaphore_mem>>) src(%dma_wait3A_173 : memref<16x64xi32, #tpu.memory_space<hbm>>) dst(%dma_wait3A_171 : memref<16x64xi32, #tpu.memory_space<vmem>>)
      %add3A_174 = arith.constant 1 : i32
      %add3A_175 = arith.addi %div3A_101, %add3A_174 : i32
      %lt3A = arith.constant 10 : i32
      %lt3A_176 = arith.cmpi slt, %add3A_175, %lt3A : i32
      %convert_element_type3A_177 = arith.extui %lt3A_176 : i1 to i32
      %cond3A_178 = arith.constant 0 : i32
      %cond3A_179 = arith.cmpi ne, %convert_element_type3A_177, %cond3A_178 : i32
      scf.if %cond3A_179 {
        %add3A_180 = arith.constant 1 : i32
        %add3A_181 = arith.addi %div3A_101, %add3A_180 : i32
        %add3A_182 = arith.constant 1 : i32
        %add3A_183 = arith.addi %div3A_101, %add3A_182 : i32
        %rem3A_184 = arith.constant 3 : i32
        %rem3A_185 = arith.remsi %add3A_183, %rem3A_184 : i32
        %mul3A_186 = arith.constant 160 : i32
        %mul3A_187 = arith.muli %add3A, %mul3A_186 : i32
        %mul3A_188 = arith.constant 16 : i32
        %mul3A_189 = arith.muli %add3A_181, %mul3A_188 : i32
        %add3A_190 = arith.addi %mul3A_187, %mul3A_189 : i32
        %multiple_of3A_191 = tpu.assume_multiple %add3A_190, 16 : i32
        %dma_start3A_192 = arith.constant 0 : i32
        %dma_start3A_193 = arith.constant 0 : i32
        %dma_start3A_194 = tpu.memref_slice %arg6[%rem3A_185, %dma_start3A_192, %dma_start3A_193] : memref<3x16x64xi32, #tpu.memory_space<vmem>> -> memref<1x16x64xi32, #tpu.memory_space<vmem>>
        %dma_start3A_195 = tpu.memref_squeeze %dma_start3A_194 : memref<1x16x64xi32, #tpu.memory_space<vmem>> -> memref<16x64xi32, #tpu.memory_space<vmem>>
        %dma_start3A_196 = arith.constant 0 : i32
        %dma_start3A_197 = tpu.memref_slice %arg3[%multiple_of3A_191, %dma_start3A_196] : memref<5120x64xi32, #tpu.memory_space<hbm>> -> memref<16x64xi32, #tpu.memory_space<hbm>>
        %dma_start3A_198 = arith.constant 0 : i32
        %dma_start3A_199 = arith.constant 0 : i32
        %dma_start3A_200 = tpu.memref_slice %arg6[%rem3A_185, %dma_start3A_198, %dma_start3A_199] : memref<3x16x64xi32, #tpu.memory_space<vmem>> -> memref<1x16x64xi32, #tpu.memory_space<vmem>>
        %dma_start3A_201 = tpu.memref_squeeze %dma_start3A_200 : memref<1x16x64xi32, #tpu.memory_space<vmem>> -> memref<16x64xi32, #tpu.memory_space<vmem>>
        %dma_start3A_202 = arith.constant 0 : i32
        %dma_start3A_203 = tpu.memref_slice %arg3[%multiple_of3A_191, %dma_start3A_202] : memref<5120x64xi32, #tpu.memory_space<hbm>> -> memref<16x64xi32, #tpu.memory_space<hbm>>
        tpu.enqueue_dma source(%dma_start3A_203 : memref<16x64xi32, #tpu.memory_space<hbm>>) target(%dma_start3A_201 : memref<16x64xi32, #tpu.memory_space<vmem>>) target_semaphore(%arg13 : memref<!tpu.dma_semaphore, #tpu.memory_space<semaphore_mem>>)
        %dma_start3A_204 = arith.constant 0 : i32
        %dma_start3A_205 = arith.constant 0 : i32
        %dma_start3A_206 = tpu.memref_slice %arg7[%rem3A_185, %dma_start3A_204, %dma_start3A_205] : memref<3x16x64xi32, #tpu.memory_space<vmem>> -> memref<1x16x64xi32, #tpu.memory_space<vmem>>
        %dma_start3A_207 = tpu.memref_squeeze %dma_start3A_206 : memref<1x16x64xi32, #tpu.memory_space<vmem>> -> memref<16x64xi32, #tpu.memory_space<vmem>>
        %dma_start3A_208 = arith.constant 0 : i32
        %dma_start3A_209 = tpu.memref_slice %arg4[%multiple_of3A_191, %dma_start3A_208] : memref<5120x64xi32, #tpu.memory_space<hbm>> -> memref<16x64xi32, #tpu.memory_space<hbm>>
        %dma_start3A_210 = arith.constant 0 : i32
        %dma_start3A_211 = arith.constant 0 : i32
        %dma_start3A_212 = tpu.memref_slice %arg7[%rem3A_185, %dma_start3A_210, %dma_start3A_211] : memref<3x16x64xi32, #tpu.memory_space<vmem>> -> memref<1x16x64xi32, #tpu.memory_space<vmem>>
        %dma_start3A_213 = tpu.memref_squeeze %dma_start3A_212 : memref<1x16x64xi32, #tpu.memory_space<vmem>> -> memref<16x64xi32, #tpu.memory_space<vmem>>
        %dma_start3A_214 = arith.constant 0 : i32
        %dma_start3A_215 = tpu.memref_slice %arg4[%multiple_of3A_191, %dma_start3A_214] : memref<5120x64xi32, #tpu.memory_space<hbm>> -> memref<16x64xi32, #tpu.memory_space<hbm>>
        tpu.enqueue_dma source(%dma_start3A_215 : memref<16x64xi32, #tpu.memory_space<hbm>>) target(%dma_start3A_213 : memref<16x64xi32, #tpu.memory_space<vmem>>) target_semaphore(%arg13 : memref<!tpu.dma_semaphore, #tpu.memory_space<semaphore_mem>>)
      } else {
      }
    } else {
    }
    %rem3A_112 = arith.constant 2 : i32
    %rem3A_113 = arith.constant 16 : i32
    %rem3A_114 = arith.remsi %rem3A_112, %rem3A_113 : i32
    %rem3A_115 = arith.constant 2 : i32
    %rem3A_116 = arith.constant 4 : i32
    %rem3A_117 = arith.remsi %rem3A_115, %rem3A_116 : i32
    %dma_start3A_118 = arith.constant 0 : i32
    %dma_start3A_119 = arith.constant 0 : i32
    %dma_start3A_120 = tpu.memref_slice %arg8[%rem3A_117, %dma_start3A_118, %dma_start3A_119] : memref<4x64x128xf32, #tpu.memory_space<vmem>> -> memref<1x64x128xf32, #tpu.memory_space<vmem>>
    %dma_start3A_121 = tpu.memref_squeeze %dma_start3A_120 : memref<1x64x128xf32, #tpu.memory_space<vmem>> -> memref<64x128xf32, #tpu.memory_space<vmem>>
    %dma_start3A_122 = arith.constant 0 : i32
    %dma_start3A_123 = tpu.memref_slice %arg6[%rem3A_103, %rem3A_114, %dma_start3A_122] : memref<3x16x64xi32, #tpu.memory_space<vmem>> -> memref<1x1x64xi32, #tpu.memory_space<vmem>>
    %dma_start3A_124 = tpu.memref_squeeze %dma_start3A_123 : memref<1x1x64xi32, #tpu.memory_space<vmem>> -> memref<64xi32, #tpu.memory_space<vmem>>
    %dma_start3A_125 = arith.constant 0 : i32
    %dma_start3A_126 = arith.constant 0 : i32
    %dma_start3A_127 = tpu.memref_slice %arg2[%dma_start3A_125, %dma_start3A_126] : memref<10240x128xf32, #tpu.memory_space<hbm>> -> memref<10240x128xf32, #tpu.memory_space<hbm>>
    tpu.enqueue_indirect_dma source(%dma_start3A_127 : memref<10240x128xf32, #tpu.memory_space<hbm>>) target(%dma_start3A_121 : memref<64x128xf32, #tpu.memory_space<vmem>>) offsets(%dma_start3A_124 : memref<64xi32, #tpu.memory_space<vmem>>) semaphore(%arg11 : memref<!tpu.dma_semaphore, #tpu.memory_space<semaphore_mem>>)
    %scan3A_128 = arith.constant 0 : i32
    %scan3A_129 = arith.constant 160 : i32
    %scan3A_130 = arith.addi %scan3A_128, %scan3A_129 : i32
    %scan3A_131 = arith.constant 1 : i32
    scf.for %scan3A_148 = %scan3A_128 to %scan3A_130 step %scan3A_131  : i32 {
      %mul3A_149 = arith.constant 1 : i32
      %mul3A_150 = arith.muli %scan3A_148, %mul3A_149 : i32
      %add3A_151 = arith.constant 0 : i32
      %add3A_152 = arith.addi %add3A_151, %mul3A_150 : i32
      %rem3A_153 = arith.constant 4 : i32
      %rem3A_154 = arith.remsi %add3A_152, %rem3A_153 : i32
      %div3A_155 = arith.constant 16 : i32
      %div3A_156 = arith.divsi %add3A_152, %div3A_155 : i32
      %rem3A_157 = arith.constant 3 : i32
      %rem3A_158 = arith.remsi %div3A_156, %rem3A_157 : i32
      %rem3A_159 = arith.constant 16 : i32
      %rem3A_160 = arith.remsi %add3A_152, %rem3A_159 : i32
      %dma_wait3A_161 = arith.constant 0 : i32
      %dma_wait3A_162 = arith.constant 0 : i32
      %dma_wait3A_163 = arith.constant 0 : i32
      %dma_wait3A_164 = arith.constant 0 : i32
      %dma_wait3A_165 = tpu.memref_slice %arg8[%rem3A_154, %dma_wait3A_163, %dma_wait3A_164] : memref<4x64x128xf32, #tpu.memory_space<vmem>> -> memref<1x64x128xf32, #tpu.memory_space<vmem>>
      %dma_wait3A_166 = tpu.memref_squeeze %dma_wait3A_165 : memref<1x64x128xf32, #tpu.memory_space<vmem>> -> memref<64x128xf32, #tpu.memory_space<vmem>>
      %dma_wait3A_167 = arith.constant 0 : i32
      %dma_wait3A_168 = tpu.memref_slice %arg6[%dma_wait3A_161, %dma_wait3A_162, %dma_wait3A_167] : memref<3x16x64xi32, #tpu.memory_space<vmem>> -> memref<1x1x64xi32, #tpu.memory_space<vmem>>
      %dma_wait3A_169 = tpu.memref_squeeze %dma_wait3A_168 : memref<1x1x64xi32, #tpu.memory_space<vmem>> -> memref<64xi32, #tpu.memory_space<vmem>>
      %dma_wait3A_170 = arith.constant 0 : i32
      %dma_wait3A_171 = arith.constant 0 : i32
      %dma_wait3A_172 = tpu.memref_slice %arg2[%dma_wait3A_170, %dma_wait3A_171] : memref<10240x128xf32, #tpu.memory_space<hbm>> -> memref<10240x128xf32, #tpu.memory_space<hbm>>
      tpu.wait_indirect_dma semaphore(%arg11 : memref<!tpu.dma_semaphore, #tpu.memory_space<semaphore_mem>>) src(%dma_wait3A_172 : memref<10240x128xf32, #tpu.memory_space<hbm>>) dst(%dma_wait3A_166 : memref<64x128xf32, #tpu.memory_space<vmem>>)
      %dma_start3A_173 = arith.constant 0 : i32
      %dma_start3A_174 = arith.constant 0 : i32
      %dma_start3A_175 = tpu.memref_slice %arg8[%rem3A_154, %dma_start3A_173, %dma_start3A_174] : memref<4x64x128xf32, #tpu.memory_space<vmem>> -> memref<1x64x128xf32, #tpu.memory_space<vmem>>
      %dma_start3A_176 = tpu.memref_squeeze %dma_start3A_175 : memref<1x64x128xf32, #tpu.memory_space<vmem>> -> memref<64x128xf32, #tpu.memory_space<vmem>>
      %dma_start3A_177 = arith.constant 0 : i32
      %dma_start3A_178 = tpu.memref_slice %arg7[%rem3A_158, %rem3A_160, %dma_start3A_177] : memref<3x16x64xi32, #tpu.memory_space<vmem>> -> memref<1x1x64xi32, #tpu.memory_space<vmem>>
      %dma_start3A_179 = tpu.memref_squeeze %dma_start3A_178 : memref<1x1x64xi32, #tpu.memory_space<vmem>> -> memref<64xi32, #tpu.memory_space<vmem>>
      %dma_start3A_180 = arith.constant 0 : i32
      %dma_start3A_181 = arith.constant 0 : i32
      %dma_start3A_182 = tpu.memref_slice %arg10[%dma_start3A_180, %dma_start3A_181] : memref<10240x128xf32, #tpu.memory_space<vmem_shared>> -> memref<10240x128xf32, #tpu.memory_space<vmem_shared>>
      tpu.enqueue_indirect_dma source(%dma_start3A_176 : memref<64x128xf32, #tpu.memory_space<vmem>>) target(%dma_start3A_182 : memref<10240x128xf32, #tpu.memory_space<vmem_shared>>) offsets(%dma_start3A_179 : memref<64xi32, #tpu.memory_space<vmem>>) semaphore(%arg12 : memref<!tpu.dma_semaphore, #tpu.memory_space<semaphore_mem>>) {add = true}
      %add3A_183 = arith.constant 4 : i32
      %add3A_184 = arith.addi %add3A_152, %add3A_183 : i32
      %sub3A = arith.constant 1 : i32
      %sub3A_185 = arith.subi %add3A_184, %sub3A : i32
      %lt3A = arith.constant 160 : i32
      %lt3A_186 = arith.cmpi slt, %sub3A_185, %lt3A : i32
      %convert_element_type3A_187 = arith.extui %lt3A_186 : i1 to i32
      %cond3A_188 = arith.constant 0 : i32
      %cond3A_189 = arith.cmpi ne, %convert_element_type3A_187, %cond3A_188 : i32
      scf.if %cond3A_189 {
        %ge3A = arith.constant 1 : i32
        %ge3A_190 = arith.cmpi sge, %add3A_152, %ge3A : i32
        %convert_element_type3A_191 = arith.extui %ge3A_190 : i1 to i32
        %cond3A_192 = arith.constant 0 : i32
        %cond3A_193 = arith.cmpi ne, %convert_element_type3A_191, %cond3A_192 : i32
        scf.if %cond3A_193 {
          %sub3A_219 = arith.constant 1 : i32
          %sub3A_220 = arith.subi %add3A_152, %sub3A_219 : i32
          %rem3A_221 = arith.constant 4 : i32
          %rem3A_222 = arith.remsi %sub3A_220, %rem3A_221 : i32
          %dma_wait3A_223 = arith.constant 0 : i32
          %dma_wait3A_224 = arith.constant 0 : i32
          %dma_wait3A_225 = arith.constant 0 : i32
          %dma_wait3A_226 = arith.constant 0 : i32
          %dma_wait3A_227 = tpu.memref_slice %arg8[%rem3A_222, %dma_wait3A_225, %dma_wait3A_226] : memref<4x64x128xf32, #tpu.memory_space<vmem>> -> memref<1x64x128xf32, #tpu.memory_space<vmem>>
          %dma_wait3A_228 = tpu.memref_squeeze %dma_wait3A_227 : memref<1x64x128xf32, #tpu.memory_space<vmem>> -> memref<64x128xf32, #tpu.memory_space<vmem>>
          %dma_wait3A_229 = arith.constant 0 : i32
          %dma_wait3A_230 = tpu.memref_slice %arg7[%dma_wait3A_223, %dma_wait3A_224, %dma_wait3A_229] : memref<3x16x64xi32, #tpu.memory_space<vmem>> -> memref<1x1x64xi32, #tpu.memory_space<vmem>>
          %dma_wait3A_231 = tpu.memref_squeeze %dma_wait3A_230 : memref<1x1x64xi32, #tpu.memory_space<vmem>> -> memref<64xi32, #tpu.memory_space<vmem>>
          %dma_wait3A_232 = arith.constant 0 : i32
          %dma_wait3A_233 = arith.constant 0 : i32
          %dma_wait3A_234 = tpu.memref_slice %arg10[%dma_wait3A_232, %dma_wait3A_233] : memref<10240x128xf32, #tpu.memory_space<vmem_shared>> -> memref<10240x128xf32, #tpu.memory_space<vmem_shared>>
          tpu.wait_indirect_dma semaphore(%arg12 : memref<!tpu.dma_semaphore, #tpu.memory_space<semaphore_mem>>) src(%dma_wait3A_228 : memref<64x128xf32, #tpu.memory_space<vmem>>) dst(%dma_wait3A_234 : memref<10240x128xf32, #tpu.memory_space<vmem_shared>>)
        } else {
        }
        %div3A_194 = arith.constant 16 : i32
        %div3A_195 = arith.divsi %sub3A_185, %div3A_194 : i32
        %rem3A_196 = arith.constant 3 : i32
        %rem3A_197 = arith.remsi %div3A_195, %rem3A_196 : i32
        %rem3A_198 = arith.constant 16 : i32
        %rem3A_199 = arith.remsi %sub3A_185, %rem3A_198 : i32
        %eq3A_200 = arith.constant 0 : i32
        %eq3A_201 = arith.cmpi eq, %rem3A_199, %eq3A_200 : i32
        %convert_element_type3A_202 = arith.extui %eq3A_201 : i1 to i32
        %cond3A_203 = arith.constant 0 : i32
        %cond3A_204 = arith.cmpi ne, %convert_element_type3A_202, %cond3A_203 : i32
        scf.if %cond3A_204 {
          %mul3A_219 = arith.constant 160 : i32
          %mul3A_220 = arith.muli %add3A, %mul3A_219 : i32
          %dma_wait3A_221 = arith.constant 0 : i32
          %dma_wait3A_222 = arith.constant 0 : i32
          %dma_wait3A_223 = tpu.memref_slice %arg6[%rem3A_197, %dma_wait3A_221, %dma_wait3A_222] : memref<3x16x64xi32, #tpu.memory_space<vmem>> -> memref<1x16x64xi32, #tpu.memory_space<vmem>>
          %dma_wait3A_224 = tpu.memref_squeeze %dma_wait3A_223 : memref<1x16x64xi32, #tpu.memory_space<vmem>> -> memref<16x64xi32, #tpu.memory_space<vmem>>
          %dma_wait3A_225 = arith.constant 0 : i32
          %dma_wait3A_226 = tpu.memref_slice %arg3[%mul3A_220, %dma_wait3A_225] : memref<5120x64xi32, #tpu.memory_space<hbm>> -> memref<16x64xi32, #tpu.memory_space<hbm>>
          %dma_wait3A_227 = arith.constant 0 : i32
          %dma_wait3A_228 = arith.constant 0 : i32
          %dma_wait3A_229 = tpu.memref_slice %arg6[%rem3A_197, %dma_wait3A_227, %dma_wait3A_228] : memref<3x16x64xi32, #tpu.memory_space<vmem>> -> memref<1x16x64xi32, #tpu.memory_space<vmem>>
          %dma_wait3A_230 = tpu.memref_squeeze %dma_wait3A_229 : memref<1x16x64xi32, #tpu.memory_space<vmem>> -> memref<16x64xi32, #tpu.memory_space<vmem>>
          %dma_wait3A_231 = arith.constant 0 : i32
          %dma_wait3A_232 = tpu.memref_slice %arg3[%mul3A_220, %dma_wait3A_231] : memref<5120x64xi32, #tpu.memory_space<hbm>> -> memref<16x64xi32, #tpu.memory_space<hbm>>
          tpu.wait_dma2 semaphore(%arg13 : memref<!tpu.dma_semaphore, #tpu.memory_space<semaphore_mem>>) src(%dma_wait3A_232 : memref<16x64xi32, #tpu.memory_space<hbm>>) dst(%dma_wait3A_230 : memref<16x64xi32, #tpu.memory_space<vmem>>)
          %dma_wait3A_233 = arith.constant 0 : i32
          %dma_wait3A_234 = arith.constant 0 : i32
          %dma_wait3A_235 = tpu.memref_slice %arg7[%rem3A_197, %dma_wait3A_233, %dma_wait3A_234] : memref<3x16x64xi32, #tpu.memory_space<vmem>> -> memref<1x16x64xi32, #tpu.memory_space<vmem>>
          %dma_wait3A_236 = tpu.memref_squeeze %dma_wait3A_235 : memref<1x16x64xi32, #tpu.memory_space<vmem>> -> memref<16x64xi32, #tpu.memory_space<vmem>>
          %dma_wait3A_237 = arith.constant 0 : i32
          %dma_wait3A_238 = tpu.memref_slice %arg4[%mul3A_220, %dma_wait3A_237] : memref<5120x64xi32, #tpu.memory_space<hbm>> -> memref<16x64xi32, #tpu.memory_space<hbm>>
          %dma_wait3A_239 = arith.constant 0 : i32
          %dma_wait3A_240 = arith.constant 0 : i32
          %dma_wait3A_241 = tpu.memref_slice %arg7[%rem3A_197, %dma_wait3A_239, %dma_wait3A_240] : memref<3x16x64xi32, #tpu.memory_space<vmem>> -> memref<1x16x64xi32, #tpu.memory_space<vmem>>
          %dma_wait3A_242 = tpu.memref_squeeze %dma_wait3A_241 : memref<1x16x64xi32, #tpu.memory_space<vmem>> -> memref<16x64xi32, #tpu.memory_space<vmem>>
          %dma_wait3A_243 = arith.constant 0 : i32
          %dma_wait3A_244 = tpu.memref_slice %arg4[%mul3A_220, %dma_wait3A_243] : memref<5120x64xi32, #tpu.memory_space<hbm>> -> memref<16x64xi32, #tpu.memory_space<hbm>>
          tpu.wait_dma2 semaphore(%arg13 : memref<!tpu.dma_semaphore, #tpu.memory_space<semaphore_mem>>) src(%dma_wait3A_244 : memref<16x64xi32, #tpu.memory_space<hbm>>) dst(%dma_wait3A_242 : memref<16x64xi32, #tpu.memory_space<vmem>>)
          %add3A_245 = arith.constant 1 : i32
          %add3A_246 = arith.addi %div3A_195, %add3A_245 : i32
          %lt3A_247 = arith.constant 10 : i32
          %lt3A_248 = arith.cmpi slt, %add3A_246, %lt3A_247 : i32
          %convert_element_type3A_249 = arith.extui %lt3A_248 : i1 to i32
          %cond3A_250 = arith.constant 0 : i32
          %cond3A_251 = arith.cmpi ne, %convert_element_type3A_249, %cond3A_250 : i32
          scf.if %cond3A_251 {
            %add3A_252 = arith.constant 1 : i32
            %add3A_253 = arith.addi %div3A_195, %add3A_252 : i32
            %add3A_254 = arith.constant 1 : i32
            %add3A_255 = arith.addi %div3A_195, %add3A_254 : i32
            %rem3A_256 = arith.constant 3 : i32
            %rem3A_257 = arith.remsi %add3A_255, %rem3A_256 : i32
            %mul3A_258 = arith.constant 160 : i32
            %mul3A_259 = arith.muli %add3A, %mul3A_258 : i32
            %mul3A_260 = arith.constant 16 : i32
            %mul3A_261 = arith.muli %add3A_253, %mul3A_260 : i32
            %add3A_262 = arith.addi %mul3A_259, %mul3A_261 : i32
            %multiple_of3A_263 = tpu.assume_multiple %add3A_262, 16 : i32
            %dma_start3A_264 = arith.constant 0 : i32
            %dma_start3A_265 = arith.constant 0 : i32
            %dma_start3A_266 = tpu.memref_slice %arg6[%rem3A_257, %dma_start3A_264, %dma_start3A_265] : memref<3x16x64xi32, #tpu.memory_space<vmem>> -> memref<1x16x64xi32, #tpu.memory_space<vmem>>
            %dma_start3A_267 = tpu.memref_squeeze %dma_start3A_266 : memref<1x16x64xi32, #tpu.memory_space<vmem>> -> memref<16x64xi32, #tpu.memory_space<vmem>>
            %dma_start3A_268 = arith.constant 0 : i32
            %dma_start3A_269 = tpu.memref_slice %arg3[%multiple_of3A_263, %dma_start3A_268] : memref<5120x64xi32, #tpu.memory_space<hbm>> -> memref<16x64xi32, #tpu.memory_space<hbm>>
            %dma_start3A_270 = arith.constant 0 : i32
            %dma_start3A_271 = arith.constant 0 : i32
            %dma_start3A_272 = tpu.memref_slice %arg6[%rem3A_257, %dma_start3A_270, %dma_start3A_271] : memref<3x16x64xi32, #tpu.memory_space<vmem>> -> memref<1x16x64xi32, #tpu.memory_space<vmem>>
            %dma_start3A_273 = tpu.memref_squeeze %dma_start3A_272 : memref<1x16x64xi32, #tpu.memory_space<vmem>> -> memref<16x64xi32, #tpu.memory_space<vmem>>
            %dma_start3A_274 = arith.constant 0 : i32
            %dma_start3A_275 = tpu.memref_slice %arg3[%multiple_of3A_263, %dma_start3A_274] : memref<5120x64xi32, #tpu.memory_space<hbm>> -> memref<16x64xi32, #tpu.memory_space<hbm>>
            tpu.enqueue_dma source(%dma_start3A_275 : memref<16x64xi32, #tpu.memory_space<hbm>>) target(%dma_start3A_273 : memref<16x64xi32, #tpu.memory_space<vmem>>) target_semaphore(%arg13 : memref<!tpu.dma_semaphore, #tpu.memory_space<semaphore_mem>>)
            %dma_start3A_276 = arith.constant 0 : i32
            %dma_start3A_277 = arith.constant 0 : i32
            %dma_start3A_278 = tpu.memref_slice %arg7[%rem3A_257, %dma_start3A_276, %dma_start3A_277] : memref<3x16x64xi32, #tpu.memory_space<vmem>> -> memref<1x16x64xi32, #tpu.memory_space<vmem>>
            %dma_start3A_279 = tpu.memref_squeeze %dma_start3A_278 : memref<1x16x64xi32, #tpu.memory_space<vmem>> -> memref<16x64xi32, #tpu.memory_space<vmem>>
            %dma_start3A_280 = arith.constant 0 : i32
            %dma_start3A_281 = tpu.memref_slice %arg4[%multiple_of3A_263, %dma_start3A_280] : memref<5120x64xi32, #tpu.memory_space<hbm>> -> memref<16x64xi32, #tpu.memory_space<hbm>>
            %dma_start3A_282 = arith.constant 0 : i32
            %dma_start3A_283 = arith.constant 0 : i32
            %dma_start3A_284 = tpu.memref_slice %arg7[%rem3A_257, %dma_start3A_282, %dma_start3A_283] : memref<3x16x64xi32, #tpu.memory_space<vmem>> -> memref<1x16x64xi32, #tpu.memory_space<vmem>>
            %dma_start3A_285 = tpu.memref_squeeze %dma_start3A_284 : memref<1x16x64xi32, #tpu.memory_space<vmem>> -> memref<16x64xi32, #tpu.memory_space<vmem>>
            %dma_start3A_286 = arith.constant 0 : i32
            %dma_start3A_287 = tpu.memref_slice %arg4[%multiple_of3A_263, %dma_start3A_286] : memref<5120x64xi32, #tpu.memory_space<hbm>> -> memref<16x64xi32, #tpu.memory_space<hbm>>
            tpu.enqueue_dma source(%dma_start3A_287 : memref<16x64xi32, #tpu.memory_space<hbm>>) target(%dma_start3A_285 : memref<16x64xi32, #tpu.memory_space<vmem>>) target_semaphore(%arg13 : memref<!tpu.dma_semaphore, #tpu.memory_space<semaphore_mem>>)
          } else {
          }
        } else {
        }
        %rem3A_205 = arith.constant 16 : i32
        %rem3A_206 = arith.remsi %sub3A_185, %rem3A_205 : i32
        %rem3A_207 = arith.constant 4 : i32
        %rem3A_208 = arith.remsi %sub3A_185, %rem3A_207 : i32
        %dma_start3A_209 = arith.constant 0 : i32
        %dma_start3A_210 = arith.constant 0 : i32
        %dma_start3A_211 = tpu.memref_slice %arg8[%rem3A_208, %dma_start3A_209, %dma_start3A_210] : memref<4x64x128xf32, #tpu.memory_space<vmem>> -> memref<1x64x128xf32, #tpu.memory_space<vmem>>
        %dma_start3A_212 = tpu.memref_squeeze %dma_start3A_211 : memref<1x64x128xf32, #tpu.memory_space<vmem>> -> memref<64x128xf32, #tpu.memory_space<vmem>>
        %dma_start3A_213 = arith.constant 0 : i32
        %dma_start3A_214 = tpu.memref_slice %arg6[%rem3A_197, %rem3A_206, %dma_start3A_213] : memref<3x16x64xi32, #tpu.memory_space<vmem>> -> memref<1x1x64xi32, #tpu.memory_space<vmem>>
        %dma_start3A_215 = tpu.memref_squeeze %dma_start3A_214 : memref<1x1x64xi32, #tpu.memory_space<vmem>> -> memref<64xi32, #tpu.memory_space<vmem>>
        %dma_start3A_216 = arith.constant 0 : i32
        %dma_start3A_217 = arith.constant 0 : i32
        %dma_start3A_218 = tpu.memref_slice %arg2[%dma_start3A_216, %dma_start3A_217] : memref<10240x128xf32, #tpu.memory_space<hbm>> -> memref<10240x128xf32, #tpu.memory_space<hbm>>
        tpu.enqueue_indirect_dma source(%dma_start3A_218 : memref<10240x128xf32, #tpu.memory_space<hbm>>) target(%dma_start3A_212 : memref<64x128xf32, #tpu.memory_space<vmem>>) offsets(%dma_start3A_215 : memref<64xi32, #tpu.memory_space<vmem>>) semaphore(%arg11 : memref<!tpu.dma_semaphore, #tpu.memory_space<semaphore_mem>>)
      } else {
      }
    }
    %scan3A_132 = arith.constant 160 : i32
    %scan3A_133 = arith.constant 0 : i32
    %scan3A_134 = arith.constant 4 : i32
    %scan3A_135 = arith.addi %scan3A_133, %scan3A_134 : i32
    %scan3A_136 = arith.constant 1 : i32
    scf.for %scan3A_148 = %scan3A_133 to %scan3A_135 step %scan3A_136  : i32 {
      %mul3A_149 = arith.constant 1 : i32
      %mul3A_150 = arith.muli %scan3A_148, %mul3A_149 : i32
      %add3A_151 = arith.constant 0 : i32
      %add3A_152 = arith.addi %add3A_151, %mul3A_150 : i32
      %rem3A_153 = arith.constant 4 : i32
      %rem3A_154 = arith.remsi %add3A_152, %rem3A_153 : i32
      %dma_wait3A_155 = arith.constant 0 : i32
      %dma_wait3A_156 = arith.constant 0 : i32
      %dma_wait3A_157 = arith.constant 0 : i32
      %dma_wait3A_158 = arith.constant 0 : i32
      %dma_wait3A_159 = tpu.memref_slice %arg8[%rem3A_154, %dma_wait3A_157, %dma_wait3A_158] : memref<4x64x128xf32, #tpu.memory_space<vmem>> -> memref<1x64x128xf32, #tpu.memory_space<vmem>>
      %dma_wait3A_160 = tpu.memref_squeeze %dma_wait3A_159 : memref<1x64x128xf32, #tpu.memory_space<vmem>> -> memref<64x128xf32, #tpu.memory_space<vmem>>
      %dma_wait3A_161 = arith.constant 0 : i32
      %dma_wait3A_162 = tpu.memref_slice %arg7[%dma_wait3A_155, %dma_wait3A_156, %dma_wait3A_161] : memref<3x16x64xi32, #tpu.memory_space<vmem>> -> memref<1x1x64xi32, #tpu.memory_space<vmem>>
      %dma_wait3A_163 = tpu.memref_squeeze %dma_wait3A_162 : memref<1x1x64xi32, #tpu.memory_space<vmem>> -> memref<64xi32, #tpu.memory_space<vmem>>
      %dma_wait3A_164 = arith.constant 0 : i32
      %dma_wait3A_165 = arith.constant 0 : i32
      %dma_wait3A_166 = tpu.memref_slice %arg10[%dma_wait3A_164, %dma_wait3A_165] : memref<10240x128xf32, #tpu.memory_space<vmem_shared>> -> memref<10240x128xf32, #tpu.memory_space<vmem_shared>>
      tpu.wait_indirect_dma semaphore(%arg12 : memref<!tpu.dma_semaphore, #tpu.memory_space<semaphore_mem>>) src(%dma_wait3A_160 : memref<64x128xf32, #tpu.memory_space<vmem>>) dst(%dma_wait3A_166 : memref<10240x128xf32, #tpu.memory_space<vmem_shared>>)
    }
    %scan3A_137 = arith.constant 4 : i32
    %barrier3A_138 = arith.constant 0 : index
    tpu.barrier barrier_id(%barrier3A_138)
    %dma_start3A_139 = arith.constant 0 : i32
    %dma_start3A_140 = tpu.memref_slice %arg5[%arg0, %mul3A_2, %dma_start3A_139] : memref<2x10240x128xf32, #tpu.memory_space<hbm>> -> memref<1x640x128xf32, #tpu.memory_space<hbm>>
    %dma_start3A_141 = tpu.memref_squeeze %dma_start3A_140 : memref<1x640x128xf32, #tpu.memory_space<hbm>> -> memref<640x128xf32, #tpu.memory_space<hbm>>
    %dma_start3A_142 = arith.constant 0 : i32
    %dma_start3A_143 = tpu.memref_slice %arg10[%mul3A_2, %dma_start3A_142] : memref<10240x128xf32, #tpu.memory_space<vmem_shared>> -> memref<640x128xf32, #tpu.memory_space<vmem_shared>>
    tpu.enqueue_dma source(%dma_start3A_143 : memref<640x128xf32, #tpu.memory_space<vmem_shared>>) target(%dma_start3A_141 : memref<640x128xf32, #tpu.memory_space<hbm>>) target_semaphore(%arg12 : memref<!tpu.dma_semaphore, #tpu.memory_space<semaphore_mem>>)
    %dma_wait3A = arith.constant 0 : i32
    %dma_wait3A_144 = tpu.memref_slice %arg5[%arg0, %mul3A_2, %dma_wait3A] : memref<2x10240x128xf32, #tpu.memory_space<hbm>> -> memref<1x640x128xf32, #tpu.memory_space<hbm>>
    %dma_wait3A_145 = tpu.memref_squeeze %dma_wait3A_144 : memref<1x640x128xf32, #tpu.memory_space<hbm>> -> memref<640x128xf32, #tpu.memory_space<hbm>>
    %dma_wait3A_146 = arith.constant 0 : i32
    %dma_wait3A_147 = tpu.memref_slice %arg10[%mul3A_2, %dma_wait3A_146] : memref<10240x128xf32, #tpu.memory_space<vmem_shared>> -> memref<640x128xf32, #tpu.memory_space<vmem_shared>>
    tpu.wait_dma2 semaphore(%arg12 : memref<!tpu.dma_semaphore, #tpu.memory_space<semaphore_mem>>) src(%dma_wait3A_147 : memref<640x128xf32, #tpu.memory_space<vmem_shared>>) dst(%dma_wait3A_145 : memref<640x128xf32, #tpu.memory_space<hbm>>)
    return
  }
}

module attributes {stable_mosaic.version = 14 : i64} {
  func.func @body(%arg0: i32, %arg1: memref<2x1024x128xf32, #tpu.memory_space<vmem>>, %arg2: memref<2x1024x1xf32, #tpu.memory_space<vmem>>, %arg3: memref<1024x128xf32, #tpu.memory_space<vmem>>, %arg4: memref<128x128xf32, #tpu.memory_space<vmem>>, %arg5: memref<1x128xf32, #tpu.memory_space<vmem>>, %arg6: memref<128x128xf32, #tpu.memory_space<vmem>>, %arg7: memref<1024x128xf32, #tpu.memory_space<vmem>>) attributes {dimension_semantics = [#tpu.dimension_semantics<arbitrary>], iteration_bounds = array<i64: 10>, scalar_prefetch = 0 : i64, scratch_operands = 0 : i64, tpu.core_type = #tpu.core_type<tc>, window_params = [{transform_indices = @transform_0, window_bounds = array<i64: 2, 1024, 128>}, {transform_indices = @transform_1, window_bounds = array<i64: 2, 1024, 1>}, {transform_indices = @transform_2, window_bounds = array<i64: 1024, 128>}, {pipeline_mode = #tpu.pipeline_mode<synchronous>, transform_indices = @transform_3, window_bounds = array<i64: 128, 128>}, {pipeline_mode = #tpu.pipeline_mode<synchronous>, transform_indices = @transform_4, window_bounds = array<i64: 1, 128>}, {pipeline_mode = #tpu.pipeline_mode<synchronous>, transform_indices = @transform_5, window_bounds = array<i64: 128, 128>}, {transform_indices = @transform_6, window_bounds = array<i64: 1024, 128>}]} {
    %get3A = arith.constant 0 : index
    %get3A_0 = arith.constant 0 : index
    %get3A_1 = arith.constant 0 : index
    %get3A_2 = vector.load %arg1[%get3A, %get3A_0, %get3A_1] : memref<2x1024x128xf32, #tpu.memory_space<vmem>>, vector<1x1024x128xf32>
    %get3A_3 = vector.shape_cast %get3A_2 : vector<1x1024x128xf32> to vector<1024x128xf32>
    %get3A_4 = arith.constant 1 : index
    %get3A_5 = arith.constant 0 : index
    %get3A_6 = arith.constant 0 : index
    %get3A_7 = vector.load %arg1[%get3A_4, %get3A_5, %get3A_6] : memref<2x1024x128xf32, #tpu.memory_space<vmem>>, vector<1x1024x128xf32>
    %get3A_8 = vector.shape_cast %get3A_7 : vector<1x1024x128xf32> to vector<1024x128xf32>
    %add3A = arith.addf %get3A_3, %get3A_8 : vector<1024x128xf32>
    %get3A_9 = arith.constant 0 : index
    %get3A_10 = arith.constant 0 : index
    %get3A_11 = arith.constant 0 : index
    %get3A_12 = vector.load %arg2[%get3A_9, %get3A_10, %get3A_11] : memref<2x1024x1xf32, #tpu.memory_space<vmem>>, vector<1x1024x1xf32>
    %get3A_13 = vector.shape_cast %get3A_12 : vector<1x1024x1xf32> to vector<1024x1xf32>
    %get3A_14 = arith.constant 1 : index
    %get3A_15 = arith.constant 0 : index
    %get3A_16 = arith.constant 0 : index
    %get3A_17 = vector.load %arg2[%get3A_14, %get3A_15, %get3A_16] : memref<2x1024x1xf32, #tpu.memory_space<vmem>>, vector<1x1024x1xf32>
    %get3A_18 = vector.shape_cast %get3A_17 : vector<1x1024x1xf32> to vector<1024x1xf32>
    %add3A_19 = arith.addf %get3A_13, %get3A_18 : vector<1024x1xf32>
    %max3A = arith.constant 1.000000e+00 : f32
    %max3A_20 = vector.broadcast %max3A : f32 to vector<1024x1xf32>
    %max3A_21 = arith.maximumf %add3A_19, %max3A_20 : vector<1024x1xf32>
    %div3A = arith.constant 1.000000e+00 : f32
    %div3A_22 = vector.broadcast %div3A : f32 to vector<1024x1xf32>
    %div3A_23 = arith.divf %div3A_22, %max3A_21 : vector<1024x1xf32>
    %mul3A = vector.broadcast %div3A_23 : vector<1024x1xf32> to vector<1024x128xf32>
    %mul3A_24 = arith.mulf %add3A, %mul3A : vector<1024x128xf32>
    %get3A_25 = arith.constant 0 : index
    %get3A_26 = arith.constant 0 : index
    %get3A_27 = vector.load %arg4[%get3A_25, %get3A_26] : memref<128x128xf32, #tpu.memory_space<vmem>>, vector<128x128xf32>
    %dot_general3A = arith.constant dense<0.000000e+00> : vector<1024x128xf32>
    %dot_general3A_28 = tpu.matmul %mul3A_24, %get3A_27, %dot_general3A {dimension_numbers = #tpu.dot_dimension_numbers<[1], [1], [0], [0], [0, 0, 1, 0], [], []>, transpose_lhs_hint = false} : vector<1024x128xf32>, vector<128x128xf32>, vector<1024x128xf32> -> vector<1024x128xf32>
    %get3A_29 = arith.constant 0 : index
    %get3A_30 = arith.constant 0 : index
    %get3A_31 = vector.load %arg3[%get3A_29, %get3A_30] : memref<1024x128xf32, #tpu.memory_space<vmem>>, vector<1024x128xf32>
    %get3A_32 = arith.constant 0 : index
    %get3A_33 = arith.constant 0 : index
    %get3A_34 = vector.load %arg6[%get3A_32, %get3A_33] : memref<128x128xf32, #tpu.memory_space<vmem>>, vector<128x128xf32>
    %dot_general3A_35 = arith.constant dense<0.000000e+00> : vector<1024x128xf32>
    %dot_general3A_36 = tpu.matmul %get3A_31, %get3A_34, %dot_general3A_35 {dimension_numbers = #tpu.dot_dimension_numbers<[1], [1], [0], [0], [0, 0, 1, 0], [], []>, transpose_lhs_hint = false} : vector<1024x128xf32>, vector<128x128xf32>, vector<1024x128xf32> -> vector<1024x128xf32>
    %add3A_37 = arith.addf %dot_general3A_28, %dot_general3A_36 : vector<1024x128xf32>
    %get3A_38 = arith.constant 0 : index
    %get3A_39 = arith.constant 0 : index
    %get3A_40 = vector.load %arg5[%get3A_38, %get3A_39] : memref<1x128xf32, #tpu.memory_space<vmem>>, vector<1x128xf32>
    %add3A_41 = vector.broadcast %get3A_40 : vector<1x128xf32> to vector<1024x128xf32>
    %add3A_42 = arith.addf %add3A_37, %add3A_41 : vector<1024x128xf32>
    %ge3A = arith.constant 0.000000e+00 : f32
    %ge3A_43 = vector.broadcast %ge3A : f32 to vector<1024x128xf32>
    %ge3A_44 = arith.cmpf oge, %add3A_42, %ge3A_43 : vector<1024x128xf32>
    %mul3A_45 = arith.constant 0.00999999977 : f32
    %mul3A_46 = vector.broadcast %mul3A_45 : f32 to vector<1024x128xf32>
    %mul3A_47 = arith.mulf %mul3A_46, %add3A_42 : vector<1024x128xf32>
    %select_n3A = arith.select %ge3A_44, %add3A_42, %mul3A_47 : vector<1024x128xi1>, vector<1024x128xf32>
    %swap3A = arith.constant 0 : index
    %swap3A_48 = arith.constant 0 : index
    %swap3A_49 = vector.load %arg7[%swap3A, %swap3A_48] : memref<1024x128xf32, #tpu.memory_space<vmem>>, vector<1024x128xf32>
    tpu.vector_store %arg7[%swap3A, %swap3A_48], %select_n3A {strides = array<i32>} : memref<1024x128xf32, #tpu.memory_space<vmem>>, vector<1024x128xf32>,
    return
  }
  func.func @transform_0(%arg0: i32) -> (i32, i32, i32) {
    %c0_i32 = arith.constant 0 : i32
    %c0_i32_0 = arith.constant 0 : i32
    %c0_i32_1 = arith.constant 0 : i32
    return %c0_i32, %arg0, %c0_i32_0 : i32, i32, i32
  }
  func.func @transform_1(%arg0: i32) -> (i32, i32, i32) {
    %c0_i32 = arith.constant 0 : i32
    %c0_i32_0 = arith.constant 0 : i32
    %c0_i32_1 = arith.constant 0 : i32
    return %c0_i32, %arg0, %c0_i32_0 : i32, i32, i32
  }
  func.func @transform_2(%arg0: i32) -> (i32, i32) {
    %c0_i32 = arith.constant 0 : i32
    %c0_i32_0 = arith.constant 0 : i32
    return %arg0, %c0_i32 : i32, i32
  }
  func.func @transform_3(%arg0: i32) -> (i32, i32) {
    %c0_i32 = arith.constant 0 : i32
    %c0_i32_0 = arith.constant 0 : i32
    %c0_i32_1 = arith.constant 0 : i32
    return %c0_i32, %c0_i32_0 : i32, i32
  }
  func.func @transform_4(%arg0: i32) -> (i32, i32) {
    %c0_i32 = arith.constant 0 : i32
    %c0_i32_0 = arith.constant 0 : i32
    %c0_i32_1 = arith.constant 0 : i32
    return %c0_i32, %c0_i32_0 : i32, i32
  }
  func.func @transform_5(%arg0: i32) -> (i32, i32) {
    %c0_i32 = arith.constant 0 : i32
    %c0_i32_0 = arith.constant 0 : i32
    %c0_i32_1 = arith.constant 0 : i32
    return %c0_i32, %c0_i32_0 : i32, i32
  }
  func.func @transform_6(%arg0: i32) -> (i32, i32) {
    %c0_i32 = arith.constant 0 : i32
    %c0_i32_0 = arith.constant 0 : i32
    return %arg0, %c0_i32 : i32, i32
  }
}

</mosaic_0001>

<sc_bundles>
// kernel: kernel.6.cloned.1.call-start
scs
__scs_entry_jumppad:
0x0: {  	(pc) =	sbr.rel $0x88, $3  }
0x1: {  	(tag) =	ssettag $0x0;
	lr =	simm.s32 $0x1  }
0x2: {  	[smem:$0x3F99] =	sst lr;
	_ =	strace $0xD0000000  }
0x3: {  	_ = 	snop  }
0x4: {  	_ = 	snop  }
0x5: {  	_ = 	snop  }
0x6: {  	_ = 	snop  }
0x7: {  	_ = 	snop  }
__scs_overlays_trampoline_lowered:
0x8: {  	[smem:$0x3FA8] =	sst s0  }
0x9: {  	[smem:$0x3FA9] =	sst s1  }
0xa: {  	[smem:$0x3FAA] =	sst s2  }
0xb: {  	[smem:$0x3FAB] =	sst s3  }
0xc: {  	[smem:$0x3FAC] =	sst s4  }
0xd: {  	[smem:$0x3FAD] =	sst s5  }
0xe: {  	[smem:$0x3FAE] =	sst s6  }
0xf: {  	[smem:$0x3FAF] =	sst s7  }
0x10: {  	[smem:$0x3FB0] =	sst s8  }
0x11: {  	[smem:$0x3FB1] =	sst s9;
	s0 =	simm.s32 @!p0 $0x0  }
0x12: {  	s1 =	sld [smem:$0x3F97];
	s0 =	simm.s32 @p0 $0x1  }
0x13: {  	[smem:$0x3FB2] =	sst s0;
	s0 =	simm.s32 @!p1 $0x0  }
0x14: {  	s2 =	sld [smem:$0x3F96];
	s0 =	simm.s32 @p1 $0x1  }
0x15: {  	[smem:$0x3FB3] =	sst s0;
	s0 =	simm.s32 @!p2 $0x0  }
0x16: {  	s3 =	sld [smem:$0x3FDB];
	s0 =	simm.s32 @p2 $0x1  }
0x17: {  	s4 =	simm.s32 $0x1BF5;
	[smem:$0x3FB5] =	sst s0  }
0x18: {  	s0 =	sld [smem:$0x3F98];
	_ =	swait.ge [sflag:s4], $0x0  }
0x19: {  	s7 =	sld [smem:$0x3F99]  }
0x1a: {  	s8 =	sadd.s32 $0xFFFFE003, lr  }
0x1b: {  	s9 =	sadd.s32 $0xFFFFFEF7, lr;
	s5 =	simm.s32 $0xFFFFFFFF;
	p2 =	slt.u32 s8, $0xFFFFF086  }
0x1c: {  	p1 =	slt.u32 s9, $0xF7A;
	s5 =	simm.s32 @!p2 $0x0  }
0x1d: {  	s5 =	simm.s32 @p1 $0x1;
	p0 =	seq.s32 s7, s2  }
0x1e: {  	s7 =	smul.u32 @!p0 $0xF7A, s2;
	p2 =	seq.s32 @!p0 s5, $0x0  }
0x1f: {  	s9 =	smul.u32 $0xF7A, s1;
	s8 =	simm.s32 @!p0 $0x1BF5;
	p2 =	por !p2, p0  }
0x20: {  	[sflag:s8] =	ssyncset.s32 @!p0 $0xFFFFF086;
	s6 =	sadd.s32 @!p0 s3, s7;
	s7 =	simm.s32 @!p0 $0x108  }
0x21: {  	s3 =	sadd.s32 s3, s9;
	s6 =	sadd.s32 @!p0 $0x88, s6;
	s7 =	simm.s32 @p2 $0x1082  }
0x22: {  	[simem:s7], [sflag:s8] =	dma.local @!p0 [hbm:s6], $0xF7A  }
0x23: {  	s9 =	sor.u32 $0xD0000000, s2;
	s6 =	simm.s32 $0x108;
	_ =	swait.ge @!p0 [sflag:s8], $0x0  }
0x24: {  	s3 =	sadd.s32 $0x88, s3;
	s6 =	simm.s32 @!p1 $0x1082;
	[sflag:s4] =	ssyncset.s32 $0xFFFFF086  }
0x25: {  	[simem:s6], [sflag:s4] =	dma.local [hbm:s3], $0xF7A  }
0x26: {  	[smem:$0x3F99] =	sst s1;
	(tag) =	ssettag s2;
	_ =	strace s9  }
0x27: {  	s1 =	sld [smem:$0x3FA9]  }
0x28: {  	s2 =	sld [smem:$0x3FAA]  }
0x29: {  	s4 =	sld [smem:$0x3FAC]  }
0x2a: {  	p0 =	seq.s32 s5, $0x0;
	s5 =	sld [smem:$0x3FAD]  }
0x2b: {  	s6 =	sld [smem:$0x3FAE]  }
0x2c: {  	s7 =	sld [smem:$0x3FAF]  }
0x2d: {  	s3 =	simm.s32 $0x108;
	s8 =	sld [smem:$0x3FB0]  }
0x2e: {  	s3 =	simm.s32 @!p0 $0x1082;
	s9 =	sld [smem:$0x3FB1]  }
0x2f: {  	lr =	sadd.s32 s0, s3;
	s0 =	sld [smem:$0x3FA8]  }
0x30: {  	s3 =	sld [smem:$0x3FAB]  }
0x31: {  	[smem:$0x3FB4] =	sst s10  }
0x32: {  	s10 =	sld [smem:$0x3FB2];
	_ =	sdelay $0x3  }
0x33: {  	p0 =	seq.s32 s10, $0x1;
	s10 =	sld [smem:$0x3FB4];
	_ =	sdelay $0x3  }
0x34: {  	[smem:$0x3FB4] =	sst s10  }
0x35: {  	s10 =	sld [smem:$0x3FB3];
	_ =	sdelay $0x3  }
0x36: {  	p1 =	seq.s32 s10, $0x1;
	s10 =	sld [smem:$0x3FB4];
	_ =	sdelay $0x3  }
0x37: {  	[smem:$0x3FB4] =	sst s10  }
0x38: {  	s10 =	sld [smem:$0x3FB5]  }
0x39: {  	_ = 	snop;
	(pc) =	sbr.ind lr, $3  }
0x3a: {  	_ = 	snop  }
0x3b: {  	_ = 	snop  }
0x3c: {  	p2 =	seq.s32 s10, $0x1;
	s10 =	sld [smem:$0x3FB4]  }
0x3d: {  	_ =	shalt  }
0x3e: {  	_ =	shalt  }
0x3f: {  	_ =	shalt  }
0x40: {  	_ =	shalt  }
0x41: {  	_ =	shalt  }
0x42: {  	_ =	shalt  }
0x43: {  	_ =	shalt  }
0x44: {  	_ =	shalt  }
0x45: {  	_ =	shalt  }
0x46: {  	_ =	shalt  }
0x47: {  	_ =	shalt  }
0x48: {  	_ =	shalt  }
0x49: {  	_ =	shalt  }
0x4a: {  	_ =	shalt  }
0x4b: {  	_ =	shalt  }
0x4c: {  	_ =	shalt  }
0x4d: {  	_ =	shalt  }
0x4e: {  	_ =	shalt  }
0x4f: {  	_ =	shalt  }
0x50: {  	_ =	shalt  }
0x51: {  	_ =	shalt  }
0x52: {  	_ =	shalt  }
0x53: {  	_ =	shalt  }
0x54: {  	_ =	shalt  }
0x55: {  	_ =	shalt  }
0x56: {  	_ =	shalt  }
0x57: {  	_ =	shalt  }
0x58: {  	_ =	shalt  }
0x59: {  	_ =	shalt  }
0x5a: {  	_ =	shalt  }
0x5b: {  	_ =	shalt  }
0x5c: {  	_ =	shalt  }
0x5d: {  	_ =	shalt  }
0x5e: {  	_ =	shalt  }
0x5f: {  	_ =	shalt  }
0x60: {  	_ =	shalt  }
0x61: {  	_ =	shalt  }
0x62: {  	_ =	shalt  }
0x63: {  	_ =	shalt  }
0x64: {  	_ =	shalt  }
0x65: {  	_ =	shalt  }
0x66: {  	_ =	shalt  }
0x67: {  	_ =	shalt  }
0x68: {  	_ =	shalt  }
0x69: {  	_ =	shalt  }
0x6a: {  	_ =	shalt  }
0x6b: {  	_ =	shalt  }
0x6c: {  	_ =	shalt  }
0x6d: {  	_ =	shalt  }
0x6e: {  	_ =	shalt  }
0x6f: {  	_ =	shalt  }
0x70: {  	_ =	shalt  }
0x71: {  	_ =	shalt  }
0x72: {  	_ =	shalt  }
0x73: {  	_ =	shalt  }
0x74: {  	_ =	shalt  }
0x75: {  	_ =	shalt  }
0x76: {  	_ =	shalt  }
0x77: {  	_ =	shalt  }
0x78: {  	_ =	shalt  }
0x79: {  	_ =	shalt  }
0x7a: {  	_ =	shalt  }
0x7b: {  	_ =	shalt  }
0x7c: {  	_ =	shalt  }
0x7d: {  	_ =	shalt  }
0x7e: {  	_ =	shalt  }
0x7f: {  	_ =	shalt  }
0x80: {  	_ =	shalt  }
0x81: {  	_ =	shalt  }
0x82: {  	_ =	shalt  }
0x83: {  	_ =	shalt  }
0x84: {  	_ =	shalt  }
0x85: {  	_ =	shalt  }
0x86: {  	_ =	shalt  }
0x87: {  	_ =	shalt  }
.Lfunc_end0:
.L_simem_size_0:
called_computation_lowered:
.L_overlay_start_0:
0x88: {  	s2 =	sld [smem:$0x3FD9]  }
0x89: {  	s3 =	sld [smem:$0x3FFE];
	_ =	sdelay $0x1  }
0x8a: {  	s1 =	srdreg.scid  }
0x8b: {  	s0 =	sand.u32 $0x1, s1  }
0x8c: {  	s17 =	sshll.u32 s0, $0xA;
	s2 =	sadd.s32 s3, s2  }
0x8d: {  	s2 =	sadd.s32 s2, s17  }
0x8e: {  	[smem:$0x3FC0] =	sst s2  }
0x8f: {  	_ = 	snop  }
0x90: {  	s2 =	sld [smem:$0x3FD0];
	(tm) =	ssettm $0x1  }
0x91: {  	s18 =	sld [smem:$0x3FFB];
	_ =	sdelay $0x3  }
0x92: {  	_ =	strace s18  }
0x93: {  	s3 =	sld [smem:$0x3FFC];
	_ =	sdelay $0x3  }
0x94: {  	_ =	strace s3  }
0x95: {  	s3 =	sld [smem:$0x3FFD];
	_ =	sdelay $0x3  }
0x96: {  	_ =	strace s3  }
0x97: {  	_ =	strace $0x8FFFFFFF  }
0x98: {  	s19 =	sld [smem:$0x3FDB];
	_ =	sdelay $0x1  }
0x99: {  	s4 =	simm.s32 $_scs_section_size  }
0x9a: {  	s5 =	simm.s32 $_size__tile_overlayer_lowered;
	s6 =	simm.s32 $_tile_overlayer_lowered  }
0x9b: {  	s22 =	simm.s32 $0x1BFF;
	s21 =	sshll.u32 s6, $0x1;
	s3 =	sadd.s32 s4, s19  }
0x9c: {  	s7 =	simm.s32 $0x0;
	s20 =	sshll.u32 s5, $0x1;
	s5 =	sadd.s32 s21, s3  }
0x9d: {  	[timem:s7], [sflag:s22] =	dma.local [hbm:s5], s20  }
0x9e: {  	_ =	swait.ge [sflag:s22], s20  }
0x9f: {  	s4 =	ssub.s32 $0x0, s20;
	[sflag:s22] =	ssyncset.done $0x0  }
0xa0: {  	[sflag:s22] =	ssyncadd.s32 s4;
	_ =	sdelay $0x1  }
0xa1: {  	s23 =	simm.s32 $0x1B8B  }
0xa2: {  	_ =	swait.ge [sflag:s23], $0x1  }
0xa3: {  	[sflag:s23] =	ssyncset.done $0x0  }
0xa4: {  	s25 =	simm.s32 $0x1B8E;
	s24 =	sld [smem:$0x3FFE];
	[sflag:s23] =	ssyncadd.s32 $0xFFFFFFFF  }
0xa5: {  	s26 =	simm.s32 $execute0_lowered;
	[smem:$0x3FD2] =	sst s25  }
0xa6: {  	s5 =	sshll.u32 s26, $0x1;
	_ =	strace $0x80000046;
	[dreg:$0x1] =	wrdreg $0xFFFFFFFF  }
0xa7: {  	s28 =	simm.s32 $_size_execute0_lowered;
	s3 =	sadd.s32 s3, s5;
	[dreg:$0x0] =	wrdreg $0x0  }
0xa8: {  	s5 =	sshll.u32 s28, $0x1;
	[dreg:$0x2] =	wrdreg s3  }
0xa9: {  	[dreg:$0x3] =	wrdreg s5  }
0xaa: {  	[dreg:$0x4] =	wrdreg $0xC0  }
0xab: {  	_ =	task [dreg:s7], $0x5FFFF  }
0xac: {  	[dreg:$0x1] =	wrdreg $0xFFFFFFFF  }
0xad: {  	[dreg:$0x0] =	wrdreg $0x60  }
0xae: {  	[dreg:$0x2] =	wrdreg s24  }
0xaf: {  	[dreg:$0x3] =	wrdreg s2  }
0xb0: {  	[dreg:$0x4] =	wrdreg $0xB8000  }
0xb1: {  	[dreg:$0x5] =	wrdreg $0x1FB000  }
0xb2: {  	[dreg:$0x6] =	wrdreg $0x9  }
0xb3: {  	_ =	task.clear_ibuf [dreg:s7], $0x7FFFF;
	_ =	strace $0x90000046  }
0xb4: {  	s29 =	simm.s32 $0x9;
	_ =	strace $0x80000048  }
0xb5: {  	_ =	swait.ge [sflag:s29], $0x1  }
0xb6: {  	[sflag:s29] =	ssyncadd.s32 $0xFFFFFFFF  }
0xb7: {  	_ =	strace $0x90000048  }
0xb8: {  	_ =	sfence  }
0xb9: {  	s30 =	sld [smem:$0x0];
	_ =	sdelay $0x2  }
0xba: {  	s31 =	sshll.u32 s1, $0xD;
	s1 =	sshrl.u32 s1, $0x2  }
0xbb: {  	s3 =	sand.u32 $0x4000, s31;
	s1 =	sadd.s32 s1, s30  }
0xbc: {  	s0 =	sor.u32 s3, s0;
	s1 =	sshll.u32 s1, $0x11  }
0xbd: {  	s0 =	sor.u32 s1, s0  }
0xbe: {  	s0 =	sadd.s32 $0x8F2B, s0  }
0xbf: {  	[sflag:s0] =	ssyncadd.remote.s32 $0x1  }
0xc0: {  	_ =	sfence.sel $0xFFFF  }
0xc1: {  	[dreg:$0x0] =	wrdreg $0xFFFFFFFF;
	(pc) =	sbr.abs _section_cstart, $3  }
0xc2: {  	[dreg:$0x1] =	wrdreg $0xFFFFFFFF  }
0xc3: {  	_ =	task.clear_ibuf [dreg:s7], $0x2FFFF;
	_ =	strace $0x9FFFFFFF  }
0xc4: {  	(tm) =	ssettm $0x7FFFFFFF  }
0xc5: {  	_ =	shalt  }
tec
execute0_lowered:
.L_overlay_start_1:
0x0: {  	(tag) =	ssettag $0x1  }
0x1: {  	s0 =	rddreg [dreg:$0x0]  }
0x2: {  	s1 =	rddreg [dreg:$0x1];
	s12 =	stileid.u32  }
0x3: {  	s4 =	srdreg.scid;
	s8 =	smul.u32 $0x14000, s12  }
0x4: {  	s2 =	rddreg [dreg:$0x2];
	s4 =	sand.u32 $0x1, s4;
	s11 =	smul.u32 $0x50000, s12  }
0x5: {  	s3 =	rddreg [dreg:$0x3];
	s6 =	simm.s32 $0x0;
	s5 =	smul.u32 $0x140000, s4  }
0x6: {  	s9 =	sshll.u32 s4, $0x4;
	s10 =	sshll.u32 s4, $0x7;
	s4 =	ssub.s32 $0x2, s4  }
0x7: {  	[smem:$0x7FF] =	sst s6;
	s20 =	smul.u32 $0x500, s12;
	s22 =	sshrl.u32 s4, $0x1  }
0x8: {  	s25 =	sshrl.u32 s11, $0x2;
	s5 =	sadd.s32 s8, s5;
	s4 =	ssub.s32 s4, s22  }
0x9: {  	s8 =	sor.u32 s10, s20;
	s10 =	sadd.s32 s25, s2;
	s13 =	smax.u32 s4, $0x1  }
0xa: {  	_ =	strace $0x80000047;
	s15 =	sadd.s32 $0x800, s10;
	[dreg:$0xb] =	wrdreg s13  }
0xb: {  	s16 =	sadd.s32 $0x1000, s10;
	[dreg:$0xc] =	wrdreg s15  }
0xc: {  	s6 =	sadd.s32 $0x16800, s0;
	s17 =	sadd.s32 $0x1800, s10;
	[dreg:$0xd] =	wrdreg s16  }
0xd: {  	s7 =	sadd.s32 $0x2800, s0;
	s18 =	sadd.s32 $0x2000, s10;
	[dreg:$0xe] =	wrdreg s17  }
0xe: {  	s9 =	sor.u32 s12, s9;
	s19 =	sadd.s32 $0x2800, s10;
	[dreg:$0xf] =	wrdreg s18  }
0xf: {  	s12 =	smul.u32 $0xA00, s12;
	s20 =	sadd.s32 $0x3000, s10;
	[dreg:$0x10] =	wrdreg s19  }
0x10: {  	s21 =	smul.u32 $0xA00, s9;
	s22 =	sadd.s32 $0x4000, s10;
	[dreg:$0x11] =	wrdreg s20  }
0x11: {  	s14 =	smul.u32 $0x5000, s9;
	s25 =	sadd.s32 $0x5800, s10;
	[dreg:$0x13] =	wrdreg s22  }
0x12: {  	s5 =	sshrl.u32 s5, $0x3;
	s4 =	sadd.s32 $0x7800, s10;
	[dreg:$0x16] =	wrdreg s25  }
0x13: {  	s8 =	sshrl.u32 s8, $0x3;
	s9 =	sadd.s32 $0x9000, s10;
	[dreg:$0x1a] =	wrdreg s4  }
0x14: {  	s26 =	sshrl.u32 s12, $0x2;
	s23 =	sadd.s32 s1, s21;
	[dreg:$0x1d] =	wrdreg s9  }
0x15: {  	s5 =	sadd.s32 s5, s0;
	s24 =	sadd.s32 s7, s21;
	[dreg:$0x5] =	wrdreg s23  }
0x16: {  	s28 =	sor.u32 $0x100, s21;
	s21 =	sadd.s32 $0x3800, s10;
	[dreg:$0x6] =	wrdreg s24  }
0x17: {  	s11 =	sadd.s32 s26, s3;
	s26 =	sadd.s32 $0x6000, s10;
	[dreg:$0x12] =	wrdreg s21  }
0x18: {  	s0 =	sadd.s32 s8, s0;
	s8 =	sadd.s32 $0x8800, s10;
	[dreg:$0x17] =	wrdreg s26  }
0x19: {  	s13 =	sadd.s32 $0xA000, s10;
	[dreg:$0x1c] =	wrdreg s8  }
0x1a: {  	s15 =	sadd.s32 $0xA800, s10;
	[dreg:$0x1f] =	wrdreg s13  }
0x1b: {  	s16 =	sadd.s32 $0xB000, s10;
	[smem:$0x7F0] =	sst s15  }
0x1c: {  	s17 =	sadd.s32 $0xB800, s10;
	[smem:$0x7F1] =	sst s16  }
0x1d: {  	s18 =	sadd.s32 $0xC000, s10;
	[smem:$0x7F2] =	sst s17  }
0x1e: {  	s19 =	sadd.s32 $0xC800, s10;
	[smem:$0x7F3] =	sst s18  }
0x1f: {  	s20 =	sadd.s32 $0xD000, s10;
	[smem:$0x7F4] =	sst s19  }
0x20: {  	s22 =	sadd.s32 $0xE000, s10;
	[smem:$0x7F5] =	sst s20  }
0x21: {  	s25 =	sadd.s32 $0xF800, s10;
	[smem:$0x7F7] =	sst s22  }
0x22: {  	s29 =	sadd.s32 s1, s28;
	[smem:$0x7FA] =	sst s25  }
0x23: {  	s12 =	sadd.s32 s7, s28;
	[dreg:$0x7] =	wrdreg s29  }
0x24: {  	s5 =	sadd.s32 $0x3F200, s5;
	[dreg:$0x8] =	wrdreg s12  }
0x25: {  	s0 =	sadd.s32 $0x3E800, s0;
	[dreg:$0x9] =	wrdreg s5  }
0x26: {  	s23 =	sadd.s32 $0x4800, s10;
	[dreg:$0xa] =	wrdreg s0  }
0x27: {  	s30 =	sadd.s32 $0x11800, s10;
	s24 =	sadd.s32 $0x5000, s10;
	[dreg:$0x14] =	wrdreg s23  }
0x28: {  	s31 =	sadd.s32 $0x12000, s10;
	s28 =	sadd.s32 $0x6800, s10;
	[dreg:$0x15] =	wrdreg s24  }
0x29: {  	s4 =	sadd.s32 $0x13000, s10;
	s21 =	sadd.s32 $0xD800, s10;
	[dreg:$0x18] =	wrdreg s28  }
0x2a: {  	s9 =	simm.s32 $0x2;
	s26 =	sadd.s32 $0x10000, s10;
	[smem:$0x7F6] =	sst s21  }
0x2b: {  	s8 =	simm.s32 $0xB000;
	s29 =	sadd.s32 $0x7000, s10;
	[smem:$0x7FB] =	sst s26  }
0x2c: {  	s13 =	simm.s32 $0x3;
	s5 =	sadd.s32 $0x8000, s10;
	[dreg:$0x19] =	wrdreg s29  }
0x2d: {  	s15 =	simm.s32 $0x40;
	s12 =	sadd.s32 $0x9800, s10;
	[dreg:$0x1b] =	wrdreg s5  }
0x2e: {  	s16 =	simm.s32 $0x1;
	s23 =	sadd.s32 $0xE800, s10;
	[dreg:$0x1e] =	wrdreg s12  }
0x2f: {  	s17 =	simm.s32 $0x1FA80;
	s24 =	sadd.s32 $0xF000, s10;
	[smem:$0x7F8] =	sst s23  }
0x30: {  	s18 =	simm.s32 $0x0;
	s28 =	sadd.s32 $0x10800, s10;
	[smem:$0x7F9] =	sst s24  }
0x31: {  	s0 =	sadd.s32 $0x12800, s10;
	[smem:$0x7FC] =	sst s28;
	s29 =	sadd.s32 $0x11000, s10  }
0x32: {  	v0 =	vimm.f32 $0.0e+00;
	v1 =	vimm.f32 $1.000000000e+00;
	s5 =	sadd.s32 $0x13800, s10;
	s12 =	simm.s32 $0x4;
	[smem:$0x7FD] =	sst s29  }
.LBB2_1:
0x33: {  	s19 =	simm.s32 $0x0;
	s20 =	rddreg [dreg:$0x5]  }
0x34: {  	[tilespmem:s19], [sflag:$0x3] =	stream.linear.gather [hbm4b:s20+s19], $0x800, $0x38;
	[tilespmem:$0x1FD80] =	vst v63  }
0x35: {  	s29 =	rddreg [dreg:$0x6];
	s21 =	simm.s32 $0x1800  }
0x36: {  	[tilespmem:s21], [sflag:$0x3] =	stream.linear.gather [hbm4b:s29+s19], $0x800, $0x38;
	[tilespmem:$0x1FD80] =	vst v63  }
0x37: {  	s20 =	simm.s32 $0x200;
	s19 =	simm.s32 $0x0  }
.LBB2_2:
0x38: {  	p0 =	sne.s32 s20, $0x1E00;
	[tilespmem:s19+$0xB070] =	vst v0  }
0x39: {  	[tilespmem:s19+$0xB000] =	vst v0  }
0x3a: {  	[tilespmem:s19+$0xB010] =	vst v0  }
.Ltmp0:
0x3b: {  	[tilespmem:s19+$0xB020] =	vst v0;
	(pc) =	sbr.rel @p0 .LBB2_2-.Ltmp0, $4  }
0x3c: {  	[tilespmem:s19+$0xB030] =	vst v0  }
0x3d: {  	[tilespmem:s19+$0xB040] =	vst v0  }
0x3e: {  	[tilespmem:s19+$0xB050] =	vst v0  }
0x3f: {  	[tilespmem:s19+$0xB060] =	vst v0;
	s19 =	sshra.s32 s20, $0x2;
	s20 =	sadd.s32 $0x200, s20  }
0x40: {  	[tilespmem:s19+$0xB070] =	vst v0  }
0x41: {  	[tilespmem:s19+$0xB000] =	vst v0  }
0x42: {  	[tilespmem:s19+$0xB010] =	vst v0  }
0x43: {  	[tilespmem:s19+$0xB020] =	vst v0  }
0x44: {  	[tilespmem:s19+$0xB030] =	vst v0  }
0x45: {  	[tilespmem:s19+$0xB040] =	vst v0  }
0x46: {  	[tilespmem:s19+$0xB050] =	vst v0  }
0x47: {  	[tilespmem:s19+$0xB060] =	vst v0  }
0x48: {  	[tilespmem:$0x1F800] =	vst v0  }
0x49: {  	[tilespmem:$0x1F810] =	vst v0  }
0x4a: {  	[tilespmem:$0x1F820] =	vst v0  }
0x4b: {  	[tilespmem:$0x1F830] =	vst v0  }
0x4c: {  	[tilespmem:$0x1F840] =	vst v0  }
0x4d: {  	[tilespmem:$0x1F850] =	vst v0  }
0x4e: {  	[tilespmem:$0x1F860] =	vst v0  }
0x4f: {  	[tilespmem:$0x1F870] =	vst v0  }
0x50: {  	[tilespmem:$0x1F880] =	vst v0  }
0x51: {  	[tilespmem:$0x1F890] =	vst v0  }
0x52: {  	[tilespmem:$0x1F8A0] =	vst v0  }
0x53: {  	[tilespmem:$0x1F8B0] =	vst v0  }
0x54: {  	[tilespmem:$0x1F8C0] =	vst v0  }
0x55: {  	[tilespmem:$0x1F8D0] =	vst v0  }
0x56: {  	[tilespmem:$0x1F8E0] =	vst v0  }
0x57: {  	[tilespmem:$0x1F8F0] =	vst v0  }
0x58: {  	[tilespmem:$0x1F900] =	vst v0  }
0x59: {  	[tilespmem:$0x1F910] =	vst v0  }
0x5a: {  	[tilespmem:$0x1F920] =	vst v0  }
0x5b: {  	[tilespmem:$0x1F930] =	vst v0  }
0x5c: {  	[tilespmem:$0x1F940] =	vst v0  }
0x5d: {  	[tilespmem:$0x1F950] =	vst v0  }
0x5e: {  	[tilespmem:$0x1F960] =	vst v0  }
0x5f: {  	[tilespmem:$0x1F970] =	vst v0  }
0x60: {  	[tilespmem:$0x1F980] =	vst v0  }
0x61: {  	[tilespmem:$0x1F990] =	vst v0  }
0x62: {  	[tilespmem:$0x1F9A0] =	vst v0  }
0x63: {  	[tilespmem:$0x1F9B0] =	vst v0  }
0x64: {  	[tilespmem:$0x1F9C0] =	vst v0  }
0x65: {  	[tilespmem:$0x1F9D0] =	vst v0  }
0x66: {  	[tilespmem:$0x1F9E0] =	vst v0  }
0x67: {  	[tilespmem:$0x1F9F0] =	vst v0  }
0x68: {  	[tilespmem:$0x1FA00] =	vst v0  }
0x69: {  	[tilespmem:$0x1FA10] =	vst v0  }
0x6a: {  	[tilespmem:$0x1FA20] =	vst v0  }
0x6b: {  	[tilespmem:$0x1FA30] =	vst v0  }
0x6c: {  	[tilespmem:$0x1FA40] =	vst v0  }
0x6d: {  	[tilespmem:$0x1FA50] =	vst v0  }
0x6e: {  	[tilespmem:$0x1FA60] =	vst v0  }
0x6f: {  	[tilespmem:$0x1FA70] =	vst v0  }
0x70: {  	[tilespmem:$0x1FA80] =	vst v1  }
0x71: {  	[tilespmem:$0x1FA90] =	vst v1  }
0x72: {  	[tilespmem:$0x1FAA0] =	vst v1  }
0x73: {  	s21 =	rddreg [dreg:$0xc];
	[tilespmem:$0x1FAB0] =	vst v1  }
0x74: {  	[spmem:s10] =	stream.linear.scatter [tilespmem:s8], [sflag:$0x2], $0x800, $0x38;
	[tilespmem:$0x1FD80] =	vst v63  }
0x75: {  	s22 =	rddreg [dreg:$0xd]  }
0x76: {  	[spmem:s21] =	stream.linear.scatter [tilespmem:s8], [sflag:$0x2], $0x800, $0x38;
	[tilespmem:$0x1FD80] =	vst v63  }
0x77: {  	s23 =	rddreg [dreg:$0xe]  }
0x78: {  	[spmem:s22] =	stream.linear.scatter [tilespmem:s8], [sflag:$0x2], $0x800, $0x38;
	[tilespmem:$0x1FD80] =	vst v63  }
0x79: {  	s24 =	rddreg [dreg:$0xf]  }
0x7a: {  	[spmem:s23] =	stream.linear.scatter [tilespmem:s8], [sflag:$0x2], $0x800, $0x38;
	[tilespmem:$0x1FD80] =	vst v63  }
0x7b: {  	s25 =	rddreg [dreg:$0x10]  }
0x7c: {  	[spmem:s24] =	stream.linear.scatter [tilespmem:s8], [sflag:$0x2], $0x800, $0x38;
	[tilespmem:$0x1FD80] =	vst v63  }
0x7d: {  	s26 =	rddreg [dreg:$0x11]  }
0x7e: {  	[spmem:s25] =	stream.linear.scatter [tilespmem:s8], [sflag:$0x2], $0x800, $0x38;
	[tilespmem:$0x1FD80] =	vst v63  }
0x7f: {  	s28 =	rddreg [dreg:$0x12]  }
0x80: {  	[spmem:s26] =	stream.linear.scatter [tilespmem:s8], [sflag:$0x2], $0x800, $0x38;
	[tilespmem:$0x1FD80] =	vst v63  }
0x81: {  	s29 =	rddreg [dreg:$0x13]  }
0x82: {  	[spmem:s28] =	stream.linear.scatter [tilespmem:s8], [sflag:$0x2], $0x800, $0x38;
	[tilespmem:$0x1FD80] =	vst v63  }
0x83: {  	s20 =	rddreg [dreg:$0x14]  }
0x84: {  	[spmem:s29] =	stream.linear.scatter [tilespmem:s8], [sflag:$0x2], $0x800, $0x38;
	[tilespmem:$0x1FD80] =	vst v63  }
0x85: {  	s21 =	rddreg [dreg:$0x15]  }
0x86: {  	[spmem:s20] =	stream.linear.scatter [tilespmem:s8], [sflag:$0x2], $0x800, $0x38;
	[tilespmem:$0x1FD80] =	vst v63  }
0x87: {  	s22 =	rddreg [dreg:$0x16]  }
0x88: {  	[spmem:s21] =	stream.linear.scatter [tilespmem:s8], [sflag:$0x2], $0x800, $0x38;
	[tilespmem:$0x1FD80] =	vst v63  }
0x89: {  	s23 =	rddreg [dreg:$0x17]  }
0x8a: {  	[spmem:s22] =	stream.linear.scatter [tilespmem:s8], [sflag:$0x2], $0x800, $0x38;
	[tilespmem:$0x1FD80] =	vst v63  }
0x8b: {  	s24 =	rddreg [dreg:$0x18]  }
0x8c: {  	[spmem:s23] =	stream.linear.scatter [tilespmem:s8], [sflag:$0x2], $0x800, $0x38;
	[tilespmem:$0x1FD80] =	vst v63  }
0x8d: {  	s25 =	rddreg [dreg:$0x19]  }
0x8e: {  	[spmem:s24] =	stream.linear.scatter [tilespmem:s8], [sflag:$0x2], $0x800, $0x38;
	[tilespmem:$0x1FD80] =	vst v63  }
0x8f: {  	s26 =	rddreg [dreg:$0x1a]  }
0x90: {  	[spmem:s25] =	stream.linear.scatter [tilespmem:s8], [sflag:$0x2], $0x800, $0x38;
	[tilespmem:$0x1FD80] =	vst v63  }
0x91: {  	s28 =	rddreg [dreg:$0x1b]  }
0x92: {  	[spmem:s26] =	stream.linear.scatter [tilespmem:s8], [sflag:$0x2], $0x800, $0x38;
	[tilespmem:$0x1FD80] =	vst v63  }
0x93: {  	s29 =	rddreg [dreg:$0x1c]  }
0x94: {  	[spmem:s28] =	stream.linear.scatter [tilespmem:s8], [sflag:$0x2], $0x800, $0x38;
	[tilespmem:$0x1FD80] =	vst v63  }
0x95: {  	s20 =	rddreg [dreg:$0x1d]  }
0x96: {  	[spmem:s29] =	stream.linear.scatter [tilespmem:s8], [sflag:$0x2], $0x800, $0x38;
	[tilespmem:$0x1FD80] =	vst v63  }
0x97: {  	s21 =	rddreg [dreg:$0x1e]  }
0x98: {  	[spmem:s20] =	stream.linear.scatter [tilespmem:s8], [sflag:$0x2], $0x800, $0x38;
	[tilespmem:$0x1FD80] =	vst v63  }
0x99: {  	s22 =	rddreg [dreg:$0x1f]  }
0x9a: {  	[spmem:s21] =	stream.linear.scatter [tilespmem:s8], [sflag:$0x2], $0x800, $0x38;
	[tilespmem:$0x1FD80] =	vst v63  }
0x9b: {  	s23 =	sld [smem:$0x7F0]  }
0x9c: {  	[spmem:s22] =	stream.linear.scatter [tilespmem:s8], [sflag:$0x2], $0x800, $0x38;
	[tilespmem:$0x1FD80] =	vst v63  }
0x9d: {  	s24 =	sld [smem:$0x7F1]  }
0x9e: {  	[spmem:s23] =	stream.linear.scatter [tilespmem:s8], [sflag:$0x2], $0x800, $0x38;
	[tilespmem:$0x1FD80] =	vst v63  }
0x9f: {  	s25 =	sld [smem:$0x7F2]  }
0xa0: {  	[spmem:s24] =	stream.linear.scatter [tilespmem:s8], [sflag:$0x2], $0x800, $0x38;
	[tilespmem:$0x1FD80] =	vst v63  }
0xa1: {  	s26 =	sld [smem:$0x7F3]  }
0xa2: {  	[spmem:s25] =	stream.linear.scatter [tilespmem:s8], [sflag:$0x2], $0x800, $0x38;
	[tilespmem:$0x1FD80] =	vst v63  }
0xa3: {  	s28 =	sld [smem:$0x7F4]  }
0xa4: {  	[spmem:s26] =	stream.linear.scatter [tilespmem:s8], [sflag:$0x2], $0x800, $0x38;
	[tilespmem:$0x1FD80] =	vst v63  }
0xa5: {  	s29 =	sld [smem:$0x7F5]  }
0xa6: {  	[spmem:s28] =	stream.linear.scatter [tilespmem:s8], [sflag:$0x2], $0x800, $0x38;
	[tilespmem:$0x1FD80] =	vst v63  }
0xa7: {  	s20 =	sld [smem:$0x7F6]  }
0xa8: {  	[spmem:s29] =	stream.linear.scatter [tilespmem:s8], [sflag:$0x2], $0x800, $0x38;
	[tilespmem:$0x1FD80] =	vst v63  }
0xa9: {  	s21 =	sld [smem:$0x7F7]  }
0xaa: {  	[spmem:s20] =	stream.linear.scatter [tilespmem:s8], [sflag:$0x2], $0x800, $0x38;
	[tilespmem:$0x1FD80] =	vst v63  }
0xab: {  	s22 =	sld [smem:$0x7F8]  }
0xac: {  	[spmem:s21] =	stream.linear.scatter [tilespmem:s8], [sflag:$0x2], $0x800, $0x38;
	[tilespmem:$0x1FD80] =	vst v63  }
0xad: {  	s23 =	sld [smem:$0x7F9]  }
0xae: {  	[spmem:s22] =	stream.linear.scatter [tilespmem:s8], [sflag:$0x2], $0x800, $0x38;
	[tilespmem:$0x1FD80] =	vst v63  }
0xaf: {  	s24 =	sld [smem:$0x7FA]  }
0xb0: {  	[spmem:s23] =	stream.linear.scatter [tilespmem:s8], [sflag:$0x2], $0x800, $0x38;
	[tilespmem:$0x1FD80] =	vst v63  }
0xb1: {  	s25 =	sld [smem:$0x7FB]  }
0xb2: {  	[spmem:s24] =	stream.linear.scatter [tilespmem:s8], [sflag:$0x2], $0x800, $0x38;
	[tilespmem:$0x1FD80] =	vst v63  }
0xb3: {  	s26 =	sld [smem:$0x7FC]  }
0xb4: {  	[spmem:s25] =	stream.linear.scatter [tilespmem:s8], [sflag:$0x2], $0x800, $0x38;
	[tilespmem:$0x1FD80] =	vst v63  }
0xb5: {  	s28 =	sld [smem:$0x7FD]  }
0xb6: {  	[spmem:s26] =	stream.linear.scatter [tilespmem:s8], [sflag:$0x2], $0x800, $0x38;
	[tilespmem:$0x1FD80] =	vst v63  }
0xb7: {  	_ = 	snop  }
0xb8: {  	[spmem:s28] =	stream.linear.scatter [tilespmem:s8], [sflag:$0x2], $0x800, $0x38;
	[tilespmem:$0x1FD80] =	vst v63  }
0xb9: {  	_ = 	snop  }
0xba: {  	[spmem:s30] =	stream.linear.scatter [tilespmem:s8], [sflag:$0x2], $0x800, $0x38;
	[tilespmem:$0x1FD80] =	vst v63  }
0xbb: {  	_ = 	snop  }
0xbc: {  	[spmem:s31] =	stream.linear.scatter [tilespmem:s8], [sflag:$0x2], $0x800, $0x38;
	[tilespmem:$0x1FD80] =	vst v63  }
0xbd: {  	_ = 	snop  }
0xbe: {  	[spmem:s0] =	stream.linear.scatter [tilespmem:s8], [sflag:$0x2], $0x800, $0x38;
	[tilespmem:$0x1FD80] =	vst v63  }
0xbf: {  	_ = 	snop  }
0xc0: {  	[spmem:s4] =	stream.linear.scatter [tilespmem:s8], [sflag:$0x2], $0x800, $0x38;
	[tilespmem:$0x1FD80] =	vst v63  }
0xc1: {  	_ = 	snop  }
0xc2: {  	[spmem:s5] =	stream.linear.scatter [tilespmem:s8], [sflag:$0x2], $0x800, $0x38;
	[tilespmem:$0x1FD80] =	vst v63  }
0xc3: {  	s29 =	simm.s32 $0x1F800  }
0xc4: {  	[spmem:s11] =	stream.linear.scatter [tilespmem:s29], [sflag:$0x4], $0x280, $0x38;
	[tilespmem:$0x1FD80] =	vst v63  }
0xc5: {  	_ =	swait.ge [sflag:s9], $0x800  }
0xc6: {  	s19 =	simm.s32 $0x27;
	[sflag:s9] =	ssyncset.done $0x0  }
.LBB2_4:
0xc7: {  	p0 =	sne.s32 s19, $0x1;
	s19 =	sadd.s32 $0xFFFFFFFF, s19;
	[sflag:s9] =	ssyncadd.s32 $0xFFFFF800  }
.Ltmp1:
0xc8: {  	(pc) =	sbr.rel @p0 .LBB2_4-.Ltmp1, $3  }
0xc9: {  	_ =	sdelay $0x1  }
0xca: {  	_ =	swait.ge [sflag:s9], $0x800  }
0xcb: {  	[sflag:s9] =	ssyncset.done $0x0  }
0xcc: {  	[sflag:s9] =	ssyncadd.s32 $0xFFFFF800  }
0xcd: {  	_ =	swait.ge [sflag:s12], $0x280  }
0xce: {  	[sflag:s12] =	ssyncset.done $0x0  }
0xcf: {  	[sflag:s12] =	ssyncadd.s32 $0xFFFFFD80  }
0xd0: {  	[bflag:$0x0] =	sbarrier.arrive $0xFFFF  }
0xd1: {  	_ =	swait.ge [sflag:s13], $0x800  }
0xd2: {  	[sflag:s13] =	ssyncset.done $0x0  }
0xd3: {  	[sflag:s13] =	ssyncadd.s32 $0xFFFFF800  }
0xd4: {  	_ =	swait.ge [sflag:s13], $0x800  }
0xd5: {  	s19 =	simm.s32 $0x0;
	[sflag:s13] =	ssyncset.done $0x0  }
0xd6: {  	s21 =	simm.s32 $0x800;
	s20 =	rddreg [dreg:$0x7];
	[sflag:s13] =	ssyncadd.s32 $0xFFFFF800  }
0xd7: {  	[tilespmem:s21], [sflag:$0x3] =	stream.linear.gather [hbm4b:s20+s19], $0x800, $0x38;
	[tilespmem:$0x1FD80] =	vst v63  }
0xd8: {  	s23 =	simm.s32 $0x2000;
	s22 =	rddreg [dreg:$0x8]  }
0xd9: {  	[tilespmem:s23], [sflag:$0x3] =	stream.linear.gather [hbm4b:s22+s19], $0x800, $0x38;
	[tilespmem:$0x1FD80] =	vst v63  }
0xda: {  	s24 =	simm.s32 $0x3000  }
0xdb: {  	[tilespmem:s24], [sflag:$0x1] =	stream.indirect.gather [hbm4b:s6+s15], $0x80, s19, s15, $0xb8;
	[tilespmem:$0x1FD80] =	vst v63  }
.Ltmp2:
0xdc: {  	_ = 	snop;
	(pc) =	sbr.rel .LBB2_6-.Ltmp2, $4  }
0xdd: {  	s25 =	simm.s32 $0x80;
	s26 =	simm.s32 $0x5000;
	s28 =	simm.s32 $0x100  }
0xde: {  	[tilespmem:s26], [sflag:$0x1] =	stream.indirect.gather [hbm4b:s6+s15], $0x80, s25, s15, $0xb8;
	[tilespmem:$0x1FD80] =	vst v63  }
0xdf: {  	s29 =	simm.s32 $0x7000;
	s20 =	simm.s32 $0x18000;
	s21 =	simm.s32 $0x0  }
0xe0: {  	[tilespmem:s29], [sflag:$0x1] =	stream.indirect.gather [hbm4b:s6+s15], $0x80, s28, s15, $0xb8;
	[tilespmem:$0x1FD80] =	vst v63  }
.LBB2_8:
0xe1: {  	s21 =	sadd.s32 $0x1, s21  }
0xe2: {  	p0 =	sne.s32 s21, $0xA0  }
.Ltmp3:
0xe3: {  	_ = 	snop;
	(pc) =	sbr.rel @!p0 .LBB2_9-.Ltmp3, $2  }
0xe4: {  	_ =	sdelay $0x2  }
0xe5: {  	s20 =	sadd.s32 $0x8000, s20;
	s19 =	sadd.s32 $0x200, s19  }
.LBB2_6:
0xe6: {  	s22 =	sshrl.u32 s21, $0x4  }
0xe7: {  	s23 =	smul.u32 $0xAB, s22;
	_ =	sdelay $0x1  }
0xe8: {  	s23 =	sshrl.u32 s23, $0x9  }
0xe9: {  	s23 =	sand.u32 $0x7F, s23  }
0xea: {  	s23 =	smul.u32 $0x3, s23  }
0xeb: {  	s29 =	sadd.s32 $0xFFFE8000, s20  }
0xec: {  	s24 =	sand.u32 $0x1E00, s19;
	_ =	swait.ge [sflag:s16], $0x2000;
	s22 =	ssub.s32 s22, s23  }
0xed: {  	p0 =	sgt.u32 s21, $0x9C;
	s24 =	sshrl.u32 s24, $0x2;
	s22 =	sand.u32 $0xFF, s22  }
0xee: {  	[sflag:s16] =	ssyncset.done $0x0;
	s23 =	sand.u32 $0x18000, s29;
	s22 =	sshll.u32 s22, $0xB  }
.Ltmp4:
0xef: {  	s23 =	sshrl.u32 s23, $0x2;
	s22 =	sor.u32 s24, s22;
	(pc) =	sbr.rel @p0 .LBB2_8-.Ltmp4, $4  }
0xf0: {  	[sflag:s16] =	ssyncadd.s32 $0xFFFFE000;
	s23 =	sadd.s32 $0x3000, s23;
	s22 =	sadd.s32 $0x1800, s22  }
0xf1: {  	[spmem:s2] =	stream.indirect.scatter.add.f32 [tilespmem:s23], [sflag:$0x2], $0x80, s22, s15, $0xb8;
	[tilespmem:$0x1FD80] =	vst v63  }
0xf2: {  	_ = 	snop  }
0xf3: {  	[spmem:s3] =	stream.indirect.scatter.add.f32 [tilespmem:s17], [sflag:$0x4], $0x1, s22, s15, $0xb8;
	[tilespmem:$0x1FD80] =	vst v63  }
0xf4: {  	s22 =	sadd.s32 $0x3, s21;
	p0 =	seq.s32 s21, $0x0  }
0xf5: {  	s23 =	sand.u32 @!p0 $0xF, s22  }
0xf6: {  	p1 =	sne.s32 @!p0 s23, $0x0  }
0xf7: {  	p4 =	por p1, p0  }
0xf8: {  	s24 =	simm.s32 @!p0 $0x2;
	p2 =	sgt.u32 @!p4 s21, $0x8C  }
0xf9: {  	_ =	swait.ge @!p0 [sflag:s24], $0x2000;
	p3 =	por @!p0 p2, p1  }
0xfa: {  	s22 =	sshrl.u32 @!p0 s22, $0x4;
	[sflag:s24] =	ssyncset.done @!p0 $0x0;
	p3 =	por p3, p0  }
0xfb: {  	[sflag:s24] =	ssyncadd.s32 @!p0 $0xFFFFE000;
	s24 =	simm.s32 @!p4 $0x3;
	s25 =	sadd.s32 @!p3 $0x1, s22  }
0xfc: {  	_ =	swait.ge @!p4 [sflag:s24], $0x800;
	s26 =	smul.u32 @!p3 $0xAB, s25  }
0xfd: {  	[sflag:s24] =	ssyncset.done @!p4 $0x0  }
0xfe: {  	[sflag:s24] =	ssyncadd.s32 @!p4 $0xFFFFF800;
	s26 =	sshrl.u32 @!p3 s26, $0x9  }
0xff: {  	_ =	swait.ge @!p4 [sflag:s24], $0x800;
	s26 =	sand.u32 @!p3 $0x7F, s26  }
0x100: {  	[sflag:s24] =	ssyncset.done @!p4 $0x0;
	s26 =	smul.u32 @!p3 $0x3, s26  }
0x101: {  	s28 =	sshll.u32 @!p3 s25, $0xB;
	[sflag:s24] =	ssyncadd.s32 @!p4 $0xFFFFF800  }
0x102: {  	s24 =	sadd.s32 @!p3 s14, s28;
	s25 =	ssub.s32 @!p3 s25, s26;
	s26 =	smul.u32 @!p0 $0xAB, s22  }
0x103: {  	s29 =	simm.s32 @!p3 $0x0;
	s24 =	sshrl.u32 @!p3 s24, $0x3;
	s25 =	sand.u32 @!p3 $0xFF, s25  }
0x104: {  	s28 =	sadd.s32 @!p3 s1, s24;
	s25 =	sshll.u32 @!p3 s25, $0xB;
	s26 =	sshrl.u32 @!p0 s26, $0x9  }
0x105: {  	[tilespmem:s25], [sflag:$0x3] =	stream.linear.gather @!p3 [hbm4b:s28+s29], $0x800, $0x38;
	[tilespmem:$0x1FD80] =	vst v63  }
0x106: {  	s24 =	sadd.s32 @!p3 s7, s24;
	s26 =	sand.u32 @!p0 $0x7F, s26;
	s25 =	sadd.s32 @!p3 $0x1800, s25  }
0x107: {  	[tilespmem:s25], [sflag:$0x3] =	stream.linear.gather @!p3 [hbm4b:s24+s29], $0x800, $0x38;
	[tilespmem:$0x1FD80] =	vst v63  }
0x108: {  	p2 =	por @!p0 !p2, p1;
	s24 =	smul.u32 @!p0 $0x3, s26  }
0x109: {  	p2 =	por !p2, p0  }
0x10a: {  	p1 =	por !p1, p0;
	s29 =	simm.s32 @p2 $0x0;
	s22 =	ssub.s32 @!p0 s22, s24  }
.Ltmp5:
0x10b: {  	s23 =	smov.u32 @p1 s29;
	s22 =	simm.s32 @p0 $0x0;
	(pc) =	sbr.rel .LBB2_8-.Ltmp5, $4  }
0x10c: {  	s29 =	sand.u32 $0x18000, s20;
	s23 =	simm.s32 @p0 $0x3;
	s22 =	sand.u32 $0xFF, s22  }
0x10d: {  	s24 =	sshrl.u32 s29, $0x2;
	s23 =	sshll.u32 s23, $0x7;
	s22 =	sshll.u32 s22, $0xB  }
0x10e: {  	s24 =	sadd.s32 $0x3000, s24;
	s22 =	sor.u32 s23, s22  }
0x10f: {  	[tilespmem:s24], [sflag:$0x1] =	stream.indirect.gather [hbm4b:s6+s15], $0x80, s22, s15, $0xb8;
	[tilespmem:$0x1FD80] =	vst v63  }
.LBB2_9:
0x110: {  	_ =	swait.ge [sflag:s9], $0x2000  }
0x111: {  	[sflag:s9] =	ssyncset.done $0x0  }
0x112: {  	[sflag:s9] =	ssyncadd.s32 $0xFFFFE000  }
0x113: {  	_ =	swait.ge [sflag:s9], $0x2000  }
0x114: {  	[sflag:s9] =	ssyncset.done $0x0  }
0x115: {  	[sflag:s9] =	ssyncadd.s32 $0xFFFFE000  }
0x116: {  	_ =	swait.ge [sflag:s9], $0x2000  }
0x117: {  	[sflag:s9] =	ssyncset.done $0x0  }
0x118: {  	[sflag:s9] =	ssyncadd.s32 $0xFFFFE000  }
0x119: {  	_ =	swait.ge [sflag:s9], $0x2000  }
0x11a: {  	[sflag:s9] =	ssyncset.done $0x0  }
0x11b: {  	[sflag:s9] =	ssyncadd.s32 $0xFFFFE000  }
0x11c: {  	_ =	swait.ge [sflag:s12], $0x40  }
0x11d: {  	s19 =	simm.s32 $0x9F;
	[sflag:s12] =	ssyncset.done $0x0  }
.LBB2_10:
0x11e: {  	p0 =	sne.s32 s19, $0x1;
	s19 =	sadd.s32 $0xFFFFFFFF, s19;
	[sflag:s12] =	ssyncadd.s32 $0xFFFFFFC0  }
.Ltmp6:
0x11f: {  	(pc) =	sbr.rel @p0 .LBB2_10-.Ltmp6, $3  }
0x120: {  	_ =	sdelay $0x1  }
0x121: {  	_ =	swait.ge [sflag:s12], $0x40  }
0x122: {  	[sflag:s12] =	ssyncset.done $0x0  }
0x123: {  	[sflag:s12] =	ssyncadd.s32 $0xFFFFFFC0;
	s19 =	stileid.u32;
	s21 =	sshrl.u32 s10, $0x3  }
0x124: {  	s26 =	sshrl.u32 s11, $0x3;
	s19 =	sshll.u32 s19, $0x6;
	[bflag:$0x0] =	sbarrier.arrive $0xFFFF  }
0x125: {  	s28 =	simm.s32 $0x20;
	s20 =	sor.u32 $0x1C02, s19;
	s22 =	rddreg [dreg:$0x9]  }
0x126: {  	[hbm:s22], [sflag:s20] =	dma.local [spmem:s21], $0x2800  }
0x127: {  	s23 =	simm.s32 $0x10;
	s19 =	sor.u32 $0x1C04, s19;
	s21 =	rddreg [dreg:$0xa]  }
0x128: {  	[hbm:s21@s28], [sflag:s19] =	dma.strided [spmem:s26@s23], $0x50, s16, $0x10   }
0x129: {  	_ =	swait.ge [sflag:s9], $0x2800  }
0x12a: {  	[sflag:s9] =	ssyncset.done $0x0  }
0x12b: {  	[sflag:s9] =	ssyncadd.s32 $0xFFFFD800  }
0x12c: {  	_ =	swait.ge [sflag:s12], $0x50  }
0x12d: {  	s18 =	sadd.s32 $0x1, s18;
	s29 =	rddreg [dreg:$0xb]  }
0x12e: {  	p0 =	sne.s32 s18, s29  }
.Ltmp7:
0x12f: {  	_ = 	snop;
	(pc) =	sbr.rel @p0 .LBB2_1-.Ltmp7, $3  }
0x130: {  	_ =	sdelay $0x1  }
0x131: {  	[sflag:s12] =	ssyncset.done $0x0  }
0x132: {  	[sflag:s12] =	ssyncadd.s32 $0xFFFFFFB0  }
0x133: {  	_ =	sfence.sel $0x180000  }
0x134: {  	[bflag:$0x0] =	sbarrier.arrive $0xFFFF  }
0x135: {  	_ =	strace $0x90000047  }
0x136: {  	s0 =	stileid.u32;
	[bflag:$0x2] =	sbarrier.arrive $0xFFFF  }
0x137: {  	p0 =	sne.s32 s0, $0x0;
	s0 =	rddreg [dreg:$0x4]  }
0x138: {  	s0 =	sadd.s32 @!p0 $0x100000, s0  }
0x139: {  	[sflag:s0] =	ssyncadd.tile.s32 @!p0 $0x1;
	_ =	shalt  }
.Lfunc_end2:
_tile_overlayer_lowered:
.L_overlay_start_2:
0x13a: {  	(tag) =	ssettag $0x2  }
0x13b: {  	s0 =	rddreg [dreg:$0x0];
	s2 =	stileid.u32  }
0x13c: {  	s1 =	rddreg [dreg:$0x1];
	p0 =	sne.s32 s2, $0x0  }
0x13d: {  	s3 =	rddreg [dreg:$0x2];
	[bflag:$0x3] =	sbarrier.arrive $0xFFFF;
	s2 =	simm.s32 @!p0 $0x1C05  }
0x13e: {  	[timem:s3], [sflag:s2] =	dma.local @!p0 [hbm:s0], s1  }
0x13f: {  	s0 =	simm.s32 @!p0 $0x5  }
0x140: {  	_ =	swait.ge @!p0 [sflag:s0], s1  }
0x141: {  	s1 =	ssub.s32 @!p0 $0x0, s1;
	[sflag:s0] =	ssyncset.done @!p0 $0x0  }
0x142: {  	[sflag:s0] =	ssyncadd.s32 @!p0 s1  }
0x143: {  	[bflag:$0x3] =	sbarrier.arrive $0xFFFF  }
0x144: {  	_ =	shalt  }

// kernel: kernel.9.cloned.1.call-start
scs
__scs_entry_jumppad:
0x0: {  	(pc) =	sbr.rel $0x88, $3  }
0x1: {  	(tag) =	ssettag $0x0;
	lr =	simm.s32 $0x1  }
0x2: {  	[smem:$0x3F99] =	sst lr;
	_ =	strace $0xD0000000  }
0x3: {  	_ = 	snop  }
0x4: {  	_ = 	snop  }
0x5: {  	_ = 	snop  }
0x6: {  	_ = 	snop  }
0x7: {  	_ = 	snop  }
__scs_overlays_trampoline_lowered:
0x8: {  	[smem:$0x3FA8] =	sst s0  }
0x9: {  	[smem:$0x3FA9] =	sst s1  }
0xa: {  	[smem:$0x3FAA] =	sst s2  }
0xb: {  	[smem:$0x3FAB] =	sst s3  }
0xc: {  	[smem:$0x3FAC] =	sst s4  }
0xd: {  	[smem:$0x3FAD] =	sst s5  }
0xe: {  	[smem:$0x3FAE] =	sst s6  }
0xf: {  	[smem:$0x3FAF] =	sst s7  }
0x10: {  	[smem:$0x3FB0] =	sst s8  }
0x11: {  	[smem:$0x3FB1] =	sst s9;
	s0 =	simm.s32 @!p0 $0x0  }
0x12: {  	s1 =	sld [smem:$0x3F97];
	s0 =	simm.s32 @p0 $0x1  }
0x13: {  	[smem:$0x3FB2] =	sst s0;
	s0 =	simm.s32 @!p1 $0x0  }
0x14: {  	s2 =	sld [smem:$0x3F96];
	s0 =	simm.s32 @p1 $0x1  }
0x15: {  	[smem:$0x3FB3] =	sst s0;
	s0 =	simm.s32 @!p2 $0x0  }
0x16: {  	s3 =	sld [smem:$0x3FDB];
	s0 =	simm.s32 @p2 $0x1  }
0x17: {  	s4 =	simm.s32 $0x1BF5;
	[smem:$0x3FB5] =	sst s0  }
0x18: {  	s0 =	sld [smem:$0x3F98];
	_ =	swait.ge [sflag:s4], $0x0  }
0x19: {  	s7 =	sld [smem:$0x3F99]  }
0x1a: {  	s8 =	sadd.s32 $0xFFFFE003, lr  }
0x1b: {  	s9 =	sadd.s32 $0xFFFFFEF7, lr;
	s5 =	simm.s32 $0xFFFFFFFF;
	p2 =	slt.u32 s8, $0xFFFFF086  }
0x1c: {  	p1 =	slt.u32 s9, $0xF7A;
	s5 =	simm.s32 @!p2 $0x0  }
0x1d: {  	s5 =	simm.s32 @p1 $0x1;
	p0 =	seq.s32 s7, s2  }
0x1e: {  	s7 =	smul.u32 @!p0 $0xF7A, s2;
	p2 =	seq.s32 @!p0 s5, $0x0  }
0x1f: {  	s9 =	smul.u32 $0xF7A, s1;
	s8 =	simm.s32 @!p0 $0x1BF5;
	p2 =	por !p2, p0  }
0x20: {  	[sflag:s8] =	ssyncset.s32 @!p0 $0xFFFFF086;
	s6 =	sadd.s32 @!p0 s3, s7;
	s7 =	simm.s32 @!p0 $0x108  }
0x21: {  	s3 =	sadd.s32 s3, s9;
	s6 =	sadd.s32 @!p0 $0x88, s6;
	s7 =	simm.s32 @p2 $0x1082  }
0x22: {  	[simem:s7], [sflag:s8] =	dma.local @!p0 [hbm:s6], $0xF7A  }
0x23: {  	s9 =	sor.u32 $0xD0000000, s2;
	s6 =	simm.s32 $0x108;
	_ =	swait.ge @!p0 [sflag:s8], $0x0  }
0x24: {  	s3 =	sadd.s32 $0x88, s3;
	s6 =	simm.s32 @!p1 $0x1082;
	[sflag:s4] =	ssyncset.s32 $0xFFFFF086  }
0x25: {  	[simem:s6], [sflag:s4] =	dma.local [hbm:s3], $0xF7A  }
0x26: {  	[smem:$0x3F99] =	sst s1;
	(tag) =	ssettag s2;
	_ =	strace s9  }
0x27: {  	s1 =	sld [smem:$0x3FA9]  }
0x28: {  	s2 =	sld [smem:$0x3FAA]  }
0x29: {  	s4 =	sld [smem:$0x3FAC]  }
0x2a: {  	p0 =	seq.s32 s5, $0x0;
	s5 =	sld [smem:$0x3FAD]  }
0x2b: {  	s6 =	sld [smem:$0x3FAE]  }
0x2c: {  	s7 =	sld [smem:$0x3FAF]  }
0x2d: {  	s3 =	simm.s32 $0x108;
	s8 =	sld [smem:$0x3FB0]  }
0x2e: {  	s3 =	simm.s32 @!p0 $0x1082;
	s9 =	sld [smem:$0x3FB1]  }
0x2f: {  	lr =	sadd.s32 s0, s3;
	s0 =	sld [smem:$0x3FA8]  }
0x30: {  	s3 =	sld [smem:$0x3FAB]  }
0x31: {  	[smem:$0x3FB4] =	sst s10  }
0x32: {  	s10 =	sld [smem:$0x3FB2];
	_ =	sdelay $0x3  }
0x33: {  	p0 =	seq.s32 s10, $0x1;
	s10 =	sld [smem:$0x3FB4];
	_ =	sdelay $0x3  }
0x34: {  	[smem:$0x3FB4] =	sst s10  }
0x35: {  	s10 =	sld [smem:$0x3FB3];
	_ =	sdelay $0x3  }
0x36: {  	p1 =	seq.s32 s10, $0x1;
	s10 =	sld [smem:$0x3FB4];
	_ =	sdelay $0x3  }
0x37: {  	[smem:$0x3FB4] =	sst s10  }
0x38: {  	s10 =	sld [smem:$0x3FB5]  }
0x39: {  	_ = 	snop;
	(pc) =	sbr.ind lr, $3  }
0x3a: {  	_ = 	snop  }
0x3b: {  	_ = 	snop  }
0x3c: {  	p2 =	seq.s32 s10, $0x1;
	s10 =	sld [smem:$0x3FB4]  }
0x3d: {  	_ =	shalt  }
0x3e: {  	_ =	shalt  }
0x3f: {  	_ =	shalt  }
0x40: {  	_ =	shalt  }
0x41: {  	_ =	shalt  }
0x42: {  	_ =	shalt  }
0x43: {  	_ =	shalt  }
0x44: {  	_ =	shalt  }
0x45: {  	_ =	shalt  }
0x46: {  	_ =	shalt  }
0x47: {  	_ =	shalt  }
0x48: {  	_ =	shalt  }
0x49: {  	_ =	shalt  }
0x4a: {  	_ =	shalt  }
0x4b: {  	_ =	shalt  }
0x4c: {  	_ =	shalt  }
0x4d: {  	_ =	shalt  }
0x4e: {  	_ =	shalt  }
0x4f: {  	_ =	shalt  }
0x50: {  	_ =	shalt  }
0x51: {  	_ =	shalt  }
0x52: {  	_ =	shalt  }
0x53: {  	_ =	shalt  }
0x54: {  	_ =	shalt  }
0x55: {  	_ =	shalt  }
0x56: {  	_ =	shalt  }
0x57: {  	_ =	shalt  }
0x58: {  	_ =	shalt  }
0x59: {  	_ =	shalt  }
0x5a: {  	_ =	shalt  }
0x5b: {  	_ =	shalt  }
0x5c: {  	_ =	shalt  }
0x5d: {  	_ =	shalt  }
0x5e: {  	_ =	shalt  }
0x5f: {  	_ =	shalt  }
0x60: {  	_ =	shalt  }
0x61: {  	_ =	shalt  }
0x62: {  	_ =	shalt  }
0x63: {  	_ =	shalt  }
0x64: {  	_ =	shalt  }
0x65: {  	_ =	shalt  }
0x66: {  	_ =	shalt  }
0x67: {  	_ =	shalt  }
0x68: {  	_ =	shalt  }
0x69: {  	_ =	shalt  }
0x6a: {  	_ =	shalt  }
0x6b: {  	_ =	shalt  }
0x6c: {  	_ =	shalt  }
0x6d: {  	_ =	shalt  }
0x6e: {  	_ =	shalt  }
0x6f: {  	_ =	shalt  }
0x70: {  	_ =	shalt  }
0x71: {  	_ =	shalt  }
0x72: {  	_ =	shalt  }
0x73: {  	_ =	shalt  }
0x74: {  	_ =	shalt  }
0x75: {  	_ =	shalt  }
0x76: {  	_ =	shalt  }
0x77: {  	_ =	shalt  }
0x78: {  	_ =	shalt  }
0x79: {  	_ =	shalt  }
0x7a: {  	_ =	shalt  }
0x7b: {  	_ =	shalt  }
0x7c: {  	_ =	shalt  }
0x7d: {  	_ =	shalt  }
0x7e: {  	_ =	shalt  }
0x7f: {  	_ =	shalt  }
0x80: {  	_ =	shalt  }
0x81: {  	_ =	shalt  }
0x82: {  	_ =	shalt  }
0x83: {  	_ =	shalt  }
0x84: {  	_ =	shalt  }
0x85: {  	_ =	shalt  }
0x86: {  	_ =	shalt  }
0x87: {  	_ =	shalt  }
.Lfunc_end0:
.L_simem_size_0:
called_computation.1_lowered:
.L_overlay_start_0:
0x88: {  	s2 =	sld [smem:$0x3FD9]  }
0x89: {  	s3 =	sld [smem:$0x3FFE];
	_ =	sdelay $0x1  }
0x8a: {  	s1 =	srdreg.scid  }
0x8b: {  	s0 =	sand.u32 $0x1, s1  }
0x8c: {  	s17 =	sshll.u32 s0, $0xA;
	s2 =	sadd.s32 s3, s2  }
0x8d: {  	s2 =	sadd.s32 s2, s17  }
0x8e: {  	[smem:$0x3FC0] =	sst s2  }
0x8f: {  	_ = 	snop  }
0x90: {  	s2 =	sld [smem:$0x3FD0];
	(tm) =	ssettm $0x1  }
0x91: {  	s18 =	sld [smem:$0x3FFB];
	_ =	sdelay $0x3  }
0x92: {  	_ =	strace s18  }
0x93: {  	s3 =	sld [smem:$0x3FFC];
	_ =	sdelay $0x3  }
0x94: {  	_ =	strace s3  }
0x95: {  	s3 =	sld [smem:$0x3FFD];
	_ =	sdelay $0x3  }
0x96: {  	_ =	strace s3  }
0x97: {  	_ =	strace $0x8FFFFFFF  }
0x98: {  	s19 =	sld [smem:$0x3FDB];
	_ =	sdelay $0x1  }
0x99: {  	s4 =	simm.s32 $_scs_section_size  }
0x9a: {  	s5 =	simm.s32 $_size__tile_overlayer_lowered;
	s6 =	simm.s32 $_tile_overlayer_lowered  }
0x9b: {  	s22 =	simm.s32 $0x1BFF;
	s21 =	sshll.u32 s6, $0x1;
	s3 =	sadd.s32 s4, s19  }
0x9c: {  	s7 =	simm.s32 $0x0;
	s20 =	sshll.u32 s5, $0x1;
	s5 =	sadd.s32 s21, s3  }
0x9d: {  	[timem:s7], [sflag:s22] =	dma.local [hbm:s5], s20  }
0x9e: {  	_ =	swait.ge [sflag:s22], s20  }
0x9f: {  	s4 =	ssub.s32 $0x0, s20;
	[sflag:s22] =	ssyncset.done $0x0  }
0xa0: {  	[sflag:s22] =	ssyncadd.s32 s4;
	_ =	sdelay $0x1  }
0xa1: {  	s23 =	simm.s32 $0x1B8B  }
0xa2: {  	_ =	swait.ge [sflag:s23], $0x1  }
0xa3: {  	[sflag:s23] =	ssyncset.done $0x0  }
0xa4: {  	s25 =	simm.s32 $0x1B8E;
	s24 =	sld [smem:$0x3FFE];
	[sflag:s23] =	ssyncadd.s32 $0xFFFFFFFF  }
0xa5: {  	s26 =	simm.s32 $execute0_lowered;
	[smem:$0x3FD2] =	sst s25  }
0xa6: {  	s5 =	sshll.u32 s26, $0x1;
	_ =	strace $0x80000049;
	[dreg:$0x1] =	wrdreg $0xFFFFFFFF  }
0xa7: {  	s28 =	simm.s32 $_size_execute0_lowered;
	s3 =	sadd.s32 s3, s5;
	[dreg:$0x0] =	wrdreg $0x0  }
0xa8: {  	s5 =	sshll.u32 s28, $0x1;
	[dreg:$0x2] =	wrdreg s3  }
0xa9: {  	[dreg:$0x3] =	wrdreg s5  }
0xaa: {  	[dreg:$0x4] =	wrdreg $0xC0  }
0xab: {  	_ =	task [dreg:s7], $0x5FFFF  }
0xac: {  	[dreg:$0x1] =	wrdreg $0xFFFFFFFF  }
0xad: {  	[dreg:$0x0] =	wrdreg $0x60  }
0xae: {  	[dreg:$0x2] =	wrdreg s24  }
0xaf: {  	[dreg:$0x3] =	wrdreg s2  }
0xb0: {  	[dreg:$0x4] =	wrdreg $0xB8000  }
0xb1: {  	[dreg:$0x5] =	wrdreg $0x9  }
0xb2: {  	_ =	task.clear_ibuf [dreg:s7], $0x6FFFF;
	_ =	strace $0x90000049  }
0xb3: {  	s29 =	simm.s32 $0x9;
	_ =	strace $0x8000004B  }
0xb4: {  	_ =	swait.ge [sflag:s29], $0x1  }
0xb5: {  	[sflag:s29] =	ssyncadd.s32 $0xFFFFFFFF  }
0xb6: {  	_ =	strace $0x9000004B  }
0xb7: {  	_ =	sfence  }
0xb8: {  	s30 =	sld [smem:$0x0];
	_ =	sdelay $0x2  }
0xb9: {  	s31 =	sshll.u32 s1, $0xD;
	s1 =	sshrl.u32 s1, $0x2  }
0xba: {  	s3 =	sand.u32 $0x4000, s31;
	s1 =	sadd.s32 s1, s30  }
0xbb: {  	s0 =	sor.u32 s3, s0;
	s1 =	sshll.u32 s1, $0x11  }
0xbc: {  	s0 =	sor.u32 s1, s0  }
0xbd: {  	s0 =	sadd.s32 $0x8F2B, s0  }
0xbe: {  	[sflag:s0] =	ssyncadd.remote.s32 $0x1  }
0xbf: {  	_ =	sfence.sel $0xFFFF  }
0xc0: {  	[dreg:$0x0] =	wrdreg $0xFFFFFFFF;
	(pc) =	sbr.abs _section_cstart, $3  }
0xc1: {  	[dreg:$0x1] =	wrdreg $0xFFFFFFFF  }
0xc2: {  	_ =	task.clear_ibuf [dreg:s7], $0x2FFFF;
	_ =	strace $0x9FFFFFFF  }
0xc3: {  	(tm) =	ssettm $0x7FFFFFFF  }
tec
execute0_lowered:
.L_overlay_start_1:
0x0: {  	(tag) =	ssettag $0x1  }
0x1: {  	s0 =	rddreg [dreg:$0x0]  }
0x2: {  	s1 =	rddreg [dreg:$0x1]  }
0x3: {  	s2 =	rddreg [dreg:$0x2];
	s3 =	srdreg.scid  }
0x4: {  	s5 =	simm.s32 $0x0;
	s10 =	stileid.u32;
	s3 =	sand.u32 $0x1, s3  }
0x5: {  	[smem:$0x7FF] =	sst s5;
	s6 =	smul.u32 $0x14000, s10;
	s5 =	sadd.s32 $0x16800, s0  }
0x6: {  	s4 =	smul.u32 $0x140000, s3;
	s7 =	sshll.u32 s3, $0x4;
	s3 =	ssub.s32 $0x2, s3  }
0x7: {  	s7 =	sor.u32 s10, s7;
	s9 =	sshrl.u32 s3, $0x1;
	s10 =	smul.u32 $0x50000, s10  }
0x8: {  	_ =	strace $0x8000004A;
	s8 =	smul.u32 $0xA00, s7;
	s3 =	ssub.s32 s3, s9  }
0x9: {  	s4 =	sadd.s32 s6, s4;
	s6 =	sadd.s32 $0x2800, s0;
	s16 =	smax.u32 s3, $0x1  }
0xa: {  	s4 =	sshrl.u32 s4, $0x3;
	s11 =	sadd.s32 s1, s8;
	[dreg:$0x9] =	wrdreg s16  }
0xb: {  	s13 =	sor.u32 $0x100, s8;
	s8 =	sadd.s32 s6, s8;
	[dreg:$0x4] =	wrdreg s11  }
0xc: {  	s12 =	sshrl.u32 s10, $0x2;
	[dreg:$0x5] =	wrdreg s8;
	s14 =	sadd.s32 s1, s13  }
0xd: {  	s0 =	sadd.s32 s4, s0;
	s15 =	sadd.s32 s6, s13;
	[dreg:$0x6] =	wrdreg s14  }
0xe: {  	s9 =	sadd.s32 s12, s2;
	s0 =	sadd.s32 $0x3E800, s0;
	[dreg:$0x7] =	wrdreg s15  }
0xf: {  	s17 =	sadd.s32 $0x800, s9;
	[dreg:$0x8] =	wrdreg s0  }
0x10: {  	s18 =	sadd.s32 $0x1000, s9;
	[dreg:$0xa] =	wrdreg s17  }
0x11: {  	s19 =	sadd.s32 $0x1800, s9;
	[dreg:$0xb] =	wrdreg s18  }
0x12: {  	s20 =	sadd.s32 $0x2000, s9;
	[dreg:$0xc] =	wrdreg s19  }
0x13: {  	s21 =	sadd.s32 $0x2800, s9;
	[dreg:$0xd] =	wrdreg s20  }
0x14: {  	s22 =	sadd.s32 $0x3000, s9;
	[dreg:$0xe] =	wrdreg s21  }
0x15: {  	s23 =	sadd.s32 $0x3800, s9;
	[dreg:$0xf] =	wrdreg s22  }
0x16: {  	s24 =	sadd.s32 $0x4000, s9;
	[dreg:$0x10] =	wrdreg s23  }
0x17: {  	s25 =	sadd.s32 $0x4800, s9;
	[dreg:$0x11] =	wrdreg s24  }
0x18: {  	s26 =	sadd.s32 $0x5000, s9;
	[dreg:$0x12] =	wrdreg s25  }
0x19: {  	s3 =	sadd.s32 $0x5800, s9;
	[dreg:$0x13] =	wrdreg s26  }
0x1a: {  	s4 =	sadd.s32 $0x6000, s9;
	[dreg:$0x14] =	wrdreg s3  }
0x1b: {  	s12 =	smul.u32 $0x5000, s7;
	s7 =	sadd.s32 $0x6800, s9;
	[dreg:$0x15] =	wrdreg s4  }
0x1c: {  	s8 =	sadd.s32 $0x7000, s9;
	[dreg:$0x16] =	wrdreg s7  }
0x1d: {  	s10 =	sadd.s32 $0x7800, s9;
	[dreg:$0x17] =	wrdreg s8  }
0x1e: {  	s11 =	sadd.s32 $0x8000, s9;
	[dreg:$0x18] =	wrdreg s10  }
0x1f: {  	s13 =	sadd.s32 $0x8800, s9;
	[dreg:$0x19] =	wrdreg s11  }
0x20: {  	s16 =	sadd.s32 $0xA000, s9;
	[dreg:$0x1a] =	wrdreg s13  }
0x21: {  	s14 =	sadd.s32 $0x9000, s9;
	[dreg:$0x1d] =	wrdreg s16  }
0x22: {  	s15 =	sadd.s32 $0x9800, s9;
	[dreg:$0x1b] =	wrdreg s14  }
0x23: {  	s17 =	sadd.s32 $0xA800, s9;
	[dreg:$0x1c] =	wrdreg s15  }
0x24: {  	s18 =	sadd.s32 $0xB000, s9;
	[dreg:$0x1e] =	wrdreg s17  }
0x25: {  	s30 =	simm.s32 $0xB000;
	s19 =	sadd.s32 $0xB800, s9;
	[dreg:$0x1f] =	wrdreg s18  }
0x26: {  	s31 =	simm.s32 $0x2;
	s20 =	sadd.s32 $0xC000, s9;
	[smem:$0x7F6] =	sst s19  }
0x27: {  	s28 =	sadd.s32 $0x13000, s9;
	s21 =	sadd.s32 $0xC800, s9;
	[smem:$0x7F7] =	sst s20  }
0x28: {  	s29 =	sadd.s32 $0x13800, s9;
	s22 =	sadd.s32 $0xD000, s9;
	[smem:$0x7F8] =	sst s21  }
0x29: {  	s23 =	sadd.s32 $0xD800, s9;
	s24 =	sadd.s32 $0xE000, s9;
	[smem:$0x7F9] =	sst s22  }
0x2a: {  	s25 =	sadd.s32 $0xE800, s9;
	s26 =	sadd.s32 $0xF000, s9;
	[smem:$0x7FA] =	sst s23  }
.Ltmp0:
0x2b: {  	s0 =	simm.s32 $0x3;
	[smem:$0x7FB] =	sst s24;
	(pc) =	sbr.rel .LBB2_1-.Ltmp0, $4  }
0x2c: {  	s3 =	simm.s32 $0x40;
	s4 =	simm.s32 $0x1;
	[smem:$0x7FC] =	sst s25  }
0x2d: {  	s7 =	simm.s32 $0x0;
	[smem:$0x7FD] =	sst s26;
	s20 =	sadd.s32 $0xF800, s9  }
0x2e: {  	s21 =	sadd.s32 $0x10000, s9;
	s22 =	sadd.s32 $0x10800, s9;
	s23 =	sadd.s32 $0x11000, s9  }
0x2f: {  	v0 =	vimm.f32 $0.0e+00;
	s24 =	sadd.s32 $0x11800, s9;
	s25 =	sadd.s32 $0x12000, s9;
	s26 =	sadd.s32 $0x12800, s9  }
.LBB2_9:
0x30: {  	_ =	swait.ge [sflag:s31], $0x2000  }
0x31: {  	[sflag:s31] =	ssyncset.done $0x0  }
0x32: {  	[sflag:s31] =	ssyncadd.s32 $0xFFFFE000  }
0x33: {  	_ =	swait.ge [sflag:s31], $0x2000  }
0x34: {  	[sflag:s31] =	ssyncset.done $0x0  }
0x35: {  	[sflag:s31] =	ssyncadd.s32 $0xFFFFE000  }
0x36: {  	_ =	swait.ge [sflag:s31], $0x2000  }
0x37: {  	[sflag:s31] =	ssyncset.done $0x0  }
0x38: {  	[sflag:s31] =	ssyncadd.s32 $0xFFFFE000  }
0x39: {  	_ =	swait.ge [sflag:s31], $0x2000  }
0x3a: {  	[sflag:s31] =	ssyncset.done $0x0  }
0x3b: {  	s8 =	stileid.u32;
	[sflag:s31] =	ssyncadd.s32 $0xFFFFE000  }
0x3c: {  	s8 =	sshll.u32 s8, $0x6;
	[bflag:$0x0] =	sbarrier.arrive $0xFFFF  }
0x3d: {  	s10 =	sshrl.u32 s9, $0x3;
	s8 =	sor.u32 $0x1C02, s8;
	s11 =	rddreg [dreg:$0x8]  }
0x3e: {  	[hbm:s11], [sflag:s8] =	dma.local [spmem:s10], $0x2800  }
0x3f: {  	_ =	swait.ge [sflag:s31], $0x2800  }
0x40: {  	s7 =	sadd.s32 $0x1, s7;
	s19 =	rddreg [dreg:$0x9]  }
0x41: {  	p0 =	sne.s32 s7, s19  }
.Ltmp1:
0x42: {  	_ = 	snop;
	(pc) =	sbr.rel @!p0 .LBB2_10-.Ltmp1, $3  }
0x43: {  	_ =	sdelay $0x1  }
0x44: {  	[sflag:s31] =	ssyncset.done $0x0  }
0x45: {  	[sflag:s31] =	ssyncadd.s32 $0xFFFFD800  }
.LBB2_1:
0x46: {  	s8 =	simm.s32 $0x0;
	s10 =	rddreg [dreg:$0x4]  }
0x47: {  	[tilespmem:s8], [sflag:$0x3] =	stream.linear.gather [hbm4b:s10+s8], $0x800, $0x38;
	[tilespmem:$0x1F800] =	vst v63  }
0x48: {  	s19 =	rddreg [dreg:$0x5];
	s11 =	simm.s32 $0x1800  }
0x49: {  	[tilespmem:s11], [sflag:$0x3] =	stream.linear.gather [hbm4b:s19+s8], $0x800, $0x38;
	[tilespmem:$0x1F800] =	vst v63  }
0x4a: {  	s10 =	simm.s32 $0x200;
	s8 =	simm.s32 $0x0  }
.LBB2_2:
0x4b: {  	p0 =	sne.s32 s10, $0x1E00;
	[tilespmem:s8+$0xB070] =	vst v0  }
0x4c: {  	[tilespmem:s8+$0xB000] =	vst v0  }
0x4d: {  	[tilespmem:s8+$0xB010] =	vst v0  }
.Ltmp2:
0x4e: {  	[tilespmem:s8+$0xB020] =	vst v0;
	(pc) =	sbr.rel @p0 .LBB2_2-.Ltmp2, $4  }
0x4f: {  	[tilespmem:s8+$0xB030] =	vst v0  }
0x50: {  	[tilespmem:s8+$0xB040] =	vst v0  }
0x51: {  	[tilespmem:s8+$0xB050] =	vst v0  }
0x52: {  	[tilespmem:s8+$0xB060] =	vst v0;
	s8 =	sshra.s32 s10, $0x2;
	s10 =	sadd.s32 $0x200, s10  }
0x53: {  	[tilespmem:s8+$0xB070] =	vst v0  }
0x54: {  	[tilespmem:s8+$0xB000] =	vst v0  }
0x55: {  	[tilespmem:s8+$0xB010] =	vst v0  }
0x56: {  	[tilespmem:s8+$0xB020] =	vst v0  }
0x57: {  	[tilespmem:s8+$0xB030] =	vst v0  }
0x58: {  	[tilespmem:s8+$0xB040] =	vst v0  }
0x59: {  	[tilespmem:s8+$0xB050] =	vst v0  }
0x5a: {  	[tilespmem:s8+$0xB060] =	vst v0;
	s17 =	rddreg [dreg:$0xa]  }
0x5b: {  	[spmem:s9] =	stream.linear.scatter [tilespmem:s30], [sflag:$0x2], $0x800, $0x38;
	[tilespmem:$0x1F800] =	vst v63  }
0x5c: {  	s18 =	rddreg [dreg:$0xb]  }
0x5d: {  	[spmem:s17] =	stream.linear.scatter [tilespmem:s30], [sflag:$0x2], $0x800, $0x38;
	[tilespmem:$0x1F800] =	vst v63  }
0x5e: {  	s19 =	rddreg [dreg:$0xc]  }
0x5f: {  	[spmem:s18] =	stream.linear.scatter [tilespmem:s30], [sflag:$0x2], $0x800, $0x38;
	[tilespmem:$0x1F800] =	vst v63  }
0x60: {  	s10 =	rddreg [dreg:$0xd]  }
0x61: {  	[spmem:s19] =	stream.linear.scatter [tilespmem:s30], [sflag:$0x2], $0x800, $0x38;
	[tilespmem:$0x1F800] =	vst v63  }
0x62: {  	s11 =	rddreg [dreg:$0xe]  }
0x63: {  	[spmem:s10] =	stream.linear.scatter [tilespmem:s30], [sflag:$0x2], $0x800, $0x38;
	[tilespmem:$0x1F800] =	vst v63  }
0x64: {  	s13 =	rddreg [dreg:$0xf]  }
0x65: {  	[spmem:s11] =	stream.linear.scatter [tilespmem:s30], [sflag:$0x2], $0x800, $0x38;
	[tilespmem:$0x1F800] =	vst v63  }
0x66: {  	s14 =	rddreg [dreg:$0x10]  }
0x67: {  	[spmem:s13] =	stream.linear.scatter [tilespmem:s30], [sflag:$0x2], $0x800, $0x38;
	[tilespmem:$0x1F800] =	vst v63  }
0x68: {  	s15 =	rddreg [dreg:$0x11]  }
0x69: {  	[spmem:s14] =	stream.linear.scatter [tilespmem:s30], [sflag:$0x2], $0x800, $0x38;
	[tilespmem:$0x1F800] =	vst v63  }
0x6a: {  	s16 =	rddreg [dreg:$0x12]  }
0x6b: {  	[spmem:s15] =	stream.linear.scatter [tilespmem:s30], [sflag:$0x2], $0x800, $0x38;
	[tilespmem:$0x1F800] =	vst v63  }
0x6c: {  	s17 =	rddreg [dreg:$0x13]  }
0x6d: {  	[spmem:s16] =	stream.linear.scatter [tilespmem:s30], [sflag:$0x2], $0x800, $0x38;
	[tilespmem:$0x1F800] =	vst v63  }
0x6e: {  	s18 =	rddreg [dreg:$0x14]  }
0x6f: {  	[spmem:s17] =	stream.linear.scatter [tilespmem:s30], [sflag:$0x2], $0x800, $0x38;
	[tilespmem:$0x1F800] =	vst v63  }
0x70: {  	s19 =	rddreg [dreg:$0x15]  }
0x71: {  	[spmem:s18] =	stream.linear.scatter [tilespmem:s30], [sflag:$0x2], $0x800, $0x38;
	[tilespmem:$0x1F800] =	vst v63  }
0x72: {  	s10 =	rddreg [dreg:$0x16]  }
0x73: {  	[spmem:s19] =	stream.linear.scatter [tilespmem:s30], [sflag:$0x2], $0x800, $0x38;
	[tilespmem:$0x1F800] =	vst v63  }
0x74: {  	s11 =	rddreg [dreg:$0x17]  }
0x75: {  	[spmem:s10] =	stream.linear.scatter [tilespmem:s30], [sflag:$0x2], $0x800, $0x38;
	[tilespmem:$0x1F800] =	vst v63  }
0x76: {  	s13 =	rddreg [dreg:$0x18]  }
0x77: {  	[spmem:s11] =	stream.linear.scatter [tilespmem:s30], [sflag:$0x2], $0x800, $0x38;
	[tilespmem:$0x1F800] =	vst v63  }
0x78: {  	s14 =	rddreg [dreg:$0x19]  }
0x79: {  	[spmem:s13] =	stream.linear.scatter [tilespmem:s30], [sflag:$0x2], $0x800, $0x38;
	[tilespmem:$0x1F800] =	vst v63  }
0x7a: {  	s15 =	rddreg [dreg:$0x1a]  }
0x7b: {  	[spmem:s14] =	stream.linear.scatter [tilespmem:s30], [sflag:$0x2], $0x800, $0x38;
	[tilespmem:$0x1F800] =	vst v63  }
0x7c: {  	s16 =	rddreg [dreg:$0x1b]  }
0x7d: {  	[spmem:s15] =	stream.linear.scatter [tilespmem:s30], [sflag:$0x2], $0x800, $0x38;
	[tilespmem:$0x1F800] =	vst v63  }
0x7e: {  	s17 =	rddreg [dreg:$0x1c]  }
0x7f: {  	[spmem:s16] =	stream.linear.scatter [tilespmem:s30], [sflag:$0x2], $0x800, $0x38;
	[tilespmem:$0x1F800] =	vst v63  }
0x80: {  	s18 =	rddreg [dreg:$0x1d]  }
0x81: {  	[spmem:s17] =	stream.linear.scatter [tilespmem:s30], [sflag:$0x2], $0x800, $0x38;
	[tilespmem:$0x1F800] =	vst v63  }
0x82: {  	s19 =	rddreg [dreg:$0x1e]  }
0x83: {  	[spmem:s18] =	stream.linear.scatter [tilespmem:s30], [sflag:$0x2], $0x800, $0x38;
	[tilespmem:$0x1F800] =	vst v63  }
0x84: {  	s10 =	rddreg [dreg:$0x1f]  }
0x85: {  	[spmem:s19] =	stream.linear.scatter [tilespmem:s30], [sflag:$0x2], $0x800, $0x38;
	[tilespmem:$0x1F800] =	vst v63  }
0x86: {  	s11 =	sld [smem:$0x7F6]  }
0x87: {  	[spmem:s10] =	stream.linear.scatter [tilespmem:s30], [sflag:$0x2], $0x800, $0x38;
	[tilespmem:$0x1F800] =	vst v63  }
0x88: {  	s13 =	sld [smem:$0x7F7]  }
0x89: {  	[spmem:s11] =	stream.linear.scatter [tilespmem:s30], [sflag:$0x2], $0x800, $0x38;
	[tilespmem:$0x1F800] =	vst v63  }
0x8a: {  	s14 =	sld [smem:$0x7F8]  }
0x8b: {  	[spmem:s13] =	stream.linear.scatter [tilespmem:s30], [sflag:$0x2], $0x800, $0x38;
	[tilespmem:$0x1F800] =	vst v63  }
0x8c: {  	s15 =	sld [smem:$0x7F9]  }
0x8d: {  	[spmem:s14] =	stream.linear.scatter [tilespmem:s30], [sflag:$0x2], $0x800, $0x38;
	[tilespmem:$0x1F800] =	vst v63  }
0x8e: {  	s16 =	sld [smem:$0x7FA]  }
0x8f: {  	[spmem:s15] =	stream.linear.scatter [tilespmem:s30], [sflag:$0x2], $0x800, $0x38;
	[tilespmem:$0x1F800] =	vst v63  }
0x90: {  	s17 =	sld [smem:$0x7FB]  }
0x91: {  	[spmem:s16] =	stream.linear.scatter [tilespmem:s30], [sflag:$0x2], $0x800, $0x38;
	[tilespmem:$0x1F800] =	vst v63  }
0x92: {  	s18 =	sld [smem:$0x7FC]  }
0x93: {  	[spmem:s17] =	stream.linear.scatter [tilespmem:s30], [sflag:$0x2], $0x800, $0x38;
	[tilespmem:$0x1F800] =	vst v63  }
0x94: {  	s19 =	sld [smem:$0x7FD]  }
0x95: {  	[spmem:s18] =	stream.linear.scatter [tilespmem:s30], [sflag:$0x2], $0x800, $0x38;
	[tilespmem:$0x1F800] =	vst v63  }
0x96: {  	_ = 	snop  }
0x97: {  	[spmem:s19] =	stream.linear.scatter [tilespmem:s30], [sflag:$0x2], $0x800, $0x38;
	[tilespmem:$0x1F800] =	vst v63  }
0x98: {  	_ = 	snop  }
0x99: {  	[spmem:s20] =	stream.linear.scatter [tilespmem:s30], [sflag:$0x2], $0x800, $0x38;
	[tilespmem:$0x1F800] =	vst v63  }
0x9a: {  	_ = 	snop  }
0x9b: {  	[spmem:s21] =	stream.linear.scatter [tilespmem:s30], [sflag:$0x2], $0x800, $0x38;
	[tilespmem:$0x1F800] =	vst v63  }
0x9c: {  	_ = 	snop  }
0x9d: {  	[spmem:s22] =	stream.linear.scatter [tilespmem:s30], [sflag:$0x2], $0x800, $0x38;
	[tilespmem:$0x1F800] =	vst v63  }
0x9e: {  	_ = 	snop  }
0x9f: {  	[spmem:s23] =	stream.linear.scatter [tilespmem:s30], [sflag:$0x2], $0x800, $0x38;
	[tilespmem:$0x1F800] =	vst v63  }
0xa0: {  	_ = 	snop  }
0xa1: {  	[spmem:s24] =	stream.linear.scatter [tilespmem:s30], [sflag:$0x2], $0x800, $0x38;
	[tilespmem:$0x1F800] =	vst v63  }
0xa2: {  	_ = 	snop  }
0xa3: {  	[spmem:s25] =	stream.linear.scatter [tilespmem:s30], [sflag:$0x2], $0x800, $0x38;
	[tilespmem:$0x1F800] =	vst v63  }
0xa4: {  	_ = 	snop  }
0xa5: {  	[spmem:s26] =	stream.linear.scatter [tilespmem:s30], [sflag:$0x2], $0x800, $0x38;
	[tilespmem:$0x1F800] =	vst v63  }
0xa6: {  	_ = 	snop  }
0xa7: {  	[spmem:s28] =	stream.linear.scatter [tilespmem:s30], [sflag:$0x2], $0x800, $0x38;
	[tilespmem:$0x1F800] =	vst v63  }
0xa8: {  	_ = 	snop  }
0xa9: {  	[spmem:s29] =	stream.linear.scatter [tilespmem:s30], [sflag:$0x2], $0x800, $0x38;
	[tilespmem:$0x1F800] =	vst v63  }
0xaa: {  	_ =	swait.ge [sflag:s31], $0x800  }
0xab: {  	s8 =	simm.s32 $0x27;
	[sflag:s31] =	ssyncset.done $0x0  }
.LBB2_4:
0xac: {  	p0 =	sne.s32 s8, $0x1;
	s8 =	sadd.s32 $0xFFFFFFFF, s8;
	[sflag:s31] =	ssyncadd.s32 $0xFFFFF800  }
.Ltmp3:
0xad: {  	(pc) =	sbr.rel @p0 .LBB2_4-.Ltmp3, $3  }
0xae: {  	_ =	sdelay $0x1  }
0xaf: {  	_ =	swait.ge [sflag:s31], $0x800  }
0xb0: {  	[sflag:s31] =	ssyncset.done $0x0  }
0xb1: {  	[sflag:s31] =	ssyncadd.s32 $0xFFFFF800  }
0xb2: {  	[bflag:$0x0] =	sbarrier.arrive $0xFFFF  }
0xb3: {  	_ =	swait.ge [sflag:s0], $0x800  }
0xb4: {  	[sflag:s0] =	ssyncset.done $0x0  }
0xb5: {  	[sflag:s0] =	ssyncadd.s32 $0xFFFFF800  }
0xb6: {  	_ =	swait.ge [sflag:s0], $0x800  }
0xb7: {  	s8 =	simm.s32 $0x0;
	[sflag:s0] =	ssyncset.done $0x0  }
0xb8: {  	s11 =	simm.s32 $0x800;
	s10 =	rddreg [dreg:$0x6];
	[sflag:s0] =	ssyncadd.s32 $0xFFFFF800  }
0xb9: {  	[tilespmem:s11], [sflag:$0x3] =	stream.linear.gather [hbm4b:s10+s8], $0x800, $0x38;
	[tilespmem:$0x1F800] =	vst v63  }
0xba: {  	s14 =	simm.s32 $0x2000;
	s13 =	rddreg [dreg:$0x7]  }
0xbb: {  	[tilespmem:s14], [sflag:$0x3] =	stream.linear.gather [hbm4b:s13+s8], $0x800, $0x38;
	[tilespmem:$0x1F800] =	vst v63  }
0xbc: {  	s15 =	simm.s32 $0x3000  }
0xbd: {  	[tilespmem:s15], [sflag:$0x1] =	stream.indirect.gather [hbm4b:s5+s3], $0x80, s8, s3, $0xb8;
	[tilespmem:$0x1F800] =	vst v63  }
.Ltmp4:
0xbe: {  	_ = 	snop;
	(pc) =	sbr.rel .LBB2_6-.Ltmp4, $4  }
0xbf: {  	s16 =	simm.s32 $0x80;
	s17 =	simm.s32 $0x5000;
	s18 =	simm.s32 $0x100  }
0xc0: {  	[tilespmem:s17], [sflag:$0x1] =	stream.indirect.gather [hbm4b:s5+s3], $0x80, s16, s3, $0xb8;
	[tilespmem:$0x1F800] =	vst v63  }
0xc1: {  	s19 =	simm.s32 $0x7000;
	s10 =	simm.s32 $0x18000;
	s11 =	simm.s32 $0x0  }
0xc2: {  	[tilespmem:s19], [sflag:$0x1] =	stream.indirect.gather [hbm4b:s5+s3], $0x80, s18, s3, $0xb8;
	[tilespmem:$0x1F800] =	vst v63  }
.LBB2_8:
0xc3: {  	s11 =	sadd.s32 $0x1, s11  }
0xc4: {  	p0 =	sne.s32 s11, $0xA0  }
.Ltmp5:
0xc5: {  	_ = 	snop;
	(pc) =	sbr.rel @!p0 .LBB2_9-.Ltmp5, $2  }
0xc6: {  	_ =	sdelay $0x2  }
0xc7: {  	s10 =	sadd.s32 $0x8000, s10;
	s8 =	sadd.s32 $0x200, s8  }
.LBB2_6:
0xc8: {  	s13 =	sshrl.u32 s11, $0x4  }
0xc9: {  	s14 =	smul.u32 $0xAB, s13;
	_ =	sdelay $0x1  }
0xca: {  	s14 =	sshrl.u32 s14, $0x9  }
0xcb: {  	s14 =	sand.u32 $0x7F, s14  }
0xcc: {  	s14 =	smul.u32 $0x3, s14  }
0xcd: {  	s19 =	sadd.s32 $0xFFFE8000, s10  }
0xce: {  	s15 =	sand.u32 $0x1E00, s8;
	p0 =	sgt.u32 s11, $0x9C;
	s13 =	ssub.s32 s13, s14  }
.Ltmp6:
0xcf: {  	_ =	swait.ge [sflag:s4], $0x2000;
	s13 =	sand.u32 $0xFF, s13;
	(pc) =	sbr.rel @p0 .LBB2_8-.Ltmp6, $4  }
0xd0: {  	s15 =	sshrl.u32 s15, $0x2;
	s14 =	sand.u32 $0x18000, s19;
	s13 =	sshll.u32 s13, $0xB  }
0xd1: {  	[sflag:s4] =	ssyncset.done $0x0;
	s14 =	sshrl.u32 s14, $0x2;
	s13 =	sor.u32 s15, s13  }
0xd2: {  	[sflag:s4] =	ssyncadd.s32 $0xFFFFE000;
	s14 =	sadd.s32 $0x3000, s14;
	s13 =	sadd.s32 $0x1800, s13  }
0xd3: {  	[spmem:s2] =	stream.indirect.scatter.add.f32 [tilespmem:s14], [sflag:$0x2], $0x80, s13, s3, $0xb8;
	[tilespmem:$0x1F800] =	vst v63  }
0xd4: {  	s13 =	sadd.s32 $0x3, s11;
	p0 =	seq.s32 s11, $0x0  }
0xd5: {  	s14 =	sand.u32 @!p0 $0xF, s13  }
0xd6: {  	p1 =	sne.s32 @!p0 s14, $0x0  }
0xd7: {  	p4 =	por p1, p0  }
0xd8: {  	s15 =	simm.s32 @!p0 $0x2;
	p2 =	sgt.u32 @!p4 s11, $0x8C  }
0xd9: {  	_ =	swait.ge @!p0 [sflag:s15], $0x2000;
	p3 =	por @!p0 p2, p1  }
0xda: {  	s13 =	sshrl.u32 @!p0 s13, $0x4;
	[sflag:s15] =	ssyncset.done @!p0 $0x0;
	p3 =	por p3, p0  }
0xdb: {  	[sflag:s15] =	ssyncadd.s32 @!p0 $0xFFFFE000;
	s15 =	simm.s32 @!p4 $0x3;
	s16 =	sadd.s32 @!p3 $0x1, s13  }
0xdc: {  	_ =	swait.ge @!p4 [sflag:s15], $0x800;
	s17 =	smul.u32 @!p3 $0xAB, s16  }
0xdd: {  	[sflag:s15] =	ssyncset.done @!p4 $0x0  }
0xde: {  	[sflag:s15] =	ssyncadd.s32 @!p4 $0xFFFFF800;
	s17 =	sshrl.u32 @!p3 s17, $0x9  }
0xdf: {  	_ =	swait.ge @!p4 [sflag:s15], $0x800;
	s17 =	sand.u32 @!p3 $0x7F, s17  }
0xe0: {  	[sflag:s15] =	ssyncset.done @!p4 $0x0;
	s17 =	smul.u32 @!p3 $0x3, s17  }
0xe1: {  	s18 =	sshll.u32 @!p3 s16, $0xB;
	[sflag:s15] =	ssyncadd.s32 @!p4 $0xFFFFF800  }
0xe2: {  	s15 =	sadd.s32 @!p3 s12, s18;
	s16 =	ssub.s32 @!p3 s16, s17;
	s17 =	smul.u32 @!p0 $0xAB, s13  }
0xe3: {  	s19 =	simm.s32 @!p3 $0x0;
	s15 =	sshrl.u32 @!p3 s15, $0x3;
	s16 =	sand.u32 @!p3 $0xFF, s16  }
0xe4: {  	s18 =	sadd.s32 @!p3 s1, s15;
	s16 =	sshll.u32 @!p3 s16, $0xB;
	s17 =	sshrl.u32 @!p0 s17, $0x9  }
0xe5: {  	[tilespmem:s16], [sflag:$0x3] =	stream.linear.gather @!p3 [hbm4b:s18+s19], $0x800, $0x38;
	[tilespmem:$0x1F800] =	vst v63  }
0xe6: {  	s15 =	sadd.s32 @!p3 s6, s15;
	s17 =	sand.u32 @!p0 $0x7F, s17;
	s16 =	sadd.s32 @!p3 $0x1800, s16  }
0xe7: {  	[tilespmem:s16], [sflag:$0x3] =	stream.linear.gather @!p3 [hbm4b:s15+s19], $0x800, $0x38;
	[tilespmem:$0x1F800] =	vst v63  }
0xe8: {  	p2 =	por @!p0 !p2, p1;
	s15 =	smul.u32 @!p0 $0x3, s17  }
0xe9: {  	p2 =	por !p2, p0  }
0xea: {  	p1 =	por !p1, p0;
	s19 =	simm.s32 @p2 $0x0;
	s13 =	ssub.s32 @!p0 s13, s15  }
.Ltmp7:
0xeb: {  	s14 =	smov.u32 @p1 s19;
	s13 =	simm.s32 @p0 $0x0;
	(pc) =	sbr.rel .LBB2_8-.Ltmp7, $4  }
0xec: {  	s19 =	sand.u32 $0x18000, s10;
	s14 =	simm.s32 @p0 $0x3;
	s13 =	sand.u32 $0xFF, s13  }
0xed: {  	s15 =	sshrl.u32 s19, $0x2;
	s14 =	sshll.u32 s14, $0x7;
	s13 =	sshll.u32 s13, $0xB  }
0xee: {  	s15 =	sadd.s32 $0x3000, s15;
	s13 =	sor.u32 s14, s13  }
0xef: {  	[tilespmem:s15], [sflag:$0x1] =	stream.indirect.gather [hbm4b:s5+s3], $0x80, s13, s3, $0xb8;
	[tilespmem:$0x1F800] =	vst v63  }
.LBB2_10:
0xf0: {  	_ =	sfence.sel $0x180000  }
0xf1: {  	[bflag:$0x0] =	sbarrier.arrive $0xFFFF  }
0xf2: {  	_ =	strace $0x9000004A  }
0xf3: {  	s0 =	stileid.u32;
	[bflag:$0x2] =	sbarrier.arrive $0xFFFF  }
0xf4: {  	p0 =	sne.s32 s0, $0x0;
	s0 =	rddreg [dreg:$0x3]  }
0xf5: {  	s0 =	sadd.s32 @!p0 $0x100000, s0  }
0xf6: {  	[sflag:s0] =	ssyncadd.tile.s32 @!p0 $0x1;
	_ =	shalt  }
.Lfunc_end2:
_tile_overlayer_lowered:
.L_overlay_start_2:
0xf7: {  	(tag) =	ssettag $0x2  }
0xf8: {  	s0 =	rddreg [dreg:$0x0];
	s2 =	stileid.u32  }
0xf9: {  	s1 =	rddreg [dreg:$0x1];
	p0 =	sne.s32 s2, $0x0  }
0xfa: {  	s3 =	rddreg [dreg:$0x2];
	[bflag:$0x3] =	sbarrier.arrive $0xFFFF;
	s2 =	simm.s32 @!p0 $0x1C04  }
0xfb: {  	[timem:s3], [sflag:s2] =	dma.local @!p0 [hbm:s0], s1  }
0xfc: {  	s0 =	simm.s32 @!p0 $0x4  }
0xfd: {  	_ =	swait.ge @!p0 [sflag:s0], s1  }
0xfe: {  	s1 =	ssub.s32 @!p0 $0x0, s1;
	[sflag:s0] =	ssyncset.done @!p0 $0x0  }
0xff: {  	[sflag:s0] =	ssyncadd.s32 @!p0 s1  }
0x100: {  	[bflag:$0x3] =	sbarrier.arrive $0xFFFF  }
0x101: {  	_ =	shalt  }

</sc_bundles>
